<compile_context>
chip_gen: v7x
topology: tpu7x:2x2x1
jax: 0.10.2.dev20260603
libtpu: 0.0.44.dev20260713+nightly
codegen_flags: <defaults>
</compile_context>

<pallas_src>
import functools

import jax
import jax.numpy as jnp
from jax import lax
from jax.experimental import pallas as pl
from jax.experimental.pallas import tpu as pltpu
from jax.experimental.pallas import tpu_sc as plsc

U = 25000
I = 25000
EMB = 32
E = 800000

P = 25088
NTAB = 2 * P
NSUB = 16
CHUNK = 128
NCHUNK = 392
EPT = CHUNK * NCHUNK
EPC = NSUB * EPT
ROWS_PT = P // NSUB
PAD_IDX = 25080
DEGW = 16
BLK = 56
NBLK = NCHUNK // BLK
NBUF = 8
DCH = 224
NDCH = ROWS_PT // DCH


def _sc_mesh():
    return plsc.VectorSubcoreMesh(core_axis_name="c", subcore_axis_name="s")


_SC_PARAMS = pltpu.CompilerParams(
    use_tc_tiling_on_sc=False, needs_layout_passes=False)


def _rsqrt16(d):
    i = plsc.bitcast(d, jnp.int32)
    i = jnp.int32(0x5F3759DF) - lax.shift_right_logical(i, 1)
    y = plsc.bitcast(i, jnp.float32)
    for _ in range(3):
        y = y * (1.5 - 0.5 * d * y * y)
    return y


@functools.partial(
    pl.kernel,
    out_type=pltpu.HBM((NTAB, DEGW), jnp.float32),
    mesh=_sc_mesh(),
    scratch_types=[
        pltpu.VMEM((NCHUNK, CHUNK), jnp.int32),
        pltpu.VMEM((CHUNK, DEGW), jnp.float32),
        pltpu.VMEM((DCH, DEGW), jnp.float32),
        pltpu.VMEM_SHARED((P, DEGW), jnp.float32),
        pltpu.SemaphoreType.DMA,
    ],
    compiler_params=_SC_PARAMS,
)
def _sc_degrees(rows_hbm, ones_hbm, zeros_hbm, out_hbm, ridx, ones_v, dchunk,
                deg_sh, sem):
    c = lax.axis_index("c")
    s = lax.axis_index("s")
    w = c * NSUB + s
    base = s * ROWS_PT
    pltpu.sync_copy(zeros_hbm.at[pl.ds(base, ROWS_PT)],
                    deg_sh.at[pl.ds(base, ROWS_PT)])
    pltpu.sync_copy(ones_hbm, ones_v)
    pltpu.sync_copy(rows_hbm.at[pl.ds(w * NCHUNK, NCHUNK)], ridx)
    plsc.subcore_barrier()

    def body(j, carry):
        pltpu.async_copy(ones_v, deg_sh.at[ridx.at[j]], sem, add=True)

        @pl.when(j >= 3)
        def _():
            pltpu.make_async_copy(ones_v, deg_sh.at[ridx.at[j]], sem).wait()

        return carry

    lax.fori_loop(0, NCHUNK, body, 0)
    for _ in range(3):
        pltpu.make_async_copy(ones_v, deg_sh.at[ridx.at[0]], sem).wait()
    plsc.subcore_barrier()

    def cchunk(i, carry):
        rl = base + i * DCH
        pltpu.sync_copy(deg_sh.at[pl.ds(rl, DCH)], dchunk)

        def rowf(r, carry2):
            dchunk[r, pl.ds(0, DEGW)] = _rsqrt16(dchunk[r, pl.ds(0, DEGW)])
            return carry2

        lax.fori_loop(0, DCH, rowf, 0)
        pltpu.sync_copy(dchunk, out_hbm.at[pl.ds(c * P + rl, DCH)])
        return carry

    lax.fori_loop(0, NDCH, cchunk, 0)


def _make_sc_layer(inv):
    @functools.partial(
        pl.kernel,
        out_type=[
            pltpu.HBM((NTAB, EMB), jnp.float32),
            pltpu.HBM((NTAB, EMB), jnp.float32),
        ],
        mesh=_sc_mesh(),
        scratch_types=[
            pltpu.VMEM((BLK, CHUNK), jnp.int32),
            pltpu.VMEM((BLK, CHUNK), jnp.int32),
            [pltpu.VMEM((CHUNK, EMB), jnp.float32) for _ in range(NBUF)],
            pltpu.VMEM((DCH, EMB), jnp.float32),
            pltpu.VMEM((DCH, DEGW), jnp.float32),
            pltpu.VMEM((DCH, EMB), jnp.float32),
            pltpu.VMEM_SHARED((P, EMB), jnp.float32),
            pltpu.SemaphoreType.DMA,
            pltpu.SemaphoreType.DMA,
        ],
        compiler_params=_SC_PARAMS,
    )
    def _sc_layer(s_hbm, prev_hbm, rows_hbm, cols_hbm, zeros_hbm,
                  reps_out, tmp_hbm,
                  ridx, cidx, gbufs, pbuf, dbuf, tbuf, acc_sh, sem, sem2):
        c = lax.axis_index("c")
        s = lax.axis_index("s")
        w = c * NSUB + s
        base = s * ROWS_PT
        own0 = c * P + base
        oth0 = (1 - c) * P + base
        pltpu.sync_copy(zeros_hbm.at[pl.ds(base, ROWS_PT)],
                        acc_sh.at[pl.ds(base, ROWS_PT)])

        def p1(i, carry):
            rg = oth0 + i * DCH
            pltpu.sync_copy(prev_hbm.at[pl.ds(rg, DCH)], pbuf)
            pltpu.sync_copy(s_hbm.at[pl.ds(rg, DCH)], dbuf)

            def rowf(h, carry2):
                for u in range(2):
                    r = h * 2 + u
                    sv = dbuf[r, pl.ds(0, 16)]
                    tbuf[r, pl.ds(0, 16)] = pbuf[r, pl.ds(0, 16)] * sv
                    tbuf[r, pl.ds(16, 16)] = pbuf[r, pl.ds(16, 16)] * sv
                return carry2

            lax.fori_loop(0, DCH // 2, rowf, 0)
            pltpu.sync_copy(tbuf, tmp_hbm.at[pl.ds(c * P + base + i * DCH, DCH)])
            return carry

        lax.fori_loop(0, NDCH, p1, 0)
        plsc.subcore_barrier()

        GA = NBUF - 2

        def blk_body(b, carry):
            off = w * NCHUNK + b * BLK
            pltpu.sync_copy(rows_hbm.at[pl.ds(off, BLK)], ridx)
            pltpu.sync_copy(cols_hbm.at[pl.ds(off, BLK)], cidx)
            for k in range(GA):
                pltpu.async_copy(tmp_hbm.at[cidx.at[k]], gbufs[k], sem)

            def grp_body(q, carry2):
                for k in range(NBUF):
                    j = q * NBUF + k
                    pltpu.make_async_copy(
                        tmp_hbm.at[cidx.at[j]], gbufs[k], sem).wait()
                    pltpu.async_copy(
                        gbufs[k], acc_sh.at[ridx.at[j]], sem2, add=True)

                    @pl.when(j >= 2)
                    def _():
                        pltpu.make_async_copy(
                            gbufs[k], acc_sh.at[ridx.at[j]], sem2).wait()

                    @pl.when(j + GA < BLK)
                    def _():
                        pltpu.async_copy(
                            tmp_hbm.at[cidx.at[j + GA]],
                            gbufs[(k + GA) % NBUF], sem)
                return carry2

            lax.fori_loop(0, BLK // NBUF, grp_body, 0)
            for _ in range(2):
                pltpu.make_async_copy(
                    gbufs[0], acc_sh.at[ridx.at[0]], sem2).wait()
            return carry

        lax.fori_loop(0, NBLK, blk_body, 0)
        plsc.subcore_barrier()

        def p3(i, carry):
            rl = base + i * DCH
            rg = own0 + i * DCH
            pltpu.sync_copy(acc_sh.at[pl.ds(rl, DCH)], pbuf)
            pltpu.sync_copy(s_hbm.at[pl.ds(rg, DCH)], dbuf)

            def rowf(h, carry2):
                for u in range(2):
                    r = h * 2 + u
                    sv = dbuf[r, pl.ds(0, 16)] * inv
                    tbuf[r, pl.ds(0, 16)] = pbuf[r, pl.ds(0, 16)] * sv
                    tbuf[r, pl.ds(16, 16)] = pbuf[r, pl.ds(16, 16)] * sv
                return carry2

            lax.fori_loop(0, DCH // 2, rowf, 0)
            pltpu.sync_copy(tbuf, reps_out.at[pl.ds(rg, DCH)])
            return carry

        lax.fori_loop(0, NDCH, p3, 0)

    return _sc_layer


_sc_layer1 = _make_sc_layer(0.5)
_sc_layer2 = _make_sc_layer(1.0 / 3.0)


TC_X = NTAB // 4
TC_BS = TC_X // 4
_TC_GRID = 4


def _tc_norm_body(acc_ref, reps_ref, seg_ref, out_ref):
    v = reps_ref[:]
    s2 = jnp.dot(v * v, seg_ref[:], preferred_element_type=jnp.float32,
                 precision=lax.Precision.HIGHEST)
    out_ref[:] = acc_ref[:] + v / jnp.maximum(jnp.sqrt(s2), 1e-12)


def _tc_norm(acc, reps, seg):
    out = pl.pallas_call(
        _tc_norm_body,
        grid=(_TC_GRID,),
        in_specs=[
            pl.BlockSpec((TC_BS, 128), lambda i: (i, 0)),
            pl.BlockSpec((TC_BS, 128), lambda i: (i, 0)),
            pl.BlockSpec((128, 128), lambda i: (0, 0)),
        ],
        out_specs=pl.BlockSpec((TC_BS, 128), lambda i: (i, 0)),
        out_shape=jax.ShapeDtypeStruct((TC_X, 128), jnp.float32),
    )(acc.reshape(TC_X, 128), reps.reshape(TC_X, 128), seg)
    return out.reshape(NTAB, EMB)


def _pad_edges(x):
    return jnp.concatenate(
        [x, jnp.full((EPC - E,), PAD_IDX, dtype=jnp.int32)])


def kernel(users_rep, items_rep, edge_index):
    src = edge_index[0].astype(jnp.int32)
    dst = edge_index[1].astype(jnp.int32)

    rows_w = jnp.concatenate([
        _pad_edges(src).reshape(NSUB * NCHUNK, CHUNK),
        _pad_edges(dst).reshape(NSUB * NCHUNK, CHUNK),
    ], axis=0)
    cols_w = jnp.concatenate([
        _pad_edges(dst).reshape(NSUB * NCHUNK, CHUNK),
        _pad_edges(src + P).reshape(NSUB * NCHUNK, CHUNK),
    ], axis=0)

    zpad = jnp.zeros((P - U, EMB), jnp.float32)
    reps0 = jnp.concatenate([users_rep, zpad, items_rep, zpad], axis=0)

    ones_hbm = jnp.ones((CHUNK, DEGW), jnp.float32)
    zeros_deg = jnp.zeros((P, DEGW), jnp.float32)
    zeros_tab = jnp.zeros((P, EMB), jnp.float32)

    seg = (jnp.arange(128)[:, None] // EMB
           == jnp.arange(128)[None, :] // EMB).astype(jnp.float32)

    s_tab = _sc_degrees(rows_w, ones_hbm, zeros_deg)

    reps1, _ = _sc_layer1(s_tab, reps0, rows_w, cols_w, zeros_tab)
    total1 = _tc_norm(reps0, reps1, seg)
    reps2, _ = _sc_layer2(s_tab, reps1, rows_w, cols_w, zeros_tab)
    total = _tc_norm(total1, reps2, seg)

    return total[:U], total[P:P + I]

# --- scband reference (transcript-rebuilt; emitter-appended) ---
"""Pipeline reference for scband-bmgae-81810537054267 (READ-ONLY COPY).

The authoritative reference and input builder live on the scoring server;
editing this copy changes nothing except your own understanding.
"""

import jax, jax.numpy as jnp
import numpy as np

NUM_USERS = 25000
NUM_ITEMS = 25000
EMB = 32
NUM_EDGES = 800000
LAYER_NUM = 2


def setup_inputs(seed: int = 0) -> dict:
    key = jax.random.key(seed)
    k1, k2, k3, k4 = jax.random.split(key, 4)
    # xavier_normal-like init for embedding parameters
    std_u = (2.0 / (NUM_USERS + EMB)) ** 0.5
    std_i = (2.0 / (NUM_ITEMS + EMB)) ** 0.5
    users_rep = jax.random.normal(k1, (NUM_USERS, EMB), dtype=jnp.float32) * std_u
    items_rep = jax.random.normal(k2, (NUM_ITEMS, EMB), dtype=jnp.float32) * std_i
    rows = jax.random.randint(k3, (NUM_EDGES,), 0, NUM_USERS, dtype=jnp.int64)
    cols = jax.random.randint(k4, (NUM_EDGES,), 0, NUM_ITEMS, dtype=jnp.int64)
    edge_index = jnp.stack([rows, cols], axis=0)
    return {"users_rep": users_rep, "items_rep": items_rep, "edge_index": edge_index}


def reference(users_rep, items_rep, edge_index):
    # Faithful JAX translation of BMGAE item-level graph_propagate (test path, no dropout):
    #   1. build symmetric bipartite block graph [[0, ui], [ui^T, 0]] as COO edges
    #   2. laplace_transform: D_row^{-1/2} A D_col^{-1/2}
    #   3. layer_num rounds of spmm, /(i+2), L2-normalize per layer, sum over layers
    U = users_rep.shape[0]
    I = items_rep.shape[0]
    N = U + I
    src = edge_index[0]
    dst = edge_index[1] + U
    rows = jnp.concatenate([src, dst], axis=0)
    cols = jnp.concatenate([dst, src], axis=0)
    ones = jnp.ones(rows.shape[0], dtype=jnp.float32)
    row_deg = jax.ops.segment_sum(ones, rows, num_segments=N)
    col_deg = jax.ops.segment_sum(ones, cols, num_segments=N)
    vals = (1.0 / (jnp.sqrt(row_deg[rows]) + 1e-08)) * (1.0 / (jnp.sqrt(col_deg[cols]) + 1e-08))

    reps = jnp.concatenate([users_rep, items_rep], axis=0)
    all_reps = [reps]
    for i in range(LAYER_NUM):
        # torch.spmm(graph, reps): gather + scatter-add
        msgs = vals[:, None] * reps[cols]
        reps = jax.ops.segment_sum(msgs, rows, num_segments=N)
        reps = reps / (i + 2)
        norm = jnp.linalg.norm(reps, axis=1, keepdims=True)
        all_reps.append(reps / jnp.maximum(norm, 1e-12))
    total = jnp.sum(jnp.stack(all_reps, axis=1), axis=1)
    item_level_users_rep = total[:U]
    item_level_items_rep = total[U:]
    return (item_level_users_rep, item_level_items_rep)

if __name__ == "__main__":
    import jax
    _d = setup_inputs()
    print(jax.jit(kernel)(*tuple(_d.values())))

</pallas_src>

<mosaic_0001>
#map = affine_map<(d0, d1) -> (0, 0)>
module attributes {stable_mosaic.version = 14 : i64} {
  func.func @_sc_layer(%arg0: i32, %arg1: i32, %arg2: memref<50176x16xf32, #tpu.memory_space<hbm>>, %arg3: memref<50176x32xf32, #tpu.memory_space<hbm>>, %arg4: memref<12544x128xi32, #tpu.memory_space<hbm>>, %arg5: memref<12544x128xi32, #tpu.memory_space<hbm>>, %arg6: memref<25088x32xf32, #tpu.memory_space<hbm>>, %arg7: memref<50176x32xf32, #tpu.memory_space<hbm>>, %arg8: memref<50176x32xf32, #tpu.memory_space<hbm>>, %arg9: memref<56x128xi32, #tpu.memory_space<vmem>>, %arg10: memref<56x128xi32, #tpu.memory_space<vmem>>, %arg11: memref<128x32xf32, #tpu.memory_space<vmem>>, %arg12: memref<128x32xf32, #tpu.memory_space<vmem>>, %arg13: memref<128x32xf32, #tpu.memory_space<vmem>>, %arg14: memref<128x32xf32, #tpu.memory_space<vmem>>, %arg15: memref<128x32xf32, #tpu.memory_space<vmem>>, %arg16: memref<128x32xf32, #tpu.memory_space<vmem>>, %arg17: memref<128x32xf32, #tpu.memory_space<vmem>>, %arg18: memref<128x32xf32, #tpu.memory_space<vmem>>, %arg19: memref<224x32xf32, #tpu.memory_space<vmem>>, %arg20: memref<224x16xf32, #tpu.memory_space<vmem>>, %arg21: memref<224x32xf32, #tpu.memory_space<vmem>>, %arg22: memref<25088x32xf32, #tpu.memory_space<vmem_shared>>, %arg23: memref<!tpu.dma_semaphore, #tpu.memory_space<semaphore_mem>>, %arg24: memref<!tpu.dma_semaphore, #tpu.memory_space<semaphore_mem>>) attributes {dimension_semantics = [#tpu.dimension_semantics<core_parallel>, #tpu.dimension_semantics<subcore_parallel>], iteration_bounds = array<i64: 2, 16>, scalar_prefetch = 0 : i64, scratch_operands = 16 : i64, tpu.core_type = #tpu.core_type<sc_vector_subcore>, window_params = [{transform_indices = #map}, {transform_indices = #map}, {transform_indices = #map}, {transform_indices = #map}, {transform_indices = #map}, {transform_indices = #map}, {transform_indices = #map}]} {
    %mul3A = arith.constant 16 : i32
    %mul3A_0 = arith.muli %arg0, %mul3A : i32
    %add3A = arith.addi %mul3A_0, %arg1 : i32
    %mul3A_1 = arith.constant 1568 : i32
    %mul3A_2 = arith.muli %arg1, %mul3A_1 : i32
    %mul3A_3 = arith.constant 25088 : i32
    %mul3A_4 = arith.muli %arg0, %mul3A_3 : i32
    %add3A_5 = arith.addi %mul3A_4, %mul3A_2 : i32
    %sub3A = arith.constant 1 : i32
    %sub3A_6 = arith.subi %sub3A, %arg0 : i32
    %mul3A_7 = arith.constant 25088 : i32
    %mul3A_8 = arith.muli %sub3A_6, %mul3A_7 : i32
    %add3A_9 = arith.addi %mul3A_8, %mul3A_2 : i32
    "tpu.region"() ({
      %run_scoped3A = tpu.sem_alloc : memref<!tpu.dma_semaphore, #tpu.memory_space<semaphore_mem>>
      %dma_start3A = arith.constant 0 : i32
      %dma_start3A_28 = tpu.memref_slice %arg22[%mul3A_2, %dma_start3A] : memref<25088x32xf32, #tpu.memory_space<vmem_shared>> -> memref<1568x32xf32, #tpu.memory_space<vmem_shared>>
      %dma_start3A_29 = arith.constant 0 : i32
      %dma_start3A_30 = tpu.memref_slice %arg6[%mul3A_2, %dma_start3A_29] : memref<25088x32xf32, #tpu.memory_space<hbm>> -> memref<1568x32xf32, #tpu.memory_space<hbm>>
      tpu.enqueue_dma source(%dma_start3A_30 : memref<1568x32xf32, #tpu.memory_space<hbm>>) target(%dma_start3A_28 : memref<1568x32xf32, #tpu.memory_space<vmem_shared>>) target_semaphore(%run_scoped3A : memref<!tpu.dma_semaphore, #tpu.memory_space<semaphore_mem>>)
      %dma_wait3A = arith.constant 0 : i32
      %dma_wait3A_31 = tpu.memref_slice %arg22[%mul3A_2, %dma_wait3A] : memref<25088x32xf32, #tpu.memory_space<vmem_shared>> -> memref<1568x32xf32, #tpu.memory_space<vmem_shared>>
      %dma_wait3A_32 = arith.constant 0 : i32
      %dma_wait3A_33 = tpu.memref_slice %arg6[%mul3A_2, %dma_wait3A_32] : memref<25088x32xf32, #tpu.memory_space<hbm>> -> memref<1568x32xf32, #tpu.memory_space<hbm>>
      tpu.wait_dma2 semaphore(%run_scoped3A : memref<!tpu.dma_semaphore, #tpu.memory_space<semaphore_mem>>) src(%dma_wait3A_33 : memref<1568x32xf32, #tpu.memory_space<hbm>>) dst(%dma_wait3A_31 : memref<1568x32xf32, #tpu.memory_space<vmem_shared>>)
      tpu.yield
    }) : () -> ()
    %scan3A = arith.constant 0 : i32
    %scan3A_10 = arith.constant 0 : i32
    %scan3A_11 = arith.constant 7 : i32
    %scan3A_12 = arith.addi %scan3A_10, %scan3A_11 : i32
    %scan3A_13 = arith.constant 1 : i32
    scf.for %scan3A_28 = %scan3A_10 to %scan3A_12 step %scan3A_13  : i32 {
      %mul3A_29 = arith.constant 224 : i32
      %mul3A_30 = arith.muli %scan3A_28, %mul3A_29 : i32
      %add3A_31 = arith.addi %add3A_9, %mul3A_30 : i32
      "tpu.region"() ({
        %run_scoped3A = tpu.sem_alloc : memref<!tpu.dma_semaphore, #tpu.memory_space<semaphore_mem>>
        %dma_start3A = arith.constant 0 : i32
        %dma_start3A_44 = tpu.memref_slice %arg3[%add3A_31, %dma_start3A] : memref<50176x32xf32, #tpu.memory_space<hbm>> -> memref<224x32xf32, #tpu.memory_space<hbm>>
        %dma_start3A_45 = arith.constant 0 : i32
        %dma_start3A_46 = tpu.memref_slice %arg3[%add3A_31, %dma_start3A_45] : memref<50176x32xf32, #tpu.memory_space<hbm>> -> memref<224x32xf32, #tpu.memory_space<hbm>>
        tpu.enqueue_dma source(%dma_start3A_46 : memref<224x32xf32, #tpu.memory_space<hbm>>) target(%arg19 : memref<224x32xf32, #tpu.memory_space<vmem>>) target_semaphore(%run_scoped3A : memref<!tpu.dma_semaphore, #tpu.memory_space<semaphore_mem>>)
        %dma_wait3A = arith.constant 0 : i32
        %dma_wait3A_47 = tpu.memref_slice %arg3[%add3A_31, %dma_wait3A] : memref<50176x32xf32, #tpu.memory_space<hbm>> -> memref<224x32xf32, #tpu.memory_space<hbm>>
        %dma_wait3A_48 = arith.constant 0 : i32
        %dma_wait3A_49 = tpu.memref_slice %arg3[%add3A_31, %dma_wait3A_48] : memref<50176x32xf32, #tpu.memory_space<hbm>> -> memref<224x32xf32, #tpu.memory_space<hbm>>
        tpu.wait_dma2 semaphore(%run_scoped3A : memref<!tpu.dma_semaphore, #tpu.memory_space<semaphore_mem>>) src(%dma_wait3A_49 : memref<224x32xf32, #tpu.memory_space<hbm>>) dst(%arg19 : memref<224x32xf32, #tpu.memory_space<vmem>>)
        tpu.yield
      }) : () -> ()
      "tpu.region"() ({
        %run_scoped3A = tpu.sem_alloc : memref<!tpu.dma_semaphore, #tpu.memory_space<semaphore_mem>>
        %dma_start3A = arith.constant 0 : i32
        %dma_start3A_44 = tpu.memref_slice %arg2[%add3A_31, %dma_start3A] : memref<50176x16xf32, #tpu.memory_space<hbm>> -> memref<224x16xf32, #tpu.memory_space<hbm>>
        %dma_start3A_45 = arith.constant 0 : i32
        %dma_start3A_46 = tpu.memref_slice %arg2[%add3A_31, %dma_start3A_45] : memref<50176x16xf32, #tpu.memory_space<hbm>> -> memref<224x16xf32, #tpu.memory_space<hbm>>
        tpu.enqueue_dma source(%dma_start3A_46 : memref<224x16xf32, #tpu.memory_space<hbm>>) target(%arg20 : memref<224x16xf32, #tpu.memory_space<vmem>>) target_semaphore(%run_scoped3A : memref<!tpu.dma_semaphore, #tpu.memory_space<semaphore_mem>>)
        %dma_wait3A = arith.constant 0 : i32
        %dma_wait3A_47 = tpu.memref_slice %arg2[%add3A_31, %dma_wait3A] : memref<50176x16xf32, #tpu.memory_space<hbm>> -> memref<224x16xf32, #tpu.memory_space<hbm>>
        %dma_wait3A_48 = arith.constant 0 : i32
        %dma_wait3A_49 = tpu.memref_slice %arg2[%add3A_31, %dma_wait3A_48] : memref<50176x16xf32, #tpu.memory_space<hbm>> -> memref<224x16xf32, #tpu.memory_space<hbm>>
        tpu.wait_dma2 semaphore(%run_scoped3A : memref<!tpu.dma_semaphore, #tpu.memory_space<semaphore_mem>>) src(%dma_wait3A_49 : memref<224x16xf32, #tpu.memory_space<hbm>>) dst(%arg20 : memref<224x16xf32, #tpu.memory_space<vmem>>)
        tpu.yield
      }) : () -> ()
      %scan3A_32 = arith.constant 0 : i32
      %scan3A_33 = arith.constant 0 : i32
      %scan3A_34 = arith.constant 112 : i32
      %scan3A_35 = arith.addi %scan3A_33, %scan3A_34 : i32
      %scan3A_36 = arith.constant 1 : i32
      scf.for %scan3A_44 = %scan3A_33 to %scan3A_35 step %scan3A_36  : i32 {
        %mul3A_45 = arith.constant 2 : i32
        %mul3A_46 = arith.muli %scan3A_44, %mul3A_45 : i32
        %add3A_47 = arith.constant 0 : i32
        %add3A_48 = arith.addi %mul3A_46, %add3A_47 : i32
        %get3A = arith.index_cast %add3A_48 : i32 to index
        %get3A_49 = arith.constant 0 : index
        %get3A_50 = tpu.vector_load %arg20[%get3A, %get3A_49] {strides = array<i32>} : memref<224x16xf32, #tpu.memory_space<vmem>>, vector<16xf32>,
        %get3A_51 = arith.index_cast %add3A_48 : i32 to index
        %get3A_52 = arith.constant 0 : index
        %get3A_53 = tpu.vector_load %arg19[%get3A_51, %get3A_52] {strides = array<i32>} : memref<224x32xf32, #tpu.memory_space<vmem>>, vector<16xf32>,
        %mul3A_54 = arith.mulf %get3A_53, %get3A_50 : vector<16xf32>
        %swap3A = arith.index_cast %add3A_48 : i32 to index
        %swap3A_55 = arith.constant 0 : index
        %swap3A_56 = tpu.vector_load %arg21[%swap3A, %swap3A_55] {strides = array<i32>} : memref<224x32xf32, #tpu.memory_space<vmem>>, vector<16xf32>,
        tpu.vector_store %arg21[%swap3A, %swap3A_55], %mul3A_54 {strides = array<i32>} : memref<224x32xf32, #tpu.memory_space<vmem>>, vector<16xf32>,
        %get3A_57 = arith.index_cast %add3A_48 : i32 to index
        %get3A_58 = arith.constant 16 : index
        %get3A_59 = tpu.vector_load %arg19[%get3A_57, %get3A_58] {strides = array<i32>} : memref<224x32xf32, #tpu.memory_space<vmem>>, vector<16xf32>,
        %mul3A_60 = arith.mulf %get3A_59, %get3A_50 : vector<16xf32>
        %swap3A_61 = arith.index_cast %add3A_48 : i32 to index
        %swap3A_62 = arith.constant 16 : index
        %swap3A_63 = tpu.vector_load %arg21[%swap3A_61, %swap3A_62] {strides = array<i32>} : memref<224x32xf32, #tpu.memory_space<vmem>>, vector<16xf32>,
        tpu.vector_store %arg21[%swap3A_61, %swap3A_62], %mul3A_60 {strides = array<i32>} : memref<224x32xf32, #tpu.memory_space<vmem>>, vector<16xf32>,
        %mul3A_64 = arith.constant 2 : i32
        %mul3A_65 = arith.muli %scan3A_44, %mul3A_64 : i32
        %add3A_66 = arith.constant 1 : i32
        %add3A_67 = arith.addi %mul3A_65, %add3A_66 : i32
        %get3A_68 = arith.index_cast %add3A_67 : i32 to index
        %get3A_69 = arith.constant 0 : index
        %get3A_70 = tpu.vector_load %arg20[%get3A_68, %get3A_69] {strides = array<i32>} : memref<224x16xf32, #tpu.memory_space<vmem>>, vector<16xf32>,
        %get3A_71 = arith.index_cast %add3A_67 : i32 to index
        %get3A_72 = arith.constant 0 : index
        %get3A_73 = tpu.vector_load %arg19[%get3A_71, %get3A_72] {strides = array<i32>} : memref<224x32xf32, #tpu.memory_space<vmem>>, vector<16xf32>,
        %mul3A_74 = arith.mulf %get3A_73, %get3A_70 : vector<16xf32>
        %swap3A_75 = arith.index_cast %add3A_67 : i32 to index
        %swap3A_76 = arith.constant 0 : index
        %swap3A_77 = tpu.vector_load %arg21[%swap3A_75, %swap3A_76] {strides = array<i32>} : memref<224x32xf32, #tpu.memory_space<vmem>>, vector<16xf32>,
        tpu.vector_store %arg21[%swap3A_75, %swap3A_76], %mul3A_74 {strides = array<i32>} : memref<224x32xf32, #tpu.memory_space<vmem>>, vector<16xf32>,
        %get3A_78 = arith.index_cast %add3A_67 : i32 to index
        %get3A_79 = arith.constant 16 : index
        %get3A_80 = tpu.vector_load %arg19[%get3A_78, %get3A_79] {strides = array<i32>} : memref<224x32xf32, #tpu.memory_space<vmem>>, vector<16xf32>,
        %mul3A_81 = arith.mulf %get3A_80, %get3A_70 : vector<16xf32>
        %swap3A_82 = arith.index_cast %add3A_67 : i32 to index
        %swap3A_83 = arith.constant 16 : index
        %swap3A_84 = tpu.vector_load %arg21[%swap3A_82, %swap3A_83] {strides = array<i32>} : memref<224x32xf32, #tpu.memory_space<vmem>>, vector<16xf32>,
        tpu.vector_store %arg21[%swap3A_82, %swap3A_83], %mul3A_81 {strides = array<i32>} : memref<224x32xf32, #tpu.memory_space<vmem>>, vector<16xf32>,
      }
      %scan3A_37 = arith.constant 112 : i32
      %mul3A_38 = arith.constant 25088 : i32
      %mul3A_39 = arith.muli %arg0, %mul3A_38 : i32
      %add3A_40 = arith.addi %mul3A_39, %mul3A_2 : i32
      %mul3A_41 = arith.constant 224 : i32
      %mul3A_42 = arith.muli %scan3A_28, %mul3A_41 : i32
      %add3A_43 = arith.addi %add3A_40, %mul3A_42 : i32
      "tpu.region"() ({
        %run_scoped3A = tpu.sem_alloc : memref<!tpu.dma_semaphore, #tpu.memory_space<semaphore_mem>>
        %dma_start3A = arith.constant 0 : i32
        %dma_start3A_44 = tpu.memref_slice %arg8[%add3A_43, %dma_start3A] : memref<50176x32xf32, #tpu.memory_space<hbm>> -> memref<224x32xf32, #tpu.memory_space<hbm>>
        %dma_start3A_45 = arith.constant 0 : i32
        %dma_start3A_46 = tpu.memref_slice %arg8[%add3A_43, %dma_start3A_45] : memref<50176x32xf32, #tpu.memory_space<hbm>> -> memref<224x32xf32, #tpu.memory_space<hbm>>
        tpu.enqueue_dma source(%arg21 : memref<224x32xf32, #tpu.memory_space<vmem>>) target(%dma_start3A_46 : memref<224x32xf32, #tpu.memory_space<hbm>>) target_semaphore(%run_scoped3A : memref<!tpu.dma_semaphore, #tpu.memory_space<semaphore_mem>>)
        %dma_wait3A = arith.constant 0 : i32
        %dma_wait3A_47 = tpu.memref_slice %arg8[%add3A_43, %dma_wait3A] : memref<50176x32xf32, #tpu.memory_space<hbm>> -> memref<224x32xf32, #tpu.memory_space<hbm>>
        %dma_wait3A_48 = arith.constant 0 : i32
        %dma_wait3A_49 = tpu.memref_slice %arg8[%add3A_43, %dma_wait3A_48] : memref<50176x32xf32, #tpu.memory_space<hbm>> -> memref<224x32xf32, #tpu.memory_space<hbm>>
        tpu.wait_dma2 semaphore(%run_scoped3A : memref<!tpu.dma_semaphore, #tpu.memory_space<semaphore_mem>>) src(%arg21 : memref<224x32xf32, #tpu.memory_space<vmem>>) dst(%dma_wait3A_49 : memref<224x32xf32, #tpu.memory_space<hbm>>)
        tpu.yield
      }) : () -> ()
    }
    %scan3A_14 = arith.constant 7 : i32
    %barrier3A = arith.constant 0 : index
    tpu.barrier barrier_id(%barrier3A)
    %scan3A_15 = arith.constant 0 : i32
    %scan3A_16 = arith.constant 0 : i32
    %scan3A_17 = arith.constant 7 : i32
    %scan3A_18 = arith.addi %scan3A_16, %scan3A_17 : i32
    %scan3A_19 = arith.constant 1 : i32
    scf.for %scan3A_28 = %scan3A_16 to %scan3A_18 step %scan3A_19  : i32 {
      %mul3A_29 = arith.constant 392 : i32
      %mul3A_30 = arith.muli %add3A, %mul3A_29 : i32
      %mul3A_31 = arith.constant 56 : i32
      %mul3A_32 = arith.muli %scan3A_28, %mul3A_31 : i32
      %add3A_33 = arith.addi %mul3A_30, %mul3A_32 : i32
      "tpu.region"() ({
        %run_scoped3A = tpu.sem_alloc : memref<!tpu.dma_semaphore, #tpu.memory_space<semaphore_mem>>
        %dma_start3A_94 = arith.constant 0 : i32
        %dma_start3A_95 = tpu.memref_slice %arg4[%add3A_33, %dma_start3A_94] : memref<12544x128xi32, #tpu.memory_space<hbm>> -> memref<56x128xi32, #tpu.memory_space<hbm>>
        %dma_start3A_96 = arith.constant 0 : i32
        %dma_start3A_97 = tpu.memref_slice %arg4[%add3A_33, %dma_start3A_96] : memref<12544x128xi32, #tpu.memory_space<hbm>> -> memref<56x128xi32, #tpu.memory_space<hbm>>
        tpu.enqueue_dma source(%dma_start3A_97 : memref<56x128xi32, #tpu.memory_space<hbm>>) target(%arg9 : memref<56x128xi32, #tpu.memory_space<vmem>>) target_semaphore(%run_scoped3A : memref<!tpu.dma_semaphore, #tpu.memory_space<semaphore_mem>>)
        %dma_wait3A_98 = arith.constant 0 : i32
        %dma_wait3A_99 = tpu.memref_slice %arg4[%add3A_33, %dma_wait3A_98] : memref<12544x128xi32, #tpu.memory_space<hbm>> -> memref<56x128xi32, #tpu.memory_space<hbm>>
        %dma_wait3A_100 = arith.constant 0 : i32
        %dma_wait3A_101 = tpu.memref_slice %arg4[%add3A_33, %dma_wait3A_100] : memref<12544x128xi32, #tpu.memory_space<hbm>> -> memref<56x128xi32, #tpu.memory_space<hbm>>
        tpu.wait_dma2 semaphore(%run_scoped3A : memref<!tpu.dma_semaphore, #tpu.memory_space<semaphore_mem>>) src(%dma_wait3A_101 : memref<56x128xi32, #tpu.memory_space<hbm>>) dst(%arg9 : memref<56x128xi32, #tpu.memory_space<vmem>>)
        tpu.yield
      }) : () -> ()
      "tpu.region"() ({
        %run_scoped3A = tpu.sem_alloc : memref<!tpu.dma_semaphore, #tpu.memory_space<semaphore_mem>>
        %dma_start3A_94 = arith.constant 0 : i32
        %dma_start3A_95 = tpu.memref_slice %arg5[%add3A_33, %dma_start3A_94] : memref<12544x128xi32, #tpu.memory_space<hbm>> -> memref<56x128xi32, #tpu.memory_space<hbm>>
        %dma_start3A_96 = arith.constant 0 : i32
        %dma_start3A_97 = tpu.memref_slice %arg5[%add3A_33, %dma_start3A_96] : memref<12544x128xi32, #tpu.memory_space<hbm>> -> memref<56x128xi32, #tpu.memory_space<hbm>>
        tpu.enqueue_dma source(%dma_start3A_97 : memref<56x128xi32, #tpu.memory_space<hbm>>) target(%arg10 : memref<56x128xi32, #tpu.memory_space<vmem>>) target_semaphore(%run_scoped3A : memref<!tpu.dma_semaphore, #tpu.memory_space<semaphore_mem>>)
        %dma_wait3A_98 = arith.constant 0 : i32
        %dma_wait3A_99 = tpu.memref_slice %arg5[%add3A_33, %dma_wait3A_98] : memref<12544x128xi32, #tpu.memory_space<hbm>> -> memref<56x128xi32, #tpu.memory_space<hbm>>
        %dma_wait3A_100 = arith.constant 0 : i32
        %dma_wait3A_101 = tpu.memref_slice %arg5[%add3A_33, %dma_wait3A_100] : memref<12544x128xi32, #tpu.memory_space<hbm>> -> memref<56x128xi32, #tpu.memory_space<hbm>>
        tpu.wait_dma2 semaphore(%run_scoped3A : memref<!tpu.dma_semaphore, #tpu.memory_space<semaphore_mem>>) src(%dma_wait3A_101 : memref<56x128xi32, #tpu.memory_space<hbm>>) dst(%arg10 : memref<56x128xi32, #tpu.memory_space<vmem>>)
        tpu.yield
      }) : () -> ()
      %dma_start3A = arith.constant 0 : i32
      %dma_start3A_34 = arith.constant 0 : i32
      %dma_start3A_35 = tpu.memref_slice %arg10[%dma_start3A, %dma_start3A_34] : memref<56x128xi32, #tpu.memory_space<vmem>> -> memref<1x128xi32, #tpu.memory_space<vmem>>
      %dma_start3A_36 = tpu.memref_squeeze %dma_start3A_35 : memref<1x128xi32, #tpu.memory_space<vmem>> -> memref<128xi32, #tpu.memory_space<vmem>>
      %dma_start3A_37 = arith.constant 0 : i32
      %dma_start3A_38 = arith.constant 0 : i32
      %dma_start3A_39 = tpu.memref_slice %arg8[%dma_start3A_37, %dma_start3A_38] : memref<50176x32xf32, #tpu.memory_space<hbm>> -> memref<50176x32xf32, #tpu.memory_space<hbm>>
      tpu.enqueue_indirect_dma source(%dma_start3A_39 : memref<50176x32xf32, #tpu.memory_space<hbm>>) target(%arg11 : memref<128x32xf32, #tpu.memory_space<vmem>>) offsets(%dma_start3A_36 : memref<128xi32, #tpu.memory_space<vmem>>) semaphore(%arg23 : memref<!tpu.dma_semaphore, #tpu.memory_space<semaphore_mem>>)
      %dma_start3A_40 = arith.constant 1 : i32
      %dma_start3A_41 = arith.constant 0 : i32
      %dma_start3A_42 = tpu.memref_slice %arg10[%dma_start3A_40, %dma_start3A_41] : memref<56x128xi32, #tpu.memory_space<vmem>> -> memref<1x128xi32, #tpu.memory_space<vmem>>
      %dma_start3A_43 = tpu.memref_squeeze %dma_start3A_42 : memref<1x128xi32, #tpu.memory_space<vmem>> -> memref<128xi32, #tpu.memory_space<vmem>>
      %dma_start3A_44 = arith.constant 0 : i32
      %dma_start3A_45 = arith.constant 0 : i32
      %dma_start3A_46 = tpu.memref_slice %arg8[%dma_start3A_44, %dma_start3A_45] : memref<50176x32xf32, #tpu.memory_space<hbm>> -> memref<50176x32xf32, #tpu.memory_space<hbm>>
      tpu.enqueue_indirect_dma source(%dma_start3A_46 : memref<50176x32xf32, #tpu.memory_space<hbm>>) target(%arg12 : memref<128x32xf32, #tpu.memory_space<vmem>>) offsets(%dma_start3A_43 : memref<128xi32, #tpu.memory_space<vmem>>) semaphore(%arg23 : memref<!tpu.dma_semaphore, #tpu.memory_space<semaphore_mem>>)
      %dma_start3A_47 = arith.constant 2 : i32
      %dma_start3A_48 = arith.constant 0 : i32
      %dma_start3A_49 = tpu.memref_slice %arg10[%dma_start3A_47, %dma_start3A_48] : memref<56x128xi32, #tpu.memory_space<vmem>> -> memref<1x128xi32, #tpu.memory_space<vmem>>
      %dma_start3A_50 = tpu.memref_squeeze %dma_start3A_49 : memref<1x128xi32, #tpu.memory_space<vmem>> -> memref<128xi32, #tpu.memory_space<vmem>>
      %dma_start3A_51 = arith.constant 0 : i32
      %dma_start3A_52 = arith.constant 0 : i32
      %dma_start3A_53 = tpu.memref_slice %arg8[%dma_start3A_51, %dma_start3A_52] : memref<50176x32xf32, #tpu.memory_space<hbm>> -> memref<50176x32xf32, #tpu.memory_space<hbm>>
      tpu.enqueue_indirect_dma source(%dma_start3A_53 : memref<50176x32xf32, #tpu.memory_space<hbm>>) target(%arg13 : memref<128x32xf32, #tpu.memory_space<vmem>>) offsets(%dma_start3A_50 : memref<128xi32, #tpu.memory_space<vmem>>) semaphore(%arg23 : memref<!tpu.dma_semaphore, #tpu.memory_space<semaphore_mem>>)
      %dma_start3A_54 = arith.constant 3 : i32
      %dma_start3A_55 = arith.constant 0 : i32
      %dma_start3A_56 = tpu.memref_slice %arg10[%dma_start3A_54, %dma_start3A_55] : memref<56x128xi32, #tpu.memory_space<vmem>> -> memref<1x128xi32, #tpu.memory_space<vmem>>
      %dma_start3A_57 = tpu.memref_squeeze %dma_start3A_56 : memref<1x128xi32, #tpu.memory_space<vmem>> -> memref<128xi32, #tpu.memory_space<vmem>>
      %dma_start3A_58 = arith.constant 0 : i32
      %dma_start3A_59 = arith.constant 0 : i32
      %dma_start3A_60 = tpu.memref_slice %arg8[%dma_start3A_58, %dma_start3A_59] : memref<50176x32xf32, #tpu.memory_space<hbm>> -> memref<50176x32xf32, #tpu.memory_space<hbm>>
      tpu.enqueue_indirect_dma source(%dma_start3A_60 : memref<50176x32xf32, #tpu.memory_space<hbm>>) target(%arg14 : memref<128x32xf32, #tpu.memory_space<vmem>>) offsets(%dma_start3A_57 : memref<128xi32, #tpu.memory_space<vmem>>) semaphore(%arg23 : memref<!tpu.dma_semaphore, #tpu.memory_space<semaphore_mem>>)
      %dma_start3A_61 = arith.constant 4 : i32
      %dma_start3A_62 = arith.constant 0 : i32
      %dma_start3A_63 = tpu.memref_slice %arg10[%dma_start3A_61, %dma_start3A_62] : memref<56x128xi32, #tpu.memory_space<vmem>> -> memref<1x128xi32, #tpu.memory_space<vmem>>
      %dma_start3A_64 = tpu.memref_squeeze %dma_start3A_63 : memref<1x128xi32, #tpu.memory_space<vmem>> -> memref<128xi32, #tpu.memory_space<vmem>>
      %dma_start3A_65 = arith.constant 0 : i32
      %dma_start3A_66 = arith.constant 0 : i32
      %dma_start3A_67 = tpu.memref_slice %arg8[%dma_start3A_65, %dma_start3A_66] : memref<50176x32xf32, #tpu.memory_space<hbm>> -> memref<50176x32xf32, #tpu.memory_space<hbm>>
      tpu.enqueue_indirect_dma source(%dma_start3A_67 : memref<50176x32xf32, #tpu.memory_space<hbm>>) target(%arg15 : memref<128x32xf32, #tpu.memory_space<vmem>>) offsets(%dma_start3A_64 : memref<128xi32, #tpu.memory_space<vmem>>) semaphore(%arg23 : memref<!tpu.dma_semaphore, #tpu.memory_space<semaphore_mem>>)
      %dma_start3A_68 = arith.constant 5 : i32
      %dma_start3A_69 = arith.constant 0 : i32
      %dma_start3A_70 = tpu.memref_slice %arg10[%dma_start3A_68, %dma_start3A_69] : memref<56x128xi32, #tpu.memory_space<vmem>> -> memref<1x128xi32, #tpu.memory_space<vmem>>
      %dma_start3A_71 = tpu.memref_squeeze %dma_start3A_70 : memref<1x128xi32, #tpu.memory_space<vmem>> -> memref<128xi32, #tpu.memory_space<vmem>>
      %dma_start3A_72 = arith.constant 0 : i32
      %dma_start3A_73 = arith.constant 0 : i32
      %dma_start3A_74 = tpu.memref_slice %arg8[%dma_start3A_72, %dma_start3A_73] : memref<50176x32xf32, #tpu.memory_space<hbm>> -> memref<50176x32xf32, #tpu.memory_space<hbm>>
      tpu.enqueue_indirect_dma source(%dma_start3A_74 : memref<50176x32xf32, #tpu.memory_space<hbm>>) target(%arg16 : memref<128x32xf32, #tpu.memory_space<vmem>>) offsets(%dma_start3A_71 : memref<128xi32, #tpu.memory_space<vmem>>) semaphore(%arg23 : memref<!tpu.dma_semaphore, #tpu.memory_space<semaphore_mem>>)
      %scan3A_75 = arith.constant 0 : i32
      %scan3A_76 = arith.constant 0 : i32
      %scan3A_77 = arith.constant 7 : i32
      %scan3A_78 = arith.addi %scan3A_76, %scan3A_77 : i32
      %scan3A_79 = arith.constant 1 : i32
      scf.for %scan3A_94 = %scan3A_76 to %scan3A_78 step %scan3A_79  : i32 {
        %mul3A_95 = arith.constant 8 : i32
        %mul3A_96 = arith.muli %scan3A_94, %mul3A_95 : i32
        %add3A_97 = arith.constant 0 : i32
        %add3A_98 = arith.addi %mul3A_96, %add3A_97 : i32
        %dma_wait3A_99 = arith.constant 0 : i32
        %dma_wait3A_100 = tpu.memref_slice %arg10[%add3A_98, %dma_wait3A_99] : memref<56x128xi32, #tpu.memory_space<vmem>> -> memref<1x128xi32, #tpu.memory_space<vmem>>
        %dma_wait3A_101 = tpu.memref_squeeze %dma_wait3A_100 : memref<1x128xi32, #tpu.memory_space<vmem>> -> memref<128xi32, #tpu.memory_space<vmem>>
        %dma_wait3A_102 = arith.constant 0 : i32
        %dma_wait3A_103 = arith.constant 0 : i32
        %dma_wait3A_104 = tpu.memref_slice %arg8[%dma_wait3A_102, %dma_wait3A_103] : memref<50176x32xf32, #tpu.memory_space<hbm>> -> memref<50176x32xf32, #tpu.memory_space<hbm>>
        tpu.wait_indirect_dma semaphore(%arg23 : memref<!tpu.dma_semaphore, #tpu.memory_space<semaphore_mem>>) src(%dma_wait3A_104 : memref<50176x32xf32, #tpu.memory_space<hbm>>) dst(%arg11 : memref<128x32xf32, #tpu.memory_space<vmem>>)
        %dma_start3A_105 = arith.constant 0 : i32
        %dma_start3A_106 = tpu.memref_slice %arg9[%add3A_98, %dma_start3A_105] : memref<56x128xi32, #tpu.memory_space<vmem>> -> memref<1x128xi32, #tpu.memory_space<vmem>>
        %dma_start3A_107 = tpu.memref_squeeze %dma_start3A_106 : memref<1x128xi32, #tpu.memory_space<vmem>> -> memref<128xi32, #tpu.memory_space<vmem>>
        %dma_start3A_108 = arith.constant 0 : i32
        %dma_start3A_109 = arith.constant 0 : i32
        %dma_start3A_110 = tpu.memref_slice %arg22[%dma_start3A_108, %dma_start3A_109] : memref<25088x32xf32, #tpu.memory_space<vmem_shared>> -> memref<25088x32xf32, #tpu.memory_space<vmem_shared>>
        tpu.enqueue_indirect_dma source(%arg11 : memref<128x32xf32, #tpu.memory_space<vmem>>) target(%dma_start3A_110 : memref<25088x32xf32, #tpu.memory_space<vmem_shared>>) offsets(%dma_start3A_107 : memref<128xi32, #tpu.memory_space<vmem>>) semaphore(%arg24 : memref<!tpu.dma_semaphore, #tpu.memory_space<semaphore_mem>>) {add = true}
        %ge3A = arith.constant 2 : i32
        %ge3A_111 = arith.cmpi sge, %add3A_98, %ge3A : i32
        %convert_element_type3A = arith.extui %ge3A_111 : i1 to i32
        %cond3A = arith.constant 0 : i32
        %cond3A_112 = arith.cmpi ne, %convert_element_type3A, %cond3A : i32
        scf.if %cond3A_112 {
          %dma_wait3A_315 = arith.constant 0 : i32
          %dma_wait3A_316 = tpu.memref_slice %arg9[%add3A_98, %dma_wait3A_315] : memref<56x128xi32, #tpu.memory_space<vmem>> -> memref<1x128xi32, #tpu.memory_space<vmem>>
          %dma_wait3A_317 = tpu.memref_squeeze %dma_wait3A_316 : memref<1x128xi32, #tpu.memory_space<vmem>> -> memref<128xi32, #tpu.memory_space<vmem>>
          %dma_wait3A_318 = arith.constant 0 : i32
          %dma_wait3A_319 = arith.constant 0 : i32
          %dma_wait3A_320 = tpu.memref_slice %arg22[%dma_wait3A_318, %dma_wait3A_319] : memref<25088x32xf32, #tpu.memory_space<vmem_shared>> -> memref<25088x32xf32, #tpu.memory_space<vmem_shared>>
          tpu.wait_indirect_dma semaphore(%arg24 : memref<!tpu.dma_semaphore, #tpu.memory_space<semaphore_mem>>) src(%arg11 : memref<128x32xf32, #tpu.memory_space<vmem>>) dst(%dma_wait3A_320 : memref<25088x32xf32, #tpu.memory_space<vmem_shared>>)
        } else {
        }
        %add3A_113 = arith.constant 6 : i32
        %add3A_114 = arith.addi %add3A_98, %add3A_113 : i32
        %lt3A = arith.constant 56 : i32
        %lt3A_115 = arith.cmpi slt, %add3A_114, %lt3A : i32
        %convert_element_type3A_116 = arith.extui %lt3A_115 : i1 to i32
        %cond3A_117 = arith.constant 0 : i32
        %cond3A_118 = arith.cmpi ne, %convert_element_type3A_116, %cond3A_117 : i32
        scf.if %cond3A_118 {
          %add3A_315 = arith.constant 6 : i32
          %add3A_316 = arith.addi %add3A_98, %add3A_315 : i32
          %dma_start3A_317 = arith.constant 0 : i32
          %dma_start3A_318 = tpu.memref_slice %arg10[%add3A_316, %dma_start3A_317] : memref<56x128xi32, #tpu.memory_space<vmem>> -> memref<1x128xi32, #tpu.memory_space<vmem>>
          %dma_start3A_319 = tpu.memref_squeeze %dma_start3A_318 : memref<1x128xi32, #tpu.memory_space<vmem>> -> memref<128xi32, #tpu.memory_space<vmem>>
          %dma_start3A_320 = arith.constant 0 : i32
          %dma_start3A_321 = arith.constant 0 : i32
          %dma_start3A_322 = tpu.memref_slice %arg8[%dma_start3A_320, %dma_start3A_321] : memref<50176x32xf32, #tpu.memory_space<hbm>> -> memref<50176x32xf32, #tpu.memory_space<hbm>>
          tpu.enqueue_indirect_dma source(%dma_start3A_322 : memref<50176x32xf32, #tpu.memory_space<hbm>>) target(%arg17 : memref<128x32xf32, #tpu.memory_space<vmem>>) offsets(%dma_start3A_319 : memref<128xi32, #tpu.memory_space<vmem>>) semaphore(%arg23 : memref<!tpu.dma_semaphore, #tpu.memory_space<semaphore_mem>>)
        } else {
        }
        %mul3A_119 = arith.constant 8 : i32
        %mul3A_120 = arith.muli %scan3A_94, %mul3A_119 : i32
        %add3A_121 = arith.constant 1 : i32
        %add3A_122 = arith.addi %mul3A_120, %add3A_121 : i32
        %dma_wait3A_123 = arith.constant 0 : i32
        %dma_wait3A_124 = tpu.memref_slice %arg10[%add3A_122, %dma_wait3A_123] : memref<56x128xi32, #tpu.memory_space<vmem>> -> memref<1x128xi32, #tpu.memory_space<vmem>>
        %dma_wait3A_125 = tpu.memref_squeeze %dma_wait3A_124 : memref<1x128xi32, #tpu.memory_space<vmem>> -> memref<128xi32, #tpu.memory_space<vmem>>
        %dma_wait3A_126 = arith.constant 0 : i32
        %dma_wait3A_127 = arith.constant 0 : i32
        %dma_wait3A_128 = tpu.memref_slice %arg8[%dma_wait3A_126, %dma_wait3A_127] : memref<50176x32xf32, #tpu.memory_space<hbm>> -> memref<50176x32xf32, #tpu.memory_space<hbm>>
        tpu.wait_indirect_dma semaphore(%arg23 : memref<!tpu.dma_semaphore, #tpu.memory_space<semaphore_mem>>) src(%dma_wait3A_128 : memref<50176x32xf32, #tpu.memory_space<hbm>>) dst(%arg12 : memref<128x32xf32, #tpu.memory_space<vmem>>)
        %dma_start3A_129 = arith.constant 0 : i32
        %dma_start3A_130 = tpu.memref_slice %arg9[%add3A_122, %dma_start3A_129] : memref<56x128xi32, #tpu.memory_space<vmem>> -> memref<1x128xi32, #tpu.memory_space<vmem>>
        %dma_start3A_131 = tpu.memref_squeeze %dma_start3A_130 : memref<1x128xi32, #tpu.memory_space<vmem>> -> memref<128xi32, #tpu.memory_space<vmem>>
        %dma_start3A_132 = arith.constant 0 : i32
        %dma_start3A_133 = arith.constant 0 : i32
        %dma_start3A_134 = tpu.memref_slice %arg22[%dma_start3A_132, %dma_start3A_133] : memref<25088x32xf32, #tpu.memory_space<vmem_shared>> -> memref<25088x32xf32, #tpu.memory_space<vmem_shared>>
        tpu.enqueue_indirect_dma source(%arg12 : memref<128x32xf32, #tpu.memory_space<vmem>>) target(%dma_start3A_134 : memref<25088x32xf32, #tpu.memory_space<vmem_shared>>) offsets(%dma_start3A_131 : memref<128xi32, #tpu.memory_space<vmem>>) semaphore(%arg24 : memref<!tpu.dma_semaphore, #tpu.memory_space<semaphore_mem>>) {add = true}
        %ge3A_135 = arith.constant 2 : i32
        %ge3A_136 = arith.cmpi sge, %add3A_122, %ge3A_135 : i32
        %convert_element_type3A_137 = arith.extui %ge3A_136 : i1 to i32
        %cond3A_138 = arith.constant 0 : i32
        %cond3A_139 = arith.cmpi ne, %convert_element_type3A_137, %cond3A_138 : i32
        scf.if %cond3A_139 {
          %dma_wait3A_315 = arith.constant 0 : i32
          %dma_wait3A_316 = tpu.memref_slice %arg9[%add3A_122, %dma_wait3A_315] : memref<56x128xi32, #tpu.memory_space<vmem>> -> memref<1x128xi32, #tpu.memory_space<vmem>>
          %dma_wait3A_317 = tpu.memref_squeeze %dma_wait3A_316 : memref<1x128xi32, #tpu.memory_space<vmem>> -> memref<128xi32, #tpu.memory_space<vmem>>
          %dma_wait3A_318 = arith.constant 0 : i32
          %dma_wait3A_319 = arith.constant 0 : i32
          %dma_wait3A_320 = tpu.memref_slice %arg22[%dma_wait3A_318, %dma_wait3A_319] : memref<25088x32xf32, #tpu.memory_space<vmem_shared>> -> memref<25088x32xf32, #tpu.memory_space<vmem_shared>>
          tpu.wait_indirect_dma semaphore(%arg24 : memref<!tpu.dma_semaphore, #tpu.memory_space<semaphore_mem>>) src(%arg12 : memref<128x32xf32, #tpu.memory_space<vmem>>) dst(%dma_wait3A_320 : memref<25088x32xf32, #tpu.memory_space<vmem_shared>>)
        } else {
        }
        %add3A_140 = arith.constant 6 : i32
        %add3A_141 = arith.addi %add3A_122, %add3A_140 : i32
        %lt3A_142 = arith.constant 56 : i32
        %lt3A_143 = arith.cmpi slt, %add3A_141, %lt3A_142 : i32
        %convert_element_type3A_144 = arith.extui %lt3A_143 : i1 to i32
        %cond3A_145 = arith.constant 0 : i32
        %cond3A_146 = arith.cmpi ne, %convert_element_type3A_144, %cond3A_145 : i32
        scf.if %cond3A_146 {
          %add3A_315 = arith.constant 6 : i32
          %add3A_316 = arith.addi %add3A_122, %add3A_315 : i32
          %dma_start3A_317 = arith.constant 0 : i32
          %dma_start3A_318 = tpu.memref_slice %arg10[%add3A_316, %dma_start3A_317] : memref<56x128xi32, #tpu.memory_space<vmem>> -> memref<1x128xi32, #tpu.memory_space<vmem>>
          %dma_start3A_319 = tpu.memref_squeeze %dma_start3A_318 : memref<1x128xi32, #tpu.memory_space<vmem>> -> memref<128xi32, #tpu.memory_space<vmem>>
          %dma_start3A_320 = arith.constant 0 : i32
          %dma_start3A_321 = arith.constant 0 : i32
          %dma_start3A_322 = tpu.memref_slice %arg8[%dma_start3A_320, %dma_start3A_321] : memref<50176x32xf32, #tpu.memory_space<hbm>> -> memref<50176x32xf32, #tpu.memory_space<hbm>>
          tpu.enqueue_indirect_dma source(%dma_start3A_322 : memref<50176x32xf32, #tpu.memory_space<hbm>>) target(%arg18 : memref<128x32xf32, #tpu.memory_space<vmem>>) offsets(%dma_start3A_319 : memref<128xi32, #tpu.memory_space<vmem>>) semaphore(%arg23 : memref<!tpu.dma_semaphore, #tpu.memory_space<semaphore_mem>>)
        } else {
        }
        %mul3A_147 = arith.constant 8 : i32
        %mul3A_148 = arith.muli %scan3A_94, %mul3A_147 : i32
        %add3A_149 = arith.constant 2 : i32
        %add3A_150 = arith.addi %mul3A_148, %add3A_149 : i32
        %dma_wait3A_151 = arith.constant 0 : i32
        %dma_wait3A_152 = tpu.memref_slice %arg10[%add3A_150, %dma_wait3A_151] : memref<56x128xi32, #tpu.memory_space<vmem>> -> memref<1x128xi32, #tpu.memory_space<vmem>>
        %dma_wait3A_153 = tpu.memref_squeeze %dma_wait3A_152 : memref<1x128xi32, #tpu.memory_space<vmem>> -> memref<128xi32, #tpu.memory_space<vmem>>
        %dma_wait3A_154 = arith.constant 0 : i32
        %dma_wait3A_155 = arith.constant 0 : i32
        %dma_wait3A_156 = tpu.memref_slice %arg8[%dma_wait3A_154, %dma_wait3A_155] : memref<50176x32xf32, #tpu.memory_space<hbm>> -> memref<50176x32xf32, #tpu.memory_space<hbm>>
        tpu.wait_indirect_dma semaphore(%arg23 : memref<!tpu.dma_semaphore, #tpu.memory_space<semaphore_mem>>) src(%dma_wait3A_156 : memref<50176x32xf32, #tpu.memory_space<hbm>>) dst(%arg13 : memref<128x32xf32, #tpu.memory_space<vmem>>)
        %dma_start3A_157 = arith.constant 0 : i32
        %dma_start3A_158 = tpu.memref_slice %arg9[%add3A_150, %dma_start3A_157] : memref<56x128xi32, #tpu.memory_space<vmem>> -> memref<1x128xi32, #tpu.memory_space<vmem>>
        %dma_start3A_159 = tpu.memref_squeeze %dma_start3A_158 : memref<1x128xi32, #tpu.memory_space<vmem>> -> memref<128xi32, #tpu.memory_space<vmem>>
        %dma_start3A_160 = arith.constant 0 : i32
        %dma_start3A_161 = arith.constant 0 : i32
        %dma_start3A_162 = tpu.memref_slice %arg22[%dma_start3A_160, %dma_start3A_161] : memref<25088x32xf32, #tpu.memory_space<vmem_shared>> -> memref<25088x32xf32, #tpu.memory_space<vmem_shared>>
        tpu.enqueue_indirect_dma source(%arg13 : memref<128x32xf32, #tpu.memory_space<vmem>>) target(%dma_start3A_162 : memref<25088x32xf32, #tpu.memory_space<vmem_shared>>) offsets(%dma_start3A_159 : memref<128xi32, #tpu.memory_space<vmem>>) semaphore(%arg24 : memref<!tpu.dma_semaphore, #tpu.memory_space<semaphore_mem>>) {add = true}
        %ge3A_163 = arith.constant 2 : i32
        %ge3A_164 = arith.cmpi sge, %add3A_150, %ge3A_163 : i32
        %convert_element_type3A_165 = arith.extui %ge3A_164 : i1 to i32
        %cond3A_166 = arith.constant 0 : i32
        %cond3A_167 = arith.cmpi ne, %convert_element_type3A_165, %cond3A_166 : i32
        scf.if %cond3A_167 {
          %dma_wait3A_315 = arith.constant 0 : i32
          %dma_wait3A_316 = tpu.memref_slice %arg9[%add3A_150, %dma_wait3A_315] : memref<56x128xi32, #tpu.memory_space<vmem>> -> memref<1x128xi32, #tpu.memory_space<vmem>>
          %dma_wait3A_317 = tpu.memref_squeeze %dma_wait3A_316 : memref<1x128xi32, #tpu.memory_space<vmem>> -> memref<128xi32, #tpu.memory_space<vmem>>
          %dma_wait3A_318 = arith.constant 0 : i32
          %dma_wait3A_319 = arith.constant 0 : i32
          %dma_wait3A_320 = tpu.memref_slice %arg22[%dma_wait3A_318, %dma_wait3A_319] : memref<25088x32xf32, #tpu.memory_space<vmem_shared>> -> memref<25088x32xf32, #tpu.memory_space<vmem_shared>>
          tpu.wait_indirect_dma semaphore(%arg24 : memref<!tpu.dma_semaphore, #tpu.memory_space<semaphore_mem>>) src(%arg13 : memref<128x32xf32, #tpu.memory_space<vmem>>) dst(%dma_wait3A_320 : memref<25088x32xf32, #tpu.memory_space<vmem_shared>>)
        } else {
        }
        %add3A_168 = arith.constant 6 : i32
        %add3A_169 = arith.addi %add3A_150, %add3A_168 : i32
        %lt3A_170 = arith.constant 56 : i32
        %lt3A_171 = arith.cmpi slt, %add3A_169, %lt3A_170 : i32
        %convert_element_type3A_172 = arith.extui %lt3A_171 : i1 to i32
        %cond3A_173 = arith.constant 0 : i32
        %cond3A_174 = arith.cmpi ne, %convert_element_type3A_172, %cond3A_173 : i32
        scf.if %cond3A_174 {
          %add3A_315 = arith.constant 6 : i32
          %add3A_316 = arith.addi %add3A_150, %add3A_315 : i32
          %dma_start3A_317 = arith.constant 0 : i32
          %dma_start3A_318 = tpu.memref_slice %arg10[%add3A_316, %dma_start3A_317] : memref<56x128xi32, #tpu.memory_space<vmem>> -> memref<1x128xi32, #tpu.memory_space<vmem>>
          %dma_start3A_319 = tpu.memref_squeeze %dma_start3A_318 : memref<1x128xi32, #tpu.memory_space<vmem>> -> memref<128xi32, #tpu.memory_space<vmem>>
          %dma_start3A_320 = arith.constant 0 : i32
          %dma_start3A_321 = arith.constant 0 : i32
          %dma_start3A_322 = tpu.memref_slice %arg8[%dma_start3A_320, %dma_start3A_321] : memref<50176x32xf32, #tpu.memory_space<hbm>> -> memref<50176x32xf32, #tpu.memory_space<hbm>>
          tpu.enqueue_indirect_dma source(%dma_start3A_322 : memref<50176x32xf32, #tpu.memory_space<hbm>>) target(%arg11 : memref<128x32xf32, #tpu.memory_space<vmem>>) offsets(%dma_start3A_319 : memref<128xi32, #tpu.memory_space<vmem>>) semaphore(%arg23 : memref<!tpu.dma_semaphore, #tpu.memory_space<semaphore_mem>>)
        } else {
        }
        %mul3A_175 = arith.constant 8 : i32
        %mul3A_176 = arith.muli %scan3A_94, %mul3A_175 : i32
        %add3A_177 = arith.constant 3 : i32
        %add3A_178 = arith.addi %mul3A_176, %add3A_177 : i32
        %dma_wait3A_179 = arith.constant 0 : i32
        %dma_wait3A_180 = tpu.memref_slice %arg10[%add3A_178, %dma_wait3A_179] : memref<56x128xi32, #tpu.memory_space<vmem>> -> memref<1x128xi32, #tpu.memory_space<vmem>>
        %dma_wait3A_181 = tpu.memref_squeeze %dma_wait3A_180 : memref<1x128xi32, #tpu.memory_space<vmem>> -> memref<128xi32, #tpu.memory_space<vmem>>
        %dma_wait3A_182 = arith.constant 0 : i32
        %dma_wait3A_183 = arith.constant 0 : i32
        %dma_wait3A_184 = tpu.memref_slice %arg8[%dma_wait3A_182, %dma_wait3A_183] : memref<50176x32xf32, #tpu.memory_space<hbm>> -> memref<50176x32xf32, #tpu.memory_space<hbm>>
        tpu.wait_indirect_dma semaphore(%arg23 : memref<!tpu.dma_semaphore, #tpu.memory_space<semaphore_mem>>) src(%dma_wait3A_184 : memref<50176x32xf32, #tpu.memory_space<hbm>>) dst(%arg14 : memref<128x32xf32, #tpu.memory_space<vmem>>)
        %dma_start3A_185 = arith.constant 0 : i32
        %dma_start3A_186 = tpu.memref_slice %arg9[%add3A_178, %dma_start3A_185] : memref<56x128xi32, #tpu.memory_space<vmem>> -> memref<1x128xi32, #tpu.memory_space<vmem>>
        %dma_start3A_187 = tpu.memref_squeeze %dma_start3A_186 : memref<1x128xi32, #tpu.memory_space<vmem>> -> memref<128xi32, #tpu.memory_space<vmem>>
        %dma_start3A_188 = arith.constant 0 : i32
        %dma_start3A_189 = arith.constant 0 : i32
        %dma_start3A_190 = tpu.memref_slice %arg22[%dma_start3A_188, %dma_start3A_189] : memref<25088x32xf32, #tpu.memory_space<vmem_shared>> -> memref<25088x32xf32, #tpu.memory_space<vmem_shared>>
        tpu.enqueue_indirect_dma source(%arg14 : memref<128x32xf32, #tpu.memory_space<vmem>>) target(%dma_start3A_190 : memref<25088x32xf32, #tpu.memory_space<vmem_shared>>) offsets(%dma_start3A_187 : memref<128xi32, #tpu.memory_space<vmem>>) semaphore(%arg24 : memref<!tpu.dma_semaphore, #tpu.memory_space<semaphore_mem>>) {add = true}
        %ge3A_191 = arith.constant 2 : i32
        %ge3A_192 = arith.cmpi sge, %add3A_178, %ge3A_191 : i32
        %convert_element_type3A_193 = arith.extui %ge3A_192 : i1 to i32
        %cond3A_194 = arith.constant 0 : i32
        %cond3A_195 = arith.cmpi ne, %convert_element_type3A_193, %cond3A_194 : i32
        scf.if %cond3A_195 {
          %dma_wait3A_315 = arith.constant 0 : i32
          %dma_wait3A_316 = tpu.memref_slice %arg9[%add3A_178, %dma_wait3A_315] : memref<56x128xi32, #tpu.memory_space<vmem>> -> memref<1x128xi32, #tpu.memory_space<vmem>>
          %dma_wait3A_317 = tpu.memref_squeeze %dma_wait3A_316 : memref<1x128xi32, #tpu.memory_space<vmem>> -> memref<128xi32, #tpu.memory_space<vmem>>
          %dma_wait3A_318 = arith.constant 0 : i32
          %dma_wait3A_319 = arith.constant 0 : i32
          %dma_wait3A_320 = tpu.memref_slice %arg22[%dma_wait3A_318, %dma_wait3A_319] : memref<25088x32xf32, #tpu.memory_space<vmem_shared>> -> memref<25088x32xf32, #tpu.memory_space<vmem_shared>>
          tpu.wait_indirect_dma semaphore(%arg24 : memref<!tpu.dma_semaphore, #tpu.memory_space<semaphore_mem>>) src(%arg14 : memref<128x32xf32, #tpu.memory_space<vmem>>) dst(%dma_wait3A_320 : memref<25088x32xf32, #tpu.memory_space<vmem_shared>>)
        } else {
        }
        %add3A_196 = arith.constant 6 : i32
        %add3A_197 = arith.addi %add3A_178, %add3A_196 : i32
        %lt3A_198 = arith.constant 56 : i32
        %lt3A_199 = arith.cmpi slt, %add3A_197, %lt3A_198 : i32
        %convert_element_type3A_200 = arith.extui %lt3A_199 : i1 to i32
        %cond3A_201 = arith.constant 0 : i32
        %cond3A_202 = arith.cmpi ne, %convert_element_type3A_200, %cond3A_201 : i32
        scf.if %cond3A_202 {
          %add3A_315 = arith.constant 6 : i32
          %add3A_316 = arith.addi %add3A_178, %add3A_315 : i32
          %dma_start3A_317 = arith.constant 0 : i32
          %dma_start3A_318 = tpu.memref_slice %arg10[%add3A_316, %dma_start3A_317] : memref<56x128xi32, #tpu.memory_space<vmem>> -> memref<1x128xi32, #tpu.memory_space<vmem>>
          %dma_start3A_319 = tpu.memref_squeeze %dma_start3A_318 : memref<1x128xi32, #tpu.memory_space<vmem>> -> memref<128xi32, #tpu.memory_space<vmem>>
          %dma_start3A_320 = arith.constant 0 : i32
          %dma_start3A_321 = arith.constant 0 : i32
          %dma_start3A_322 = tpu.memref_slice %arg8[%dma_start3A_320, %dma_start3A_321] : memref<50176x32xf32, #tpu.memory_space<hbm>> -> memref<50176x32xf32, #tpu.memory_space<hbm>>
          tpu.enqueue_indirect_dma source(%dma_start3A_322 : memref<50176x32xf32, #tpu.memory_space<hbm>>) target(%arg12 : memref<128x32xf32, #tpu.memory_space<vmem>>) offsets(%dma_start3A_319 : memref<128xi32, #tpu.memory_space<vmem>>) semaphore(%arg23 : memref<!tpu.dma_semaphore, #tpu.memory_space<semaphore_mem>>)
        } else {
        }
        %mul3A_203 = arith.constant 8 : i32
        %mul3A_204 = arith.muli %scan3A_94, %mul3A_203 : i32
        %add3A_205 = arith.constant 4 : i32
        %add3A_206 = arith.addi %mul3A_204, %add3A_205 : i32
        %dma_wait3A_207 = arith.constant 0 : i32
        %dma_wait3A_208 = tpu.memref_slice %arg10[%add3A_206, %dma_wait3A_207] : memref<56x128xi32, #tpu.memory_space<vmem>> -> memref<1x128xi32, #tpu.memory_space<vmem>>
        %dma_wait3A_209 = tpu.memref_squeeze %dma_wait3A_208 : memref<1x128xi32, #tpu.memory_space<vmem>> -> memref<128xi32, #tpu.memory_space<vmem>>
        %dma_wait3A_210 = arith.constant 0 : i32
        %dma_wait3A_211 = arith.constant 0 : i32
        %dma_wait3A_212 = tpu.memref_slice %arg8[%dma_wait3A_210, %dma_wait3A_211] : memref<50176x32xf32, #tpu.memory_space<hbm>> -> memref<50176x32xf32, #tpu.memory_space<hbm>>
        tpu.wait_indirect_dma semaphore(%arg23 : memref<!tpu.dma_semaphore, #tpu.memory_space<semaphore_mem>>) src(%dma_wait3A_212 : memref<50176x32xf32, #tpu.memory_space<hbm>>) dst(%arg15 : memref<128x32xf32, #tpu.memory_space<vmem>>)
        %dma_start3A_213 = arith.constant 0 : i32
        %dma_start3A_214 = tpu.memref_slice %arg9[%add3A_206, %dma_start3A_213] : memref<56x128xi32, #tpu.memory_space<vmem>> -> memref<1x128xi32, #tpu.memory_space<vmem>>
        %dma_start3A_215 = tpu.memref_squeeze %dma_start3A_214 : memref<1x128xi32, #tpu.memory_space<vmem>> -> memref<128xi32, #tpu.memory_space<vmem>>
        %dma_start3A_216 = arith.constant 0 : i32
        %dma_start3A_217 = arith.constant 0 : i32
        %dma_start3A_218 = tpu.memref_slice %arg22[%dma_start3A_216, %dma_start3A_217] : memref<25088x32xf32, #tpu.memory_space<vmem_shared>> -> memref<25088x32xf32, #tpu.memory_space<vmem_shared>>
        tpu.enqueue_indirect_dma source(%arg15 : memref<128x32xf32, #tpu.memory_space<vmem>>) target(%dma_start3A_218 : memref<25088x32xf32, #tpu.memory_space<vmem_shared>>) offsets(%dma_start3A_215 : memref<128xi32, #tpu.memory_space<vmem>>) semaphore(%arg24 : memref<!tpu.dma_semaphore, #tpu.memory_space<semaphore_mem>>) {add = true}
        %ge3A_219 = arith.constant 2 : i32
        %ge3A_220 = arith.cmpi sge, %add3A_206, %ge3A_219 : i32
        %convert_element_type3A_221 = arith.extui %ge3A_220 : i1 to i32
        %cond3A_222 = arith.constant 0 : i32
        %cond3A_223 = arith.cmpi ne, %convert_element_type3A_221, %cond3A_222 : i32
        scf.if %cond3A_223 {
          %dma_wait3A_315 = arith.constant 0 : i32
          %dma_wait3A_316 = tpu.memref_slice %arg9[%add3A_206, %dma_wait3A_315] : memref<56x128xi32, #tpu.memory_space<vmem>> -> memref<1x128xi32, #tpu.memory_space<vmem>>
          %dma_wait3A_317 = tpu.memref_squeeze %dma_wait3A_316 : memref<1x128xi32, #tpu.memory_space<vmem>> -> memref<128xi32, #tpu.memory_space<vmem>>
          %dma_wait3A_318 = arith.constant 0 : i32
          %dma_wait3A_319 = arith.constant 0 : i32
          %dma_wait3A_320 = tpu.memref_slice %arg22[%dma_wait3A_318, %dma_wait3A_319] : memref<25088x32xf32, #tpu.memory_space<vmem_shared>> -> memref<25088x32xf32, #tpu.memory_space<vmem_shared>>
          tpu.wait_indirect_dma semaphore(%arg24 : memref<!tpu.dma_semaphore, #tpu.memory_space<semaphore_mem>>) src(%arg15 : memref<128x32xf32, #tpu.memory_space<vmem>>) dst(%dma_wait3A_320 : memref<25088x32xf32, #tpu.memory_space<vmem_shared>>)
        } else {
        }
        %add3A_224 = arith.constant 6 : i32
        %add3A_225 = arith.addi %add3A_206, %add3A_224 : i32
        %lt3A_226 = arith.constant 56 : i32
        %lt3A_227 = arith.cmpi slt, %add3A_225, %lt3A_226 : i32
        %convert_element_type3A_228 = arith.extui %lt3A_227 : i1 to i32
        %cond3A_229 = arith.constant 0 : i32
        %cond3A_230 = arith.cmpi ne, %convert_element_type3A_228, %cond3A_229 : i32
        scf.if %cond3A_230 {
          %add3A_315 = arith.constant 6 : i32
          %add3A_316 = arith.addi %add3A_206, %add3A_315 : i32
          %dma_start3A_317 = arith.constant 0 : i32
          %dma_start3A_318 = tpu.memref_slice %arg10[%add3A_316, %dma_start3A_317] : memref<56x128xi32, #tpu.memory_space<vmem>> -> memref<1x128xi32, #tpu.memory_space<vmem>>
          %dma_start3A_319 = tpu.memref_squeeze %dma_start3A_318 : memref<1x128xi32, #tpu.memory_space<vmem>> -> memref<128xi32, #tpu.memory_space<vmem>>
          %dma_start3A_320 = arith.constant 0 : i32
          %dma_start3A_321 = arith.constant 0 : i32
          %dma_start3A_322 = tpu.memref_slice %arg8[%dma_start3A_320, %dma_start3A_321] : memref<50176x32xf32, #tpu.memory_space<hbm>> -> memref<50176x32xf32, #tpu.memory_space<hbm>>
          tpu.enqueue_indirect_dma source(%dma_start3A_322 : memref<50176x32xf32, #tpu.memory_space<hbm>>) target(%arg13 : memref<128x32xf32, #tpu.memory_space<vmem>>) offsets(%dma_start3A_319 : memref<128xi32, #tpu.memory_space<vmem>>) semaphore(%arg23 : memref<!tpu.dma_semaphore, #tpu.memory_space<semaphore_mem>>)
        } else {
        }
        %mul3A_231 = arith.constant 8 : i32
        %mul3A_232 = arith.muli %scan3A_94, %mul3A_231 : i32
        %add3A_233 = arith.constant 5 : i32
        %add3A_234 = arith.addi %mul3A_232, %add3A_233 : i32
        %dma_wait3A_235 = arith.constant 0 : i32
        %dma_wait3A_236 = tpu.memref_slice %arg10[%add3A_234, %dma_wait3A_235] : memref<56x128xi32, #tpu.memory_space<vmem>> -> memref<1x128xi32, #tpu.memory_space<vmem>>
        %dma_wait3A_237 = tpu.memref_squeeze %dma_wait3A_236 : memref<1x128xi32, #tpu.memory_space<vmem>> -> memref<128xi32, #tpu.memory_space<vmem>>
        %dma_wait3A_238 = arith.constant 0 : i32
        %dma_wait3A_239 = arith.constant 0 : i32
        %dma_wait3A_240 = tpu.memref_slice %arg8[%dma_wait3A_238, %dma_wait3A_239] : memref<50176x32xf32, #tpu.memory_space<hbm>> -> memref<50176x32xf32, #tpu.memory_space<hbm>>
        tpu.wait_indirect_dma semaphore(%arg23 : memref<!tpu.dma_semaphore, #tpu.memory_space<semaphore_mem>>) src(%dma_wait3A_240 : memref<50176x32xf32, #tpu.memory_space<hbm>>) dst(%arg16 : memref<128x32xf32, #tpu.memory_space<vmem>>)
        %dma_start3A_241 = arith.constant 0 : i32
        %dma_start3A_242 = tpu.memref_slice %arg9[%add3A_234, %dma_start3A_241] : memref<56x128xi32, #tpu.memory_space<vmem>> -> memref<1x128xi32, #tpu.memory_space<vmem>>
        %dma_start3A_243 = tpu.memref_squeeze %dma_start3A_242 : memref<1x128xi32, #tpu.memory_space<vmem>> -> memref<128xi32, #tpu.memory_space<vmem>>
        %dma_start3A_244 = arith.constant 0 : i32
        %dma_start3A_245 = arith.constant 0 : i32
        %dma_start3A_246 = tpu.memref_slice %arg22[%dma_start3A_244, %dma_start3A_245] : memref<25088x32xf32, #tpu.memory_space<vmem_shared>> -> memref<25088x32xf32, #tpu.memory_space<vmem_shared>>
        tpu.enqueue_indirect_dma source(%arg16 : memref<128x32xf32, #tpu.memory_space<vmem>>) target(%dma_start3A_246 : memref<25088x32xf32, #tpu.memory_space<vmem_shared>>) offsets(%dma_start3A_243 : memref<128xi32, #tpu.memory_space<vmem>>) semaphore(%arg24 : memref<!tpu.dma_semaphore, #tpu.memory_space<semaphore_mem>>) {add = true}
        %ge3A_247 = arith.constant 2 : i32
        %ge3A_248 = arith.cmpi sge, %add3A_234, %ge3A_247 : i32
        %convert_element_type3A_249 = arith.extui %ge3A_248 : i1 to i32
        %cond3A_250 = arith.constant 0 : i32
        %cond3A_251 = arith.cmpi ne, %convert_element_type3A_249, %cond3A_250 : i32
        scf.if %cond3A_251 {
          %dma_wait3A_315 = arith.constant 0 : i32
          %dma_wait3A_316 = tpu.memref_slice %arg9[%add3A_234, %dma_wait3A_315] : memref<56x128xi32, #tpu.memory_space<vmem>> -> memref<1x128xi32, #tpu.memory_space<vmem>>
          %dma_wait3A_317 = tpu.memref_squeeze %dma_wait3A_316 : memref<1x128xi32, #tpu.memory_space<vmem>> -> memref<128xi32, #tpu.memory_space<vmem>>
          %dma_wait3A_318 = arith.constant 0 : i32
          %dma_wait3A_319 = arith.constant 0 : i32
          %dma_wait3A_320 = tpu.memref_slice %arg22[%dma_wait3A_318, %dma_wait3A_319] : memref<25088x32xf32, #tpu.memory_space<vmem_shared>> -> memref<25088x32xf32, #tpu.memory_space<vmem_shared>>
          tpu.wait_indirect_dma semaphore(%arg24 : memref<!tpu.dma_semaphore, #tpu.memory_space<semaphore_mem>>) src(%arg16 : memref<128x32xf32, #tpu.memory_space<vmem>>) dst(%dma_wait3A_320 : memref<25088x32xf32, #tpu.memory_space<vmem_shared>>)
        } else {
        }
        %add3A_252 = arith.constant 6 : i32
        %add3A_253 = arith.addi %add3A_234, %add3A_252 : i32
        %lt3A_254 = arith.constant 56 : i32
        %lt3A_255 = arith.cmpi slt, %add3A_253, %lt3A_254 : i32
        %convert_element_type3A_256 = arith.extui %lt3A_255 : i1 to i32
        %cond3A_257 = arith.constant 0 : i32
        %cond3A_258 = arith.cmpi ne, %convert_element_type3A_256, %cond3A_257 : i32
        scf.if %cond3A_258 {
          %add3A_315 = arith.constant 6 : i32
          %add3A_316 = arith.addi %add3A_234, %add3A_315 : i32
          %dma_start3A_317 = arith.constant 0 : i32
          %dma_start3A_318 = tpu.memref_slice %arg10[%add3A_316, %dma_start3A_317] : memref<56x128xi32, #tpu.memory_space<vmem>> -> memref<1x128xi32, #tpu.memory_space<vmem>>
          %dma_start3A_319 = tpu.memref_squeeze %dma_start3A_318 : memref<1x128xi32, #tpu.memory_space<vmem>> -> memref<128xi32, #tpu.memory_space<vmem>>
          %dma_start3A_320 = arith.constant 0 : i32
          %dma_start3A_321 = arith.constant 0 : i32
          %dma_start3A_322 = tpu.memref_slice %arg8[%dma_start3A_320, %dma_start3A_321] : memref<50176x32xf32, #tpu.memory_space<hbm>> -> memref<50176x32xf32, #tpu.memory_space<hbm>>
          tpu.enqueue_indirect_dma source(%dma_start3A_322 : memref<50176x32xf32, #tpu.memory_space<hbm>>) target(%arg14 : memref<128x32xf32, #tpu.memory_space<vmem>>) offsets(%dma_start3A_319 : memref<128xi32, #tpu.memory_space<vmem>>) semaphore(%arg23 : memref<!tpu.dma_semaphore, #tpu.memory_space<semaphore_mem>>)
        } else {
        }
        %mul3A_259 = arith.constant 8 : i32
        %mul3A_260 = arith.muli %scan3A_94, %mul3A_259 : i32
        %add3A_261 = arith.constant 6 : i32
        %add3A_262 = arith.addi %mul3A_260, %add3A_261 : i32
        %dma_wait3A_263 = arith.constant 0 : i32
        %dma_wait3A_264 = tpu.memref_slice %arg10[%add3A_262, %dma_wait3A_263] : memref<56x128xi32, #tpu.memory_space<vmem>> -> memref<1x128xi32, #tpu.memory_space<vmem>>
        %dma_wait3A_265 = tpu.memref_squeeze %dma_wait3A_264 : memref<1x128xi32, #tpu.memory_space<vmem>> -> memref<128xi32, #tpu.memory_space<vmem>>
        %dma_wait3A_266 = arith.constant 0 : i32
        %dma_wait3A_267 = arith.constant 0 : i32
        %dma_wait3A_268 = tpu.memref_slice %arg8[%dma_wait3A_266, %dma_wait3A_267] : memref<50176x32xf32, #tpu.memory_space<hbm>> -> memref<50176x32xf32, #tpu.memory_space<hbm>>
        tpu.wait_indirect_dma semaphore(%arg23 : memref<!tpu.dma_semaphore, #tpu.memory_space<semaphore_mem>>) src(%dma_wait3A_268 : memref<50176x32xf32, #tpu.memory_space<hbm>>) dst(%arg17 : memref<128x32xf32, #tpu.memory_space<vmem>>)
        %dma_start3A_269 = arith.constant 0 : i32
        %dma_start3A_270 = tpu.memref_slice %arg9[%add3A_262, %dma_start3A_269] : memref<56x128xi32, #tpu.memory_space<vmem>> -> memref<1x128xi32, #tpu.memory_space<vmem>>
        %dma_start3A_271 = tpu.memref_squeeze %dma_start3A_270 : memref<1x128xi32, #tpu.memory_space<vmem>> -> memref<128xi32, #tpu.memory_space<vmem>>
        %dma_start3A_272 = arith.constant 0 : i32
        %dma_start3A_273 = arith.constant 0 : i32
        %dma_start3A_274 = tpu.memref_slice %arg22[%dma_start3A_272, %dma_start3A_273] : memref<25088x32xf32, #tpu.memory_space<vmem_shared>> -> memref<25088x32xf32, #tpu.memory_space<vmem_shared>>
        tpu.enqueue_indirect_dma source(%arg17 : memref<128x32xf32, #tpu.memory_space<vmem>>) target(%dma_start3A_274 : memref<25088x32xf32, #tpu.memory_space<vmem_shared>>) offsets(%dma_start3A_271 : memref<128xi32, #tpu.memory_space<vmem>>) semaphore(%arg24 : memref<!tpu.dma_semaphore, #tpu.memory_space<semaphore_mem>>) {add = true}
        %ge3A_275 = arith.constant 2 : i32
        %ge3A_276 = arith.cmpi sge, %add3A_262, %ge3A_275 : i32
        %convert_element_type3A_277 = arith.extui %ge3A_276 : i1 to i32
        %cond3A_278 = arith.constant 0 : i32
        %cond3A_279 = arith.cmpi ne, %convert_element_type3A_277, %cond3A_278 : i32
        scf.if %cond3A_279 {
          %dma_wait3A_315 = arith.constant 0 : i32
          %dma_wait3A_316 = tpu.memref_slice %arg9[%add3A_262, %dma_wait3A_315] : memref<56x128xi32, #tpu.memory_space<vmem>> -> memref<1x128xi32, #tpu.memory_space<vmem>>
          %dma_wait3A_317 = tpu.memref_squeeze %dma_wait3A_316 : memref<1x128xi32, #tpu.memory_space<vmem>> -> memref<128xi32, #tpu.memory_space<vmem>>
          %dma_wait3A_318 = arith.constant 0 : i32
          %dma_wait3A_319 = arith.constant 0 : i32
          %dma_wait3A_320 = tpu.memref_slice %arg22[%dma_wait3A_318, %dma_wait3A_319] : memref<25088x32xf32, #tpu.memory_space<vmem_shared>> -> memref<25088x32xf32, #tpu.memory_space<vmem_shared>>
          tpu.wait_indirect_dma semaphore(%arg24 : memref<!tpu.dma_semaphore, #tpu.memory_space<semaphore_mem>>) src(%arg17 : memref<128x32xf32, #tpu.memory_space<vmem>>) dst(%dma_wait3A_320 : memref<25088x32xf32, #tpu.memory_space<vmem_shared>>)
        } else {
        }
        %add3A_280 = arith.constant 6 : i32
        %add3A_281 = arith.addi %add3A_262, %add3A_280 : i32
        %lt3A_282 = arith.constant 56 : i32
        %lt3A_283 = arith.cmpi slt, %add3A_281, %lt3A_282 : i32
        %convert_element_type3A_284 = arith.extui %lt3A_283 : i1 to i32
        %cond3A_285 = arith.constant 0 : i32
        %cond3A_286 = arith.cmpi ne, %convert_element_type3A_284, %cond3A_285 : i32
        scf.if %cond3A_286 {
          %add3A_315 = arith.constant 6 : i32
          %add3A_316 = arith.addi %add3A_262, %add3A_315 : i32
          %dma_start3A_317 = arith.constant 0 : i32
          %dma_start3A_318 = tpu.memref_slice %arg10[%add3A_316, %dma_start3A_317] : memref<56x128xi32, #tpu.memory_space<vmem>> -> memref<1x128xi32, #tpu.memory_space<vmem>>
          %dma_start3A_319 = tpu.memref_squeeze %dma_start3A_318 : memref<1x128xi32, #tpu.memory_space<vmem>> -> memref<128xi32, #tpu.memory_space<vmem>>
          %dma_start3A_320 = arith.constant 0 : i32
          %dma_start3A_321 = arith.constant 0 : i32
          %dma_start3A_322 = tpu.memref_slice %arg8[%dma_start3A_320, %dma_start3A_321] : memref<50176x32xf32, #tpu.memory_space<hbm>> -> memref<50176x32xf32, #tpu.memory_space<hbm>>
          tpu.enqueue_indirect_dma source(%dma_start3A_322 : memref<50176x32xf32, #tpu.memory_space<hbm>>) target(%arg15 : memref<128x32xf32, #tpu.memory_space<vmem>>) offsets(%dma_start3A_319 : memref<128xi32, #tpu.memory_space<vmem>>) semaphore(%arg23 : memref<!tpu.dma_semaphore, #tpu.memory_space<semaphore_mem>>)
        } else {
        }
        %mul3A_287 = arith.constant 8 : i32
        %mul3A_288 = arith.muli %scan3A_94, %mul3A_287 : i32
        %add3A_289 = arith.constant 7 : i32
        %add3A_290 = arith.addi %mul3A_288, %add3A_289 : i32
        %dma_wait3A_291 = arith.constant 0 : i32
        %dma_wait3A_292 = tpu.memref_slice %arg10[%add3A_290, %dma_wait3A_291] : memref<56x128xi32, #tpu.memory_space<vmem>> -> memref<1x128xi32, #tpu.memory_space<vmem>>
        %dma_wait3A_293 = tpu.memref_squeeze %dma_wait3A_292 : memref<1x128xi32, #tpu.memory_space<vmem>> -> memref<128xi32, #tpu.memory_space<vmem>>
        %dma_wait3A_294 = arith.constant 0 : i32
        %dma_wait3A_295 = arith.constant 0 : i32
        %dma_wait3A_296 = tpu.memref_slice %arg8[%dma_wait3A_294, %dma_wait3A_295] : memref<50176x32xf32, #tpu.memory_space<hbm>> -> memref<50176x32xf32, #tpu.memory_space<hbm>>
        tpu.wait_indirect_dma semaphore(%arg23 : memref<!tpu.dma_semaphore, #tpu.memory_space<semaphore_mem>>) src(%dma_wait3A_296 : memref<50176x32xf32, #tpu.memory_space<hbm>>) dst(%arg18 : memref<128x32xf32, #tpu.memory_space<vmem>>)
        %dma_start3A_297 = arith.constant 0 : i32
        %dma_start3A_298 = tpu.memref_slice %arg9[%add3A_290, %dma_start3A_297] : memref<56x128xi32, #tpu.memory_space<vmem>> -> memref<1x128xi32, #tpu.memory_space<vmem>>
        %dma_start3A_299 = tpu.memref_squeeze %dma_start3A_298 : memref<1x128xi32, #tpu.memory_space<vmem>> -> memref<128xi32, #tpu.memory_space<vmem>>
        %dma_start3A_300 = arith.constant 0 : i32
        %dma_start3A_301 = arith.constant 0 : i32
        %dma_start3A_302 = tpu.memref_slice %arg22[%dma_start3A_300, %dma_start3A_301] : memref<25088x32xf32, #tpu.memory_space<vmem_shared>> -> memref<25088x32xf32, #tpu.memory_space<vmem_shared>>
        tpu.enqueue_indirect_dma source(%arg18 : memref<128x32xf32, #tpu.memory_space<vmem>>) target(%dma_start3A_302 : memref<25088x32xf32, #tpu.memory_space<vmem_shared>>) offsets(%dma_start3A_299 : memref<128xi32, #tpu.memory_space<vmem>>) semaphore(%arg24 : memref<!tpu.dma_semaphore, #tpu.memory_space<semaphore_mem>>) {add = true}
        %ge3A_303 = arith.constant 2 : i32
        %ge3A_304 = arith.cmpi sge, %add3A_290, %ge3A_303 : i32
        %convert_element_type3A_305 = arith.extui %ge3A_304 : i1 to i32
        %cond3A_306 = arith.constant 0 : i32
        %cond3A_307 = arith.cmpi ne, %convert_element_type3A_305, %cond3A_306 : i32
        scf.if %cond3A_307 {
          %dma_wait3A_315 = arith.constant 0 : i32
          %dma_wait3A_316 = tpu.memref_slice %arg9[%add3A_290, %dma_wait3A_315] : memref<56x128xi32, #tpu.memory_space<vmem>> -> memref<1x128xi32, #tpu.memory_space<vmem>>
          %dma_wait3A_317 = tpu.memref_squeeze %dma_wait3A_316 : memref<1x128xi32, #tpu.memory_space<vmem>> -> memref<128xi32, #tpu.memory_space<vmem>>
          %dma_wait3A_318 = arith.constant 0 : i32
          %dma_wait3A_319 = arith.constant 0 : i32
          %dma_wait3A_320 = tpu.memref_slice %arg22[%dma_wait3A_318, %dma_wait3A_319] : memref<25088x32xf32, #tpu.memory_space<vmem_shared>> -> memref<25088x32xf32, #tpu.memory_space<vmem_shared>>
          tpu.wait_indirect_dma semaphore(%arg24 : memref<!tpu.dma_semaphore, #tpu.memory_space<semaphore_mem>>) src(%arg18 : memref<128x32xf32, #tpu.memory_space<vmem>>) dst(%dma_wait3A_320 : memref<25088x32xf32, #tpu.memory_space<vmem_shared>>)
        } else {
        }
        %add3A_308 = arith.constant 6 : i32
        %add3A_309 = arith.addi %add3A_290, %add3A_308 : i32
        %lt3A_310 = arith.constant 56 : i32
        %lt3A_311 = arith.cmpi slt, %add3A_309, %lt3A_310 : i32
        %convert_element_type3A_312 = arith.extui %lt3A_311 : i1 to i32
        %cond3A_313 = arith.constant 0 : i32
        %cond3A_314 = arith.cmpi ne, %convert_element_type3A_312, %cond3A_313 : i32
        scf.if %cond3A_314 {
          %add3A_315 = arith.constant 6 : i32
          %add3A_316 = arith.addi %add3A_290, %add3A_315 : i32
          %dma_start3A_317 = arith.constant 0 : i32
          %dma_start3A_318 = tpu.memref_slice %arg10[%add3A_316, %dma_start3A_317] : memref<56x128xi32, #tpu.memory_space<vmem>> -> memref<1x128xi32, #tpu.memory_space<vmem>>
          %dma_start3A_319 = tpu.memref_squeeze %dma_start3A_318 : memref<1x128xi32, #tpu.memory_space<vmem>> -> memref<128xi32, #tpu.memory_space<vmem>>
          %dma_start3A_320 = arith.constant 0 : i32
          %dma_start3A_321 = arith.constant 0 : i32
          %dma_start3A_322 = tpu.memref_slice %arg8[%dma_start3A_320, %dma_start3A_321] : memref<50176x32xf32, #tpu.memory_space<hbm>> -> memref<50176x32xf32, #tpu.memory_space<hbm>>
          tpu.enqueue_indirect_dma source(%dma_start3A_322 : memref<50176x32xf32, #tpu.memory_space<hbm>>) target(%arg16 : memref<128x32xf32, #tpu.memory_space<vmem>>) offsets(%dma_start3A_319 : memref<128xi32, #tpu.memory_space<vmem>>) semaphore(%arg23 : memref<!tpu.dma_semaphore, #tpu.memory_space<semaphore_mem>>)
        } else {
        }
      }
      %scan3A_80 = arith.constant 7 : i32
      %dma_wait3A = arith.constant 0 : i32
      %dma_wait3A_81 = arith.constant 0 : i32
      %dma_wait3A_82 = tpu.memref_slice %arg9[%dma_wait3A, %dma_wait3A_81] : memref<56x128xi32, #tpu.memory_space<vmem>> -> memref<1x128xi32, #tpu.memory_space<vmem>>
      %dma_wait3A_83 = tpu.memref_squeeze %dma_wait3A_82 : memref<1x128xi32, #tpu.memory_space<vmem>> -> memref<128xi32, #tpu.memory_space<vmem>>
      %dma_wait3A_84 = arith.constant 0 : i32
      %dma_wait3A_85 = arith.constant 0 : i32
      %dma_wait3A_86 = tpu.memref_slice %arg22[%dma_wait3A_84, %dma_wait3A_85] : memref<25088x32xf32, #tpu.memory_space<vmem_shared>> -> memref<25088x32xf32, #tpu.memory_space<vmem_shared>>
      tpu.wait_indirect_dma semaphore(%arg24 : memref<!tpu.dma_semaphore, #tpu.memory_space<semaphore_mem>>) src(%arg11 : memref<128x32xf32, #tpu.memory_space<vmem>>) dst(%dma_wait3A_86 : memref<25088x32xf32, #tpu.memory_space<vmem_shared>>)
      %dma_wait3A_87 = arith.constant 0 : i32
      %dma_wait3A_88 = arith.constant 0 : i32
      %dma_wait3A_89 = tpu.memref_slice %arg9[%dma_wait3A_87, %dma_wait3A_88] : memref<56x128xi32, #tpu.memory_space<vmem>> -> memref<1x128xi32, #tpu.memory_space<vmem>>
      %dma_wait3A_90 = tpu.memref_squeeze %dma_wait3A_89 : memref<1x128xi32, #tpu.memory_space<vmem>> -> memref<128xi32, #tpu.memory_space<vmem>>
      %dma_wait3A_91 = arith.constant 0 : i32
      %dma_wait3A_92 = arith.constant 0 : i32
      %dma_wait3A_93 = tpu.memref_slice %arg22[%dma_wait3A_91, %dma_wait3A_92] : memref<25088x32xf32, #tpu.memory_space<vmem_shared>> -> memref<25088x32xf32, #tpu.memory_space<vmem_shared>>
      tpu.wait_indirect_dma semaphore(%arg24 : memref<!tpu.dma_semaphore, #tpu.memory_space<semaphore_mem>>) src(%arg11 : memref<128x32xf32, #tpu.memory_space<vmem>>) dst(%dma_wait3A_93 : memref<25088x32xf32, #tpu.memory_space<vmem_shared>>)
    }
    %scan3A_20 = arith.constant 7 : i32
    %barrier3A_21 = arith.constant 0 : index
    tpu.barrier barrier_id(%barrier3A_21)
    %scan3A_22 = arith.constant 0 : i32
    %scan3A_23 = arith.constant 0 : i32
    %scan3A_24 = arith.constant 7 : i32
    %scan3A_25 = arith.addi %scan3A_23, %scan3A_24 : i32
    %scan3A_26 = arith.constant 1 : i32
    scf.for %scan3A_28 = %scan3A_23 to %scan3A_25 step %scan3A_26  : i32 {
      %mul3A_29 = arith.constant 224 : i32
      %mul3A_30 = arith.muli %scan3A_28, %mul3A_29 : i32
      %add3A_31 = arith.addi %mul3A_2, %mul3A_30 : i32
      %mul3A_32 = arith.constant 224 : i32
      %mul3A_33 = arith.muli %scan3A_28, %mul3A_32 : i32
      %add3A_34 = arith.addi %add3A_5, %mul3A_33 : i32
      "tpu.region"() ({
        %run_scoped3A = tpu.sem_alloc : memref<!tpu.dma_semaphore, #tpu.memory_space<semaphore_mem>>
        %dma_start3A = arith.constant 0 : i32
        %dma_start3A_41 = tpu.memref_slice %arg22[%add3A_31, %dma_start3A] : memref<25088x32xf32, #tpu.memory_space<vmem_shared>> -> memref<224x32xf32, #tpu.memory_space<vmem_shared>>
        %dma_start3A_42 = arith.constant 0 : i32
        %dma_start3A_43 = tpu.memref_slice %arg22[%add3A_31, %dma_start3A_42] : memref<25088x32xf32, #tpu.memory_space<vmem_shared>> -> memref<224x32xf32, #tpu.memory_space<vmem_shared>>
        tpu.enqueue_dma source(%dma_start3A_43 : memref<224x32xf32, #tpu.memory_space<vmem_shared>>) target(%arg19 : memref<224x32xf32, #tpu.memory_space<vmem>>) target_semaphore(%run_scoped3A : memref<!tpu.dma_semaphore, #tpu.memory_space<semaphore_mem>>)
        %dma_wait3A = arith.constant 0 : i32
        %dma_wait3A_44 = tpu.memref_slice %arg22[%add3A_31, %dma_wait3A] : memref<25088x32xf32, #tpu.memory_space<vmem_shared>> -> memref<224x32xf32, #tpu.memory_space<vmem_shared>>
        %dma_wait3A_45 = arith.constant 0 : i32
        %dma_wait3A_46 = tpu.memref_slice %arg22[%add3A_31, %dma_wait3A_45] : memref<25088x32xf32, #tpu.memory_space<vmem_shared>> -> memref<224x32xf32, #tpu.memory_space<vmem_shared>>
        tpu.wait_dma2 semaphore(%run_scoped3A : memref<!tpu.dma_semaphore, #tpu.memory_space<semaphore_mem>>) src(%dma_wait3A_46 : memref<224x32xf32, #tpu.memory_space<vmem_shared>>) dst(%arg19 : memref<224x32xf32, #tpu.memory_space<vmem>>)
        tpu.yield
      }) : () -> ()
      "tpu.region"() ({
        %run_scoped3A = tpu.sem_alloc : memref<!tpu.dma_semaphore, #tpu.memory_space<semaphore_mem>>
        %dma_start3A = arith.constant 0 : i32
        %dma_start3A_41 = tpu.memref_slice %arg2[%add3A_34, %dma_start3A] : memref<50176x16xf32, #tpu.memory_space<hbm>> -> memref<224x16xf32, #tpu.memory_space<hbm>>
        %dma_start3A_42 = arith.constant 0 : i32
        %dma_start3A_43 = tpu.memref_slice %arg2[%add3A_34, %dma_start3A_42] : memref<50176x16xf32, #tpu.memory_space<hbm>> -> memref<224x16xf32, #tpu.memory_space<hbm>>
        tpu.enqueue_dma source(%dma_start3A_43 : memref<224x16xf32, #tpu.memory_space<hbm>>) target(%arg20 : memref<224x16xf32, #tpu.memory_space<vmem>>) target_semaphore(%run_scoped3A : memref<!tpu.dma_semaphore, #tpu.memory_space<semaphore_mem>>)
        %dma_wait3A = arith.constant 0 : i32
        %dma_wait3A_44 = tpu.memref_slice %arg2[%add3A_34, %dma_wait3A] : memref<50176x16xf32, #tpu.memory_space<hbm>> -> memref<224x16xf32, #tpu.memory_space<hbm>>
        %dma_wait3A_45 = arith.constant 0 : i32
        %dma_wait3A_46 = tpu.memref_slice %arg2[%add3A_34, %dma_wait3A_45] : memref<50176x16xf32, #tpu.memory_space<hbm>> -> memref<224x16xf32, #tpu.memory_space<hbm>>
        tpu.wait_dma2 semaphore(%run_scoped3A : memref<!tpu.dma_semaphore, #tpu.memory_space<semaphore_mem>>) src(%dma_wait3A_46 : memref<224x16xf32, #tpu.memory_space<hbm>>) dst(%arg20 : memref<224x16xf32, #tpu.memory_space<vmem>>)
        tpu.yield
      }) : () -> ()
      %scan3A_35 = arith.constant 0 : i32
      %scan3A_36 = arith.constant 0 : i32
      %scan3A_37 = arith.constant 112 : i32
      %scan3A_38 = arith.addi %scan3A_36, %scan3A_37 : i32
      %scan3A_39 = arith.constant 1 : i32
      scf.for %scan3A_41 = %scan3A_36 to %scan3A_38 step %scan3A_39  : i32 {
        %mul3A_42 = arith.constant 2 : i32
        %mul3A_43 = arith.muli %scan3A_41, %mul3A_42 : i32
        %add3A_44 = arith.constant 0 : i32
        %add3A_45 = arith.addi %mul3A_43, %add3A_44 : i32
        %get3A = arith.index_cast %add3A_45 : i32 to index
        %get3A_46 = arith.constant 0 : index
        %get3A_47 = tpu.vector_load %arg20[%get3A, %get3A_46] {strides = array<i32>} : memref<224x16xf32, #tpu.memory_space<vmem>>, vector<16xf32>,
        %mul3A_48 = arith.constant 5.000000e-01 : f32
        %mul3A_49 = vector.broadcast %mul3A_48 : f32 to vector<16xf32>
        %mul3A_50 = arith.mulf %get3A_47, %mul3A_49 : vector<16xf32>
        %get3A_51 = arith.index_cast %add3A_45 : i32 to index
        %get3A_52 = arith.constant 0 : index
        %get3A_53 = tpu.vector_load %arg19[%get3A_51, %get3A_52] {strides = array<i32>} : memref<224x32xf32, #tpu.memory_space<vmem>>, vector<16xf32>,
        %mul3A_54 = arith.mulf %get3A_53, %mul3A_50 : vector<16xf32>
        %swap3A = arith.index_cast %add3A_45 : i32 to index
        %swap3A_55 = arith.constant 0 : index
        %swap3A_56 = tpu.vector_load %arg21[%swap3A, %swap3A_55] {strides = array<i32>} : memref<224x32xf32, #tpu.memory_space<vmem>>, vector<16xf32>,
        tpu.vector_store %arg21[%swap3A, %swap3A_55], %mul3A_54 {strides = array<i32>} : memref<224x32xf32, #tpu.memory_space<vmem>>, vector<16xf32>,
        %get3A_57 = arith.index_cast %add3A_45 : i32 to index
        %get3A_58 = arith.constant 16 : index
        %get3A_59 = tpu.vector_load %arg19[%get3A_57, %get3A_58] {strides = array<i32>} : memref<224x32xf32, #tpu.memory_space<vmem>>, vector<16xf32>,
        %mul3A_60 = arith.mulf %get3A_59, %mul3A_50 : vector<16xf32>
        %swap3A_61 = arith.index_cast %add3A_45 : i32 to index
        %swap3A_62 = arith.constant 16 : index
        %swap3A_63 = tpu.vector_load %arg21[%swap3A_61, %swap3A_62] {strides = array<i32>} : memref<224x32xf32, #tpu.memory_space<vmem>>, vector<16xf32>,
        tpu.vector_store %arg21[%swap3A_61, %swap3A_62], %mul3A_60 {strides = array<i32>} : memref<224x32xf32, #tpu.memory_space<vmem>>, vector<16xf32>,
        %mul3A_64 = arith.constant 2 : i32
        %mul3A_65 = arith.muli %scan3A_41, %mul3A_64 : i32
        %add3A_66 = arith.constant 1 : i32
        %add3A_67 = arith.addi %mul3A_65, %add3A_66 : i32
        %get3A_68 = arith.index_cast %add3A_67 : i32 to index
        %get3A_69 = arith.constant 0 : index
        %get3A_70 = tpu.vector_load %arg20[%get3A_68, %get3A_69] {strides = array<i32>} : memref<224x16xf32, #tpu.memory_space<vmem>>, vector<16xf32>,
        %mul3A_71 = arith.constant 5.000000e-01 : f32
        %mul3A_72 = vector.broadcast %mul3A_71 : f32 to vector<16xf32>
        %mul3A_73 = arith.mulf %get3A_70, %mul3A_72 : vector<16xf32>
        %get3A_74 = arith.index_cast %add3A_67 : i32 to index
        %get3A_75 = arith.constant 0 : index
        %get3A_76 = tpu.vector_load %arg19[%get3A_74, %get3A_75] {strides = array<i32>} : memref<224x32xf32, #tpu.memory_space<vmem>>, vector<16xf32>,
        %mul3A_77 = arith.mulf %get3A_76, %mul3A_73 : vector<16xf32>
        %swap3A_78 = arith.index_cast %add3A_67 : i32 to index
        %swap3A_79 = arith.constant 0 : index
        %swap3A_80 = tpu.vector_load %arg21[%swap3A_78, %swap3A_79] {strides = array<i32>} : memref<224x32xf32, #tpu.memory_space<vmem>>, vector<16xf32>,
        tpu.vector_store %arg21[%swap3A_78, %swap3A_79], %mul3A_77 {strides = array<i32>} : memref<224x32xf32, #tpu.memory_space<vmem>>, vector<16xf32>,
        %get3A_81 = arith.index_cast %add3A_67 : i32 to index
        %get3A_82 = arith.constant 16 : index
        %get3A_83 = tpu.vector_load %arg19[%get3A_81, %get3A_82] {strides = array<i32>} : memref<224x32xf32, #tpu.memory_space<vmem>>, vector<16xf32>,
        %mul3A_84 = arith.mulf %get3A_83, %mul3A_73 : vector<16xf32>
        %swap3A_85 = arith.index_cast %add3A_67 : i32 to index
        %swap3A_86 = arith.constant 16 : index
        %swap3A_87 = tpu.vector_load %arg21[%swap3A_85, %swap3A_86] {strides = array<i32>} : memref<224x32xf32, #tpu.memory_space<vmem>>, vector<16xf32>,
        tpu.vector_store %arg21[%swap3A_85, %swap3A_86], %mul3A_84 {strides = array<i32>} : memref<224x32xf32, #tpu.memory_space<vmem>>, vector<16xf32>,
      }
      %scan3A_40 = arith.constant 112 : i32
      "tpu.region"() ({
        %run_scoped3A = tpu.sem_alloc : memref<!tpu.dma_semaphore, #tpu.memory_space<semaphore_mem>>
        %dma_start3A = arith.constant 0 : i32
        %dma_start3A_41 = tpu.memref_slice %arg7[%add3A_34, %dma_start3A] : memref<50176x32xf32, #tpu.memory_space<hbm>> -> memref<224x32xf32, #tpu.memory_space<hbm>>
        %dma_start3A_42 = arith.constant 0 : i32
        %dma_start3A_43 = tpu.memref_slice %arg7[%add3A_34, %dma_start3A_42] : memref<50176x32xf32, #tpu.memory_space<hbm>> -> memref<224x32xf32, #tpu.memory_space<hbm>>
        tpu.enqueue_dma source(%arg21 : memref<224x32xf32, #tpu.memory_space<vmem>>) target(%dma_start3A_43 : memref<224x32xf32, #tpu.memory_space<hbm>>) target_semaphore(%run_scoped3A : memref<!tpu.dma_semaphore, #tpu.memory_space<semaphore_mem>>)
        %dma_wait3A = arith.constant 0 : i32
        %dma_wait3A_44 = tpu.memref_slice %arg7[%add3A_34, %dma_wait3A] : memref<50176x32xf32, #tpu.memory_space<hbm>> -> memref<224x32xf32, #tpu.memory_space<hbm>>
        %dma_wait3A_45 = arith.constant 0 : i32
        %dma_wait3A_46 = tpu.memref_slice %arg7[%add3A_34, %dma_wait3A_45] : memref<50176x32xf32, #tpu.memory_space<hbm>> -> memref<224x32xf32, #tpu.memory_space<hbm>>
        tpu.wait_dma2 semaphore(%run_scoped3A : memref<!tpu.dma_semaphore, #tpu.memory_space<semaphore_mem>>) src(%arg21 : memref<224x32xf32, #tpu.memory_space<vmem>>) dst(%dma_wait3A_46 : memref<224x32xf32, #tpu.memory_space<hbm>>)
        tpu.yield
      }) : () -> ()
    }
    %scan3A_27 = arith.constant 7 : i32
    return
  }
}

#map = affine_map<(d0, d1) -> (0, 0)>
module attributes {stable_mosaic.version = 14 : i64} {
  func.func @_sc_degrees(%arg0: i32, %arg1: i32, %arg2: memref<12544x128xi32, #tpu.memory_space<hbm>>, %arg3: memref<128x16xf32, #tpu.memory_space<hbm>>, %arg4: memref<25088x16xf32, #tpu.memory_space<hbm>>, %arg5: memref<50176x16xf32, #tpu.memory_space<hbm>>, %arg6: memref<392x128xi32, #tpu.memory_space<vmem>>, %arg7: memref<128x16xf32, #tpu.memory_space<vmem>>, %arg8: memref<224x16xf32, #tpu.memory_space<vmem>>, %arg9: memref<25088x16xf32, #tpu.memory_space<vmem_shared>>, %arg10: memref<!tpu.dma_semaphore, #tpu.memory_space<semaphore_mem>>) attributes {dimension_semantics = [#tpu.dimension_semantics<core_parallel>, #tpu.dimension_semantics<subcore_parallel>], iteration_bounds = array<i64: 2, 16>, scalar_prefetch = 0 : i64, scratch_operands = 5 : i64, tpu.core_type = #tpu.core_type<sc_vector_subcore>, window_params = [{transform_indices = #map}, {transform_indices = #map}, {transform_indices = #map}, {transform_indices = #map}]} {
    %mul3A = arith.constant 16 : i32
    %mul3A_0 = arith.muli %arg0, %mul3A : i32
    %add3A = arith.addi %mul3A_0, %arg1 : i32
    %mul3A_1 = arith.constant 1568 : i32
    %mul3A_2 = arith.muli %arg1, %mul3A_1 : i32
    "tpu.region"() ({
      %run_scoped3A = tpu.sem_alloc : memref<!tpu.dma_semaphore, #tpu.memory_space<semaphore_mem>>
      %dma_start3A = arith.constant 0 : i32
      %dma_start3A_37 = tpu.memref_slice %arg9[%mul3A_2, %dma_start3A] : memref<25088x16xf32, #tpu.memory_space<vmem_shared>> -> memref<1568x16xf32, #tpu.memory_space<vmem_shared>>
      %dma_start3A_38 = arith.constant 0 : i32
      %dma_start3A_39 = tpu.memref_slice %arg4[%mul3A_2, %dma_start3A_38] : memref<25088x16xf32, #tpu.memory_space<hbm>> -> memref<1568x16xf32, #tpu.memory_space<hbm>>
      tpu.enqueue_dma source(%dma_start3A_39 : memref<1568x16xf32, #tpu.memory_space<hbm>>) target(%dma_start3A_37 : memref<1568x16xf32, #tpu.memory_space<vmem_shared>>) target_semaphore(%run_scoped3A : memref<!tpu.dma_semaphore, #tpu.memory_space<semaphore_mem>>)
      %dma_wait3A_40 = arith.constant 0 : i32
      %dma_wait3A_41 = tpu.memref_slice %arg9[%mul3A_2, %dma_wait3A_40] : memref<25088x16xf32, #tpu.memory_space<vmem_shared>> -> memref<1568x16xf32, #tpu.memory_space<vmem_shared>>
      %dma_wait3A_42 = arith.constant 0 : i32
      %dma_wait3A_43 = tpu.memref_slice %arg4[%mul3A_2, %dma_wait3A_42] : memref<25088x16xf32, #tpu.memory_space<hbm>> -> memref<1568x16xf32, #tpu.memory_space<hbm>>
      tpu.wait_dma2 semaphore(%run_scoped3A : memref<!tpu.dma_semaphore, #tpu.memory_space<semaphore_mem>>) src(%dma_wait3A_43 : memref<1568x16xf32, #tpu.memory_space<hbm>>) dst(%dma_wait3A_41 : memref<1568x16xf32, #tpu.memory_space<vmem_shared>>)
      tpu.yield
    }) : () -> ()
    "tpu.region"() ({
      %run_scoped3A = tpu.sem_alloc : memref<!tpu.dma_semaphore, #tpu.memory_space<semaphore_mem>>
      tpu.enqueue_dma source(%arg3 : memref<128x16xf32, #tpu.memory_space<hbm>>) target(%arg7 : memref<128x16xf32, #tpu.memory_space<vmem>>) target_semaphore(%run_scoped3A : memref<!tpu.dma_semaphore, #tpu.memory_space<semaphore_mem>>)
      tpu.wait_dma2 semaphore(%run_scoped3A : memref<!tpu.dma_semaphore, #tpu.memory_space<semaphore_mem>>) src(%arg3 : memref<128x16xf32, #tpu.memory_space<hbm>>) dst(%arg7 : memref<128x16xf32, #tpu.memory_space<vmem>>)
      tpu.yield
    }) : () -> ()
    %mul3A_3 = arith.constant 392 : i32
    %mul3A_4 = arith.muli %add3A, %mul3A_3 : i32
    "tpu.region"() ({
      %run_scoped3A = tpu.sem_alloc : memref<!tpu.dma_semaphore, #tpu.memory_space<semaphore_mem>>
      %dma_start3A = arith.constant 0 : i32
      %dma_start3A_37 = tpu.memref_slice %arg2[%mul3A_4, %dma_start3A] : memref<12544x128xi32, #tpu.memory_space<hbm>> -> memref<392x128xi32, #tpu.memory_space<hbm>>
      %dma_start3A_38 = arith.constant 0 : i32
      %dma_start3A_39 = tpu.memref_slice %arg2[%mul3A_4, %dma_start3A_38] : memref<12544x128xi32, #tpu.memory_space<hbm>> -> memref<392x128xi32, #tpu.memory_space<hbm>>
      tpu.enqueue_dma source(%dma_start3A_39 : memref<392x128xi32, #tpu.memory_space<hbm>>) target(%arg6 : memref<392x128xi32, #tpu.memory_space<vmem>>) target_semaphore(%run_scoped3A : memref<!tpu.dma_semaphore, #tpu.memory_space<semaphore_mem>>)
      %dma_wait3A_40 = arith.constant 0 : i32
      %dma_wait3A_41 = tpu.memref_slice %arg2[%mul3A_4, %dma_wait3A_40] : memref<12544x128xi32, #tpu.memory_space<hbm>> -> memref<392x128xi32, #tpu.memory_space<hbm>>
      %dma_wait3A_42 = arith.constant 0 : i32
      %dma_wait3A_43 = tpu.memref_slice %arg2[%mul3A_4, %dma_wait3A_42] : memref<12544x128xi32, #tpu.memory_space<hbm>> -> memref<392x128xi32, #tpu.memory_space<hbm>>
      tpu.wait_dma2 semaphore(%run_scoped3A : memref<!tpu.dma_semaphore, #tpu.memory_space<semaphore_mem>>) src(%dma_wait3A_43 : memref<392x128xi32, #tpu.memory_space<hbm>>) dst(%arg6 : memref<392x128xi32, #tpu.memory_space<vmem>>)
      tpu.yield
    }) : () -> ()
    %barrier3A = arith.constant 0 : index
    tpu.barrier barrier_id(%barrier3A)
    %scan3A = arith.constant 0 : i32
    %scan3A_5 = arith.constant 0 : i32
    %scan3A_6 = arith.constant 392 : i32
    %scan3A_7 = arith.addi %scan3A_5, %scan3A_6 : i32
    %scan3A_8 = arith.constant 1 : i32
    scf.for %scan3A_37 = %scan3A_5 to %scan3A_7 step %scan3A_8  : i32 {
      %dma_start3A = arith.constant 0 : i32
      %dma_start3A_38 = tpu.memref_slice %arg6[%scan3A_37, %dma_start3A] : memref<392x128xi32, #tpu.memory_space<vmem>> -> memref<1x128xi32, #tpu.memory_space<vmem>>
      %dma_start3A_39 = tpu.memref_squeeze %dma_start3A_38 : memref<1x128xi32, #tpu.memory_space<vmem>> -> memref<128xi32, #tpu.memory_space<vmem>>
      %dma_start3A_40 = arith.constant 0 : i32
      %dma_start3A_41 = arith.constant 0 : i32
      %dma_start3A_42 = tpu.memref_slice %arg9[%dma_start3A_40, %dma_start3A_41] : memref<25088x16xf32, #tpu.memory_space<vmem_shared>> -> memref<25088x16xf32, #tpu.memory_space<vmem_shared>>
      tpu.enqueue_indirect_dma source(%arg7 : memref<128x16xf32, #tpu.memory_space<vmem>>) target(%dma_start3A_42 : memref<25088x16xf32, #tpu.memory_space<vmem_shared>>) offsets(%dma_start3A_39 : memref<128xi32, #tpu.memory_space<vmem>>) semaphore(%arg10 : memref<!tpu.dma_semaphore, #tpu.memory_space<semaphore_mem>>) {add = true}
      %ge3A = arith.constant 3 : i32
      %ge3A_43 = arith.cmpi sge, %scan3A_37, %ge3A : i32
      %convert_element_type3A = arith.extui %ge3A_43 : i1 to i32
      %cond3A = arith.constant 0 : i32
      %cond3A_44 = arith.cmpi ne, %convert_element_type3A, %cond3A : i32
      scf.if %cond3A_44 {
        %dma_wait3A_45 = arith.constant 0 : i32
        %dma_wait3A_46 = tpu.memref_slice %arg6[%scan3A_37, %dma_wait3A_45] : memref<392x128xi32, #tpu.memory_space<vmem>> -> memref<1x128xi32, #tpu.memory_space<vmem>>
        %dma_wait3A_47 = tpu.memref_squeeze %dma_wait3A_46 : memref<1x128xi32, #tpu.memory_space<vmem>> -> memref<128xi32, #tpu.memory_space<vmem>>
        %dma_wait3A_48 = arith.constant 0 : i32
        %dma_wait3A_49 = arith.constant 0 : i32
        %dma_wait3A_50 = tpu.memref_slice %arg9[%dma_wait3A_48, %dma_wait3A_49] : memref<25088x16xf32, #tpu.memory_space<vmem_shared>> -> memref<25088x16xf32, #tpu.memory_space<vmem_shared>>
        tpu.wait_indirect_dma semaphore(%arg10 : memref<!tpu.dma_semaphore, #tpu.memory_space<semaphore_mem>>) src(%arg7 : memref<128x16xf32, #tpu.memory_space<vmem>>) dst(%dma_wait3A_50 : memref<25088x16xf32, #tpu.memory_space<vmem_shared>>)
      } else {
      }
    }
    %scan3A_9 = arith.constant 392 : i32
    %dma_wait3A = arith.constant 0 : i32
    %dma_wait3A_10 = arith.constant 0 : i32
    %dma_wait3A_11 = tpu.memref_slice %arg6[%dma_wait3A, %dma_wait3A_10] : memref<392x128xi32, #tpu.memory_space<vmem>> -> memref<1x128xi32, #tpu.memory_space<vmem>>
    %dma_wait3A_12 = tpu.memref_squeeze %dma_wait3A_11 : memref<1x128xi32, #tpu.memory_space<vmem>> -> memref<128xi32, #tpu.memory_space<vmem>>
    %dma_wait3A_13 = arith.constant 0 : i32
    %dma_wait3A_14 = arith.constant 0 : i32
    %dma_wait3A_15 = tpu.memref_slice %arg9[%dma_wait3A_13, %dma_wait3A_14] : memref<25088x16xf32, #tpu.memory_space<vmem_shared>> -> memref<25088x16xf32, #tpu.memory_space<vmem_shared>>
    tpu.wait_indirect_dma semaphore(%arg10 : memref<!tpu.dma_semaphore, #tpu.memory_space<semaphore_mem>>) src(%arg7 : memref<128x16xf32, #tpu.memory_space<vmem>>) dst(%dma_wait3A_15 : memref<25088x16xf32, #tpu.memory_space<vmem_shared>>)
    %dma_wait3A_16 = arith.constant 0 : i32
    %dma_wait3A_17 = arith.constant 0 : i32
    %dma_wait3A_18 = tpu.memref_slice %arg6[%dma_wait3A_16, %dma_wait3A_17] : memref<392x128xi32, #tpu.memory_space<vmem>> -> memref<1x128xi32, #tpu.memory_space<vmem>>
    %dma_wait3A_19 = tpu.memref_squeeze %dma_wait3A_18 : memref<1x128xi32, #tpu.memory_space<vmem>> -> memref<128xi32, #tpu.memory_space<vmem>>
    %dma_wait3A_20 = arith.constant 0 : i32
    %dma_wait3A_21 = arith.constant 0 : i32
    %dma_wait3A_22 = tpu.memref_slice %arg9[%dma_wait3A_20, %dma_wait3A_21] : memref<25088x16xf32, #tpu.memory_space<vmem_shared>> -> memref<25088x16xf32, #tpu.memory_space<vmem_shared>>
    tpu.wait_indirect_dma semaphore(%arg10 : memref<!tpu.dma_semaphore, #tpu.memory_space<semaphore_mem>>) src(%arg7 : memref<128x16xf32, #tpu.memory_space<vmem>>) dst(%dma_wait3A_22 : memref<25088x16xf32, #tpu.memory_space<vmem_shared>>)
    %dma_wait3A_23 = arith.constant 0 : i32
    %dma_wait3A_24 = arith.constant 0 : i32
    %dma_wait3A_25 = tpu.memref_slice %arg6[%dma_wait3A_23, %dma_wait3A_24] : memref<392x128xi32, #tpu.memory_space<vmem>> -> memref<1x128xi32, #tpu.memory_space<vmem>>
    %dma_wait3A_26 = tpu.memref_squeeze %dma_wait3A_25 : memref<1x128xi32, #tpu.memory_space<vmem>> -> memref<128xi32, #tpu.memory_space<vmem>>
    %dma_wait3A_27 = arith.constant 0 : i32
    %dma_wait3A_28 = arith.constant 0 : i32
    %dma_wait3A_29 = tpu.memref_slice %arg9[%dma_wait3A_27, %dma_wait3A_28] : memref<25088x16xf32, #tpu.memory_space<vmem_shared>> -> memref<25088x16xf32, #tpu.memory_space<vmem_shared>>
    tpu.wait_indirect_dma semaphore(%arg10 : memref<!tpu.dma_semaphore, #tpu.memory_space<semaphore_mem>>) src(%arg7 : memref<128x16xf32, #tpu.memory_space<vmem>>) dst(%dma_wait3A_29 : memref<25088x16xf32, #tpu.memory_space<vmem_shared>>)
    %barrier3A_30 = arith.constant 0 : index
    tpu.barrier barrier_id(%barrier3A_30)
    %scan3A_31 = arith.constant 0 : i32
    %scan3A_32 = arith.constant 0 : i32
    %scan3A_33 = arith.constant 7 : i32
    %scan3A_34 = arith.addi %scan3A_32, %scan3A_33 : i32
    %scan3A_35 = arith.constant 1 : i32
    scf.for %scan3A_37 = %scan3A_32 to %scan3A_34 step %scan3A_35  : i32 {
      %mul3A_38 = arith.constant 224 : i32
      %mul3A_39 = arith.muli %scan3A_37, %mul3A_38 : i32
      %add3A_40 = arith.addi %mul3A_2, %mul3A_39 : i32
      "tpu.region"() ({
        %run_scoped3A = tpu.sem_alloc : memref<!tpu.dma_semaphore, #tpu.memory_space<semaphore_mem>>
        %dma_start3A = arith.constant 0 : i32
        %dma_start3A_50 = tpu.memref_slice %arg9[%add3A_40, %dma_start3A] : memref<25088x16xf32, #tpu.memory_space<vmem_shared>> -> memref<224x16xf32, #tpu.memory_space<vmem_shared>>
        %dma_start3A_51 = arith.constant 0 : i32
        %dma_start3A_52 = tpu.memref_slice %arg9[%add3A_40, %dma_start3A_51] : memref<25088x16xf32, #tpu.memory_space<vmem_shared>> -> memref<224x16xf32, #tpu.memory_space<vmem_shared>>
        tpu.enqueue_dma source(%dma_start3A_52 : memref<224x16xf32, #tpu.memory_space<vmem_shared>>) target(%arg8 : memref<224x16xf32, #tpu.memory_space<vmem>>) target_semaphore(%run_scoped3A : memref<!tpu.dma_semaphore, #tpu.memory_space<semaphore_mem>>)
        %dma_wait3A_53 = arith.constant 0 : i32
        %dma_wait3A_54 = tpu.memref_slice %arg9[%add3A_40, %dma_wait3A_53] : memref<25088x16xf32, #tpu.memory_space<vmem_shared>> -> memref<224x16xf32, #tpu.memory_space<vmem_shared>>
        %dma_wait3A_55 = arith.constant 0 : i32
        %dma_wait3A_56 = tpu.memref_slice %arg9[%add3A_40, %dma_wait3A_55] : memref<25088x16xf32, #tpu.memory_space<vmem_shared>> -> memref<224x16xf32, #tpu.memory_space<vmem_shared>>
        tpu.wait_dma2 semaphore(%run_scoped3A : memref<!tpu.dma_semaphore, #tpu.memory_space<semaphore_mem>>) src(%dma_wait3A_56 : memref<224x16xf32, #tpu.memory_space<vmem_shared>>) dst(%arg8 : memref<224x16xf32, #tpu.memory_space<vmem>>)
        tpu.yield
      }) : () -> ()
      %scan3A_41 = arith.constant 0 : i32
      %scan3A_42 = arith.constant 0 : i32
      %scan3A_43 = arith.constant 224 : i32
      %scan3A_44 = arith.addi %scan3A_42, %scan3A_43 : i32
      %scan3A_45 = arith.constant 1 : i32
      scf.for %scan3A_50 = %scan3A_42 to %scan3A_44 step %scan3A_45  : i32 {
        %get3A = arith.index_cast %scan3A_50 : i32 to index
        %get3A_51 = arith.constant 0 : index
        %get3A_52 = tpu.vector_load %arg8[%get3A, %get3A_51] {strides = array<i32>} : memref<224x16xf32, #tpu.memory_space<vmem>>, vector<16xf32>,
        %bitcast3A = vector.bitcast %get3A_52 : vector<16xf32> to vector<16xi32>
        %shift_right_logical3A = arith.constant 1 : i32
        %shift_right_logical3A_53 = vector.broadcast %shift_right_logical3A : i32 to vector<16xi32>
        %shift_right_logical3A_54 = arith.shrui %bitcast3A, %shift_right_logical3A_53 : vector<16xi32>
        %sub3A = arith.constant 1597463007 : i32
        %sub3A_55 = vector.broadcast %sub3A : i32 to vector<16xi32>
        %sub3A_56 = arith.subi %sub3A_55, %shift_right_logical3A_54 : vector<16xi32>
        %bitcast3A_57 = vector.bitcast %sub3A_56 : vector<16xi32> to vector<16xf32>
        %mul3A_58 = arith.constant 5.000000e-01 : f32
        %mul3A_59 = vector.broadcast %mul3A_58 : f32 to vector<16xf32>
        %mul3A_60 = arith.mulf %mul3A_59, %get3A_52 : vector<16xf32>
        %mul3A_61 = arith.mulf %mul3A_60, %bitcast3A_57 : vector<16xf32>
        %mul3A_62 = arith.mulf %mul3A_61, %bitcast3A_57 : vector<16xf32>
        %sub3A_63 = arith.constant 1.500000e+00 : f32
        %sub3A_64 = vector.broadcast %sub3A_63 : f32 to vector<16xf32>
        %sub3A_65 = arith.subf %sub3A_64, %mul3A_62 : vector<16xf32>
        %mul3A_66 = arith.mulf %bitcast3A_57, %sub3A_65 : vector<16xf32>
        %mul3A_67 = arith.constant 5.000000e-01 : f32
        %mul3A_68 = vector.broadcast %mul3A_67 : f32 to vector<16xf32>
        %mul3A_69 = arith.mulf %mul3A_68, %get3A_52 : vector<16xf32>
        %mul3A_70 = arith.mulf %mul3A_69, %mul3A_66 : vector<16xf32>
        %mul3A_71 = arith.mulf %mul3A_70, %mul3A_66 : vector<16xf32>
        %sub3A_72 = arith.constant 1.500000e+00 : f32
        %sub3A_73 = vector.broadcast %sub3A_72 : f32 to vector<16xf32>
        %sub3A_74 = arith.subf %sub3A_73, %mul3A_71 : vector<16xf32>
        %mul3A_75 = arith.mulf %mul3A_66, %sub3A_74 : vector<16xf32>
        %mul3A_76 = arith.constant 5.000000e-01 : f32
        %mul3A_77 = vector.broadcast %mul3A_76 : f32 to vector<16xf32>
        %mul3A_78 = arith.mulf %mul3A_77, %get3A_52 : vector<16xf32>
        %mul3A_79 = arith.mulf %mul3A_78, %mul3A_75 : vector<16xf32>
        %mul3A_80 = arith.mulf %mul3A_79, %mul3A_75 : vector<16xf32>
        %sub3A_81 = arith.constant 1.500000e+00 : f32
        %sub3A_82 = vector.broadcast %sub3A_81 : f32 to vector<16xf32>
        %sub3A_83 = arith.subf %sub3A_82, %mul3A_80 : vector<16xf32>
        %mul3A_84 = arith.mulf %mul3A_75, %sub3A_83 : vector<16xf32>
        %swap3A = arith.index_cast %scan3A_50 : i32 to index
        %swap3A_85 = arith.constant 0 : index
        %swap3A_86 = tpu.vector_load %arg8[%swap3A, %swap3A_85] {strides = array<i32>} : memref<224x16xf32, #tpu.memory_space<vmem>>, vector<16xf32>,
        tpu.vector_store %arg8[%swap3A, %swap3A_85], %mul3A_84 {strides = array<i32>} : memref<224x16xf32, #tpu.memory_space<vmem>>, vector<16xf32>,
      }
      %scan3A_46 = arith.constant 224 : i32
      %mul3A_47 = arith.constant 25088 : i32
      %mul3A_48 = arith.muli %arg0, %mul3A_47 : i32
      %add3A_49 = arith.addi %mul3A_48, %add3A_40 : i32
      "tpu.region"() ({
        %run_scoped3A = tpu.sem_alloc : memref<!tpu.dma_semaphore, #tpu.memory_space<semaphore_mem>>
        %dma_start3A = arith.constant 0 : i32
        %dma_start3A_50 = tpu.memref_slice %arg5[%add3A_49, %dma_start3A] : memref<50176x16xf32, #tpu.memory_space<hbm>> -> memref<224x16xf32, #tpu.memory_space<hbm>>
        %dma_start3A_51 = arith.constant 0 : i32
        %dma_start3A_52 = tpu.memref_slice %arg5[%add3A_49, %dma_start3A_51] : memref<50176x16xf32, #tpu.memory_space<hbm>> -> memref<224x16xf32, #tpu.memory_space<hbm>>
        tpu.enqueue_dma source(%arg8 : memref<224x16xf32, #tpu.memory_space<vmem>>) target(%dma_start3A_52 : memref<224x16xf32, #tpu.memory_space<hbm>>) target_semaphore(%run_scoped3A : memref<!tpu.dma_semaphore, #tpu.memory_space<semaphore_mem>>)
        %dma_wait3A_53 = arith.constant 0 : i32
        %dma_wait3A_54 = tpu.memref_slice %arg5[%add3A_49, %dma_wait3A_53] : memref<50176x16xf32, #tpu.memory_space<hbm>> -> memref<224x16xf32, #tpu.memory_space<hbm>>
        %dma_wait3A_55 = arith.constant 0 : i32
        %dma_wait3A_56 = tpu.memref_slice %arg5[%add3A_49, %dma_wait3A_55] : memref<50176x16xf32, #tpu.memory_space<hbm>> -> memref<224x16xf32, #tpu.memory_space<hbm>>
        tpu.wait_dma2 semaphore(%run_scoped3A : memref<!tpu.dma_semaphore, #tpu.memory_space<semaphore_mem>>) src(%arg8 : memref<224x16xf32, #tpu.memory_space<vmem>>) dst(%dma_wait3A_56 : memref<224x16xf32, #tpu.memory_space<hbm>>)
        tpu.yield
      }) : () -> ()
    }
    %scan3A_36 = arith.constant 7 : i32
    return
  }
}

#map = affine_map<(d0, d1) -> (0, 0)>
module attributes {stable_mosaic.version = 14 : i64} {
  func.func @_sc_layer(%arg0: i32, %arg1: i32, %arg2: memref<50176x16xf32, #tpu.memory_space<hbm>>, %arg3: memref<50176x32xf32, #tpu.memory_space<hbm>>, %arg4: memref<12544x128xi32, #tpu.memory_space<hbm>>, %arg5: memref<12544x128xi32, #tpu.memory_space<hbm>>, %arg6: memref<25088x32xf32, #tpu.memory_space<hbm>>, %arg7: memref<50176x32xf32, #tpu.memory_space<hbm>>, %arg8: memref<50176x32xf32, #tpu.memory_space<hbm>>, %arg9: memref<56x128xi32, #tpu.memory_space<vmem>>, %arg10: memref<56x128xi32, #tpu.memory_space<vmem>>, %arg11: memref<128x32xf32, #tpu.memory_space<vmem>>, %arg12: memref<128x32xf32, #tpu.memory_space<vmem>>, %arg13: memref<128x32xf32, #tpu.memory_space<vmem>>, %arg14: memref<128x32xf32, #tpu.memory_space<vmem>>, %arg15: memref<128x32xf32, #tpu.memory_space<vmem>>, %arg16: memref<128x32xf32, #tpu.memory_space<vmem>>, %arg17: memref<128x32xf32, #tpu.memory_space<vmem>>, %arg18: memref<128x32xf32, #tpu.memory_space<vmem>>, %arg19: memref<224x32xf32, #tpu.memory_space<vmem>>, %arg20: memref<224x16xf32, #tpu.memory_space<vmem>>, %arg21: memref<224x32xf32, #tpu.memory_space<vmem>>, %arg22: memref<25088x32xf32, #tpu.memory_space<vmem_shared>>, %arg23: memref<!tpu.dma_semaphore, #tpu.memory_space<semaphore_mem>>, %arg24: memref<!tpu.dma_semaphore, #tpu.memory_space<semaphore_mem>>) attributes {dimension_semantics = [#tpu.dimension_semantics<core_parallel>, #tpu.dimension_semantics<subcore_parallel>], iteration_bounds = array<i64: 2, 16>, scalar_prefetch = 0 : i64, scratch_operands = 16 : i64, tpu.core_type = #tpu.core_type<sc_vector_subcore>, window_params = [{transform_indices = #map}, {transform_indices = #map}, {transform_indices = #map}, {transform_indices = #map}, {transform_indices = #map}, {transform_indices = #map}, {transform_indices = #map}]} {
    %mul3A = arith.constant 16 : i32
    %mul3A_0 = arith.muli %arg0, %mul3A : i32
    %add3A = arith.addi %mul3A_0, %arg1 : i32
    %mul3A_1 = arith.constant 1568 : i32
    %mul3A_2 = arith.muli %arg1, %mul3A_1 : i32
    %mul3A_3 = arith.constant 25088 : i32
    %mul3A_4 = arith.muli %arg0, %mul3A_3 : i32
    %add3A_5 = arith.addi %mul3A_4, %mul3A_2 : i32
    %sub3A = arith.constant 1 : i32
    %sub3A_6 = arith.subi %sub3A, %arg0 : i32
    %mul3A_7 = arith.constant 25088 : i32
    %mul3A_8 = arith.muli %sub3A_6, %mul3A_7 : i32
    %add3A_9 = arith.addi %mul3A_8, %mul3A_2 : i32
    "tpu.region"() ({
      %run_scoped3A = tpu.sem_alloc : memref<!tpu.dma_semaphore, #tpu.memory_space<semaphore_mem>>
      %dma_start3A = arith.constant 0 : i32
      %dma_start3A_28 = tpu.memref_slice %arg22[%mul3A_2, %dma_start3A] : memref<25088x32xf32, #tpu.memory_space<vmem_shared>> -> memref<1568x32xf32, #tpu.memory_space<vmem_shared>>
      %dma_start3A_29 = arith.constant 0 : i32
      %dma_start3A_30 = tpu.memref_slice %arg6[%mul3A_2, %dma_start3A_29] : memref<25088x32xf32, #tpu.memory_space<hbm>> -> memref<1568x32xf32, #tpu.memory_space<hbm>>
      tpu.enqueue_dma source(%dma_start3A_30 : memref<1568x32xf32, #tpu.memory_space<hbm>>) target(%dma_start3A_28 : memref<1568x32xf32, #tpu.memory_space<vmem_shared>>) target_semaphore(%run_scoped3A : memref<!tpu.dma_semaphore, #tpu.memory_space<semaphore_mem>>)
      %dma_wait3A = arith.constant 0 : i32
      %dma_wait3A_31 = tpu.memref_slice %arg22[%mul3A_2, %dma_wait3A] : memref<25088x32xf32, #tpu.memory_space<vmem_shared>> -> memref<1568x32xf32, #tpu.memory_space<vmem_shared>>
      %dma_wait3A_32 = arith.constant 0 : i32
      %dma_wait3A_33 = tpu.memref_slice %arg6[%mul3A_2, %dma_wait3A_32] : memref<25088x32xf32, #tpu.memory_space<hbm>> -> memref<1568x32xf32, #tpu.memory_space<hbm>>
      tpu.wait_dma2 semaphore(%run_scoped3A : memref<!tpu.dma_semaphore, #tpu.memory_space<semaphore_mem>>) src(%dma_wait3A_33 : memref<1568x32xf32, #tpu.memory_space<hbm>>) dst(%dma_wait3A_31 : memref<1568x32xf32, #tpu.memory_space<vmem_shared>>)
      tpu.yield
    }) : () -> ()
    %scan3A = arith.constant 0 : i32
    %scan3A_10 = arith.constant 0 : i32
    %scan3A_11 = arith.constant 7 : i32
    %scan3A_12 = arith.addi %scan3A_10, %scan3A_11 : i32
    %scan3A_13 = arith.constant 1 : i32
    scf.for %scan3A_28 = %scan3A_10 to %scan3A_12 step %scan3A_13  : i32 {
      %mul3A_29 = arith.constant 224 : i32
      %mul3A_30 = arith.muli %scan3A_28, %mul3A_29 : i32
      %add3A_31 = arith.addi %add3A_9, %mul3A_30 : i32
      "tpu.region"() ({
        %run_scoped3A = tpu.sem_alloc : memref<!tpu.dma_semaphore, #tpu.memory_space<semaphore_mem>>
        %dma_start3A = arith.constant 0 : i32
        %dma_start3A_44 = tpu.memref_slice %arg3[%add3A_31, %dma_start3A] : memref<50176x32xf32, #tpu.memory_space<hbm>> -> memref<224x32xf32, #tpu.memory_space<hbm>>
        %dma_start3A_45 = arith.constant 0 : i32
        %dma_start3A_46 = tpu.memref_slice %arg3[%add3A_31, %dma_start3A_45] : memref<50176x32xf32, #tpu.memory_space<hbm>> -> memref<224x32xf32, #tpu.memory_space<hbm>>
        tpu.enqueue_dma source(%dma_start3A_46 : memref<224x32xf32, #tpu.memory_space<hbm>>) target(%arg19 : memref<224x32xf32, #tpu.memory_space<vmem>>) target_semaphore(%run_scoped3A : memref<!tpu.dma_semaphore, #tpu.memory_space<semaphore_mem>>)
        %dma_wait3A = arith.constant 0 : i32
        %dma_wait3A_47 = tpu.memref_slice %arg3[%add3A_31, %dma_wait3A] : memref<50176x32xf32, #tpu.memory_space<hbm>> -> memref<224x32xf32, #tpu.memory_space<hbm>>
        %dma_wait3A_48 = arith.constant 0 : i32
        %dma_wait3A_49 = tpu.memref_slice %arg3[%add3A_31, %dma_wait3A_48] : memref<50176x32xf32, #tpu.memory_space<hbm>> -> memref<224x32xf32, #tpu.memory_space<hbm>>
        tpu.wait_dma2 semaphore(%run_scoped3A : memref<!tpu.dma_semaphore, #tpu.memory_space<semaphore_mem>>) src(%dma_wait3A_49 : memref<224x32xf32, #tpu.memory_space<hbm>>) dst(%arg19 : memref<224x32xf32, #tpu.memory_space<vmem>>)
        tpu.yield
      }) : () -> ()
      "tpu.region"() ({
        %run_scoped3A = tpu.sem_alloc : memref<!tpu.dma_semaphore, #tpu.memory_space<semaphore_mem>>
        %dma_start3A = arith.constant 0 : i32
        %dma_start3A_44 = tpu.memref_slice %arg2[%add3A_31, %dma_start3A] : memref<50176x16xf32, #tpu.memory_space<hbm>> -> memref<224x16xf32, #tpu.memory_space<hbm>>
        %dma_start3A_45 = arith.constant 0 : i32
        %dma_start3A_46 = tpu.memref_slice %arg2[%add3A_31, %dma_start3A_45] : memref<50176x16xf32, #tpu.memory_space<hbm>> -> memref<224x16xf32, #tpu.memory_space<hbm>>
        tpu.enqueue_dma source(%dma_start3A_46 : memref<224x16xf32, #tpu.memory_space<hbm>>) target(%arg20 : memref<224x16xf32, #tpu.memory_space<vmem>>) target_semaphore(%run_scoped3A : memref<!tpu.dma_semaphore, #tpu.memory_space<semaphore_mem>>)
        %dma_wait3A = arith.constant 0 : i32
        %dma_wait3A_47 = tpu.memref_slice %arg2[%add3A_31, %dma_wait3A] : memref<50176x16xf32, #tpu.memory_space<hbm>> -> memref<224x16xf32, #tpu.memory_space<hbm>>
        %dma_wait3A_48 = arith.constant 0 : i32
        %dma_wait3A_49 = tpu.memref_slice %arg2[%add3A_31, %dma_wait3A_48] : memref<50176x16xf32, #tpu.memory_space<hbm>> -> memref<224x16xf32, #tpu.memory_space<hbm>>
        tpu.wait_dma2 semaphore(%run_scoped3A : memref<!tpu.dma_semaphore, #tpu.memory_space<semaphore_mem>>) src(%dma_wait3A_49 : memref<224x16xf32, #tpu.memory_space<hbm>>) dst(%arg20 : memref<224x16xf32, #tpu.memory_space<vmem>>)
        tpu.yield
      }) : () -> ()
      %scan3A_32 = arith.constant 0 : i32
      %scan3A_33 = arith.constant 0 : i32
      %scan3A_34 = arith.constant 112 : i32
      %scan3A_35 = arith.addi %scan3A_33, %scan3A_34 : i32
      %scan3A_36 = arith.constant 1 : i32
      scf.for %scan3A_44 = %scan3A_33 to %scan3A_35 step %scan3A_36  : i32 {
        %mul3A_45 = arith.constant 2 : i32
        %mul3A_46 = arith.muli %scan3A_44, %mul3A_45 : i32
        %add3A_47 = arith.constant 0 : i32
        %add3A_48 = arith.addi %mul3A_46, %add3A_47 : i32
        %get3A = arith.index_cast %add3A_48 : i32 to index
        %get3A_49 = arith.constant 0 : index
        %get3A_50 = tpu.vector_load %arg20[%get3A, %get3A_49] {strides = array<i32>} : memref<224x16xf32, #tpu.memory_space<vmem>>, vector<16xf32>,
        %get3A_51 = arith.index_cast %add3A_48 : i32 to index
        %get3A_52 = arith.constant 0 : index
        %get3A_53 = tpu.vector_load %arg19[%get3A_51, %get3A_52] {strides = array<i32>} : memref<224x32xf32, #tpu.memory_space<vmem>>, vector<16xf32>,
        %mul3A_54 = arith.mulf %get3A_53, %get3A_50 : vector<16xf32>
        %swap3A = arith.index_cast %add3A_48 : i32 to index
        %swap3A_55 = arith.constant 0 : index
        %swap3A_56 = tpu.vector_load %arg21[%swap3A, %swap3A_55] {strides = array<i32>} : memref<224x32xf32, #tpu.memory_space<vmem>>, vector<16xf32>,
        tpu.vector_store %arg21[%swap3A, %swap3A_55], %mul3A_54 {strides = array<i32>} : memref<224x32xf32, #tpu.memory_space<vmem>>, vector<16xf32>,
        %get3A_57 = arith.index_cast %add3A_48 : i32 to index
        %get3A_58 = arith.constant 16 : index
        %get3A_59 = tpu.vector_load %arg19[%get3A_57, %get3A_58] {strides = array<i32>} : memref<224x32xf32, #tpu.memory_space<vmem>>, vector<16xf32>,
        %mul3A_60 = arith.mulf %get3A_59, %get3A_50 : vector<16xf32>
        %swap3A_61 = arith.index_cast %add3A_48 : i32 to index
        %swap3A_62 = arith.constant 16 : index
        %swap3A_63 = tpu.vector_load %arg21[%swap3A_61, %swap3A_62] {strides = array<i32>} : memref<224x32xf32, #tpu.memory_space<vmem>>, vector<16xf32>,
        tpu.vector_store %arg21[%swap3A_61, %swap3A_62], %mul3A_60 {strides = array<i32>} : memref<224x32xf32, #tpu.memory_space<vmem>>, vector<16xf32>,
        %mul3A_64 = arith.constant 2 : i32
        %mul3A_65 = arith.muli %scan3A_44, %mul3A_64 : i32
        %add3A_66 = arith.constant 1 : i32
        %add3A_67 = arith.addi %mul3A_65, %add3A_66 : i32
        %get3A_68 = arith.index_cast %add3A_67 : i32 to index
        %get3A_69 = arith.constant 0 : index
        %get3A_70 = tpu.vector_load %arg20[%get3A_68, %get3A_69] {strides = array<i32>} : memref<224x16xf32, #tpu.memory_space<vmem>>, vector<16xf32>,
        %get3A_71 = arith.index_cast %add3A_67 : i32 to index
        %get3A_72 = arith.constant 0 : index
        %get3A_73 = tpu.vector_load %arg19[%get3A_71, %get3A_72] {strides = array<i32>} : memref<224x32xf32, #tpu.memory_space<vmem>>, vector<16xf32>,
        %mul3A_74 = arith.mulf %get3A_73, %get3A_70 : vector<16xf32>
        %swap3A_75 = arith.index_cast %add3A_67 : i32 to index
        %swap3A_76 = arith.constant 0 : index
        %swap3A_77 = tpu.vector_load %arg21[%swap3A_75, %swap3A_76] {strides = array<i32>} : memref<224x32xf32, #tpu.memory_space<vmem>>, vector<16xf32>,
        tpu.vector_store %arg21[%swap3A_75, %swap3A_76], %mul3A_74 {strides = array<i32>} : memref<224x32xf32, #tpu.memory_space<vmem>>, vector<16xf32>,
        %get3A_78 = arith.index_cast %add3A_67 : i32 to index
        %get3A_79 = arith.constant 16 : index
        %get3A_80 = tpu.vector_load %arg19[%get3A_78, %get3A_79] {strides = array<i32>} : memref<224x32xf32, #tpu.memory_space<vmem>>, vector<16xf32>,
        %mul3A_81 = arith.mulf %get3A_80, %get3A_70 : vector<16xf32>
        %swap3A_82 = arith.index_cast %add3A_67 : i32 to index
        %swap3A_83 = arith.constant 16 : index
        %swap3A_84 = tpu.vector_load %arg21[%swap3A_82, %swap3A_83] {strides = array<i32>} : memref<224x32xf32, #tpu.memory_space<vmem>>, vector<16xf32>,
        tpu.vector_store %arg21[%swap3A_82, %swap3A_83], %mul3A_81 {strides = array<i32>} : memref<224x32xf32, #tpu.memory_space<vmem>>, vector<16xf32>,
      }
      %scan3A_37 = arith.constant 112 : i32
      %mul3A_38 = arith.constant 25088 : i32
      %mul3A_39 = arith.muli %arg0, %mul3A_38 : i32
      %add3A_40 = arith.addi %mul3A_39, %mul3A_2 : i32
      %mul3A_41 = arith.constant 224 : i32
      %mul3A_42 = arith.muli %scan3A_28, %mul3A_41 : i32
      %add3A_43 = arith.addi %add3A_40, %mul3A_42 : i32
      "tpu.region"() ({
        %run_scoped3A = tpu.sem_alloc : memref<!tpu.dma_semaphore, #tpu.memory_space<semaphore_mem>>
        %dma_start3A = arith.constant 0 : i32
        %dma_start3A_44 = tpu.memref_slice %arg8[%add3A_43, %dma_start3A] : memref<50176x32xf32, #tpu.memory_space<hbm>> -> memref<224x32xf32, #tpu.memory_space<hbm>>
        %dma_start3A_45 = arith.constant 0 : i32
        %dma_start3A_46 = tpu.memref_slice %arg8[%add3A_43, %dma_start3A_45] : memref<50176x32xf32, #tpu.memory_space<hbm>> -> memref<224x32xf32, #tpu.memory_space<hbm>>
        tpu.enqueue_dma source(%arg21 : memref<224x32xf32, #tpu.memory_space<vmem>>) target(%dma_start3A_46 : memref<224x32xf32, #tpu.memory_space<hbm>>) target_semaphore(%run_scoped3A : memref<!tpu.dma_semaphore, #tpu.memory_space<semaphore_mem>>)
        %dma_wait3A = arith.constant 0 : i32
        %dma_wait3A_47 = tpu.memref_slice %arg8[%add3A_43, %dma_wait3A] : memref<50176x32xf32, #tpu.memory_space<hbm>> -> memref<224x32xf32, #tpu.memory_space<hbm>>
        %dma_wait3A_48 = arith.constant 0 : i32
        %dma_wait3A_49 = tpu.memref_slice %arg8[%add3A_43, %dma_wait3A_48] : memref<50176x32xf32, #tpu.memory_space<hbm>> -> memref<224x32xf32, #tpu.memory_space<hbm>>
        tpu.wait_dma2 semaphore(%run_scoped3A : memref<!tpu.dma_semaphore, #tpu.memory_space<semaphore_mem>>) src(%arg21 : memref<224x32xf32, #tpu.memory_space<vmem>>) dst(%dma_wait3A_49 : memref<224x32xf32, #tpu.memory_space<hbm>>)
        tpu.yield
      }) : () -> ()
    }
    %scan3A_14 = arith.constant 7 : i32
    %barrier3A = arith.constant 0 : index
    tpu.barrier barrier_id(%barrier3A)
    %scan3A_15 = arith.constant 0 : i32
    %scan3A_16 = arith.constant 0 : i32
    %scan3A_17 = arith.constant 7 : i32
    %scan3A_18 = arith.addi %scan3A_16, %scan3A_17 : i32
    %scan3A_19 = arith.constant 1 : i32
    scf.for %scan3A_28 = %scan3A_16 to %scan3A_18 step %scan3A_19  : i32 {
      %mul3A_29 = arith.constant 392 : i32
      %mul3A_30 = arith.muli %add3A, %mul3A_29 : i32
      %mul3A_31 = arith.constant 56 : i32
      %mul3A_32 = arith.muli %scan3A_28, %mul3A_31 : i32
      %add3A_33 = arith.addi %mul3A_30, %mul3A_32 : i32
      "tpu.region"() ({
        %run_scoped3A = tpu.sem_alloc : memref<!tpu.dma_semaphore, #tpu.memory_space<semaphore_mem>>
        %dma_start3A_94 = arith.constant 0 : i32
        %dma_start3A_95 = tpu.memref_slice %arg4[%add3A_33, %dma_start3A_94] : memref<12544x128xi32, #tpu.memory_space<hbm>> -> memref<56x128xi32, #tpu.memory_space<hbm>>
        %dma_start3A_96 = arith.constant 0 : i32
        %dma_start3A_97 = tpu.memref_slice %arg4[%add3A_33, %dma_start3A_96] : memref<12544x128xi32, #tpu.memory_space<hbm>> -> memref<56x128xi32, #tpu.memory_space<hbm>>
        tpu.enqueue_dma source(%dma_start3A_97 : memref<56x128xi32, #tpu.memory_space<hbm>>) target(%arg9 : memref<56x128xi32, #tpu.memory_space<vmem>>) target_semaphore(%run_scoped3A : memref<!tpu.dma_semaphore, #tpu.memory_space<semaphore_mem>>)
        %dma_wait3A_98 = arith.constant 0 : i32
        %dma_wait3A_99 = tpu.memref_slice %arg4[%add3A_33, %dma_wait3A_98] : memref<12544x128xi32, #tpu.memory_space<hbm>> -> memref<56x128xi32, #tpu.memory_space<hbm>>
        %dma_wait3A_100 = arith.constant 0 : i32
        %dma_wait3A_101 = tpu.memref_slice %arg4[%add3A_33, %dma_wait3A_100] : memref<12544x128xi32, #tpu.memory_space<hbm>> -> memref<56x128xi32, #tpu.memory_space<hbm>>
        tpu.wait_dma2 semaphore(%run_scoped3A : memref<!tpu.dma_semaphore, #tpu.memory_space<semaphore_mem>>) src(%dma_wait3A_101 : memref<56x128xi32, #tpu.memory_space<hbm>>) dst(%arg9 : memref<56x128xi32, #tpu.memory_space<vmem>>)
        tpu.yield
      }) : () -> ()
      "tpu.region"() ({
        %run_scoped3A = tpu.sem_alloc : memref<!tpu.dma_semaphore, #tpu.memory_space<semaphore_mem>>
        %dma_start3A_94 = arith.constant 0 : i32
        %dma_start3A_95 = tpu.memref_slice %arg5[%add3A_33, %dma_start3A_94] : memref<12544x128xi32, #tpu.memory_space<hbm>> -> memref<56x128xi32, #tpu.memory_space<hbm>>
        %dma_start3A_96 = arith.constant 0 : i32
        %dma_start3A_97 = tpu.memref_slice %arg5[%add3A_33, %dma_start3A_96] : memref<12544x128xi32, #tpu.memory_space<hbm>> -> memref<56x128xi32, #tpu.memory_space<hbm>>
        tpu.enqueue_dma source(%dma_start3A_97 : memref<56x128xi32, #tpu.memory_space<hbm>>) target(%arg10 : memref<56x128xi32, #tpu.memory_space<vmem>>) target_semaphore(%run_scoped3A : memref<!tpu.dma_semaphore, #tpu.memory_space<semaphore_mem>>)
        %dma_wait3A_98 = arith.constant 0 : i32
        %dma_wait3A_99 = tpu.memref_slice %arg5[%add3A_33, %dma_wait3A_98] : memref<12544x128xi32, #tpu.memory_space<hbm>> -> memref<56x128xi32, #tpu.memory_space<hbm>>
        %dma_wait3A_100 = arith.constant 0 : i32
        %dma_wait3A_101 = tpu.memref_slice %arg5[%add3A_33, %dma_wait3A_100] : memref<12544x128xi32, #tpu.memory_space<hbm>> -> memref<56x128xi32, #tpu.memory_space<hbm>>
        tpu.wait_dma2 semaphore(%run_scoped3A : memref<!tpu.dma_semaphore, #tpu.memory_space<semaphore_mem>>) src(%dma_wait3A_101 : memref<56x128xi32, #tpu.memory_space<hbm>>) dst(%arg10 : memref<56x128xi32, #tpu.memory_space<vmem>>)
        tpu.yield
      }) : () -> ()
      %dma_start3A = arith.constant 0 : i32
      %dma_start3A_34 = arith.constant 0 : i32
      %dma_start3A_35 = tpu.memref_slice %arg10[%dma_start3A, %dma_start3A_34] : memref<56x128xi32, #tpu.memory_space<vmem>> -> memref<1x128xi32, #tpu.memory_space<vmem>>
      %dma_start3A_36 = tpu.memref_squeeze %dma_start3A_35 : memref<1x128xi32, #tpu.memory_space<vmem>> -> memref<128xi32, #tpu.memory_space<vmem>>
      %dma_start3A_37 = arith.constant 0 : i32
      %dma_start3A_38 = arith.constant 0 : i32
      %dma_start3A_39 = tpu.memref_slice %arg8[%dma_start3A_37, %dma_start3A_38] : memref<50176x32xf32, #tpu.memory_space<hbm>> -> memref<50176x32xf32, #tpu.memory_space<hbm>>
      tpu.enqueue_indirect_dma source(%dma_start3A_39 : memref<50176x32xf32, #tpu.memory_space<hbm>>) target(%arg11 : memref<128x32xf32, #tpu.memory_space<vmem>>) offsets(%dma_start3A_36 : memref<128xi32, #tpu.memory_space<vmem>>) semaphore(%arg23 : memref<!tpu.dma_semaphore, #tpu.memory_space<semaphore_mem>>)
      %dma_start3A_40 = arith.constant 1 : i32
      %dma_start3A_41 = arith.constant 0 : i32
      %dma_start3A_42 = tpu.memref_slice %arg10[%dma_start3A_40, %dma_start3A_41] : memref<56x128xi32, #tpu.memory_space<vmem>> -> memref<1x128xi32, #tpu.memory_space<vmem>>
      %dma_start3A_43 = tpu.memref_squeeze %dma_start3A_42 : memref<1x128xi32, #tpu.memory_space<vmem>> -> memref<128xi32, #tpu.memory_space<vmem>>
      %dma_start3A_44 = arith.constant 0 : i32
      %dma_start3A_45 = arith.constant 0 : i32
      %dma_start3A_46 = tpu.memref_slice %arg8[%dma_start3A_44, %dma_start3A_45] : memref<50176x32xf32, #tpu.memory_space<hbm>> -> memref<50176x32xf32, #tpu.memory_space<hbm>>
      tpu.enqueue_indirect_dma source(%dma_start3A_46 : memref<50176x32xf32, #tpu.memory_space<hbm>>) target(%arg12 : memref<128x32xf32, #tpu.memory_space<vmem>>) offsets(%dma_start3A_43 : memref<128xi32, #tpu.memory_space<vmem>>) semaphore(%arg23 : memref<!tpu.dma_semaphore, #tpu.memory_space<semaphore_mem>>)
      %dma_start3A_47 = arith.constant 2 : i32
      %dma_start3A_48 = arith.constant 0 : i32
      %dma_start3A_49 = tpu.memref_slice %arg10[%dma_start3A_47, %dma_start3A_48] : memref<56x128xi32, #tpu.memory_space<vmem>> -> memref<1x128xi32, #tpu.memory_space<vmem>>
      %dma_start3A_50 = tpu.memref_squeeze %dma_start3A_49 : memref<1x128xi32, #tpu.memory_space<vmem>> -> memref<128xi32, #tpu.memory_space<vmem>>
      %dma_start3A_51 = arith.constant 0 : i32
      %dma_start3A_52 = arith.constant 0 : i32
      %dma_start3A_53 = tpu.memref_slice %arg8[%dma_start3A_51, %dma_start3A_52] : memref<50176x32xf32, #tpu.memory_space<hbm>> -> memref<50176x32xf32, #tpu.memory_space<hbm>>
      tpu.enqueue_indirect_dma source(%dma_start3A_53 : memref<50176x32xf32, #tpu.memory_space<hbm>>) target(%arg13 : memref<128x32xf32, #tpu.memory_space<vmem>>) offsets(%dma_start3A_50 : memref<128xi32, #tpu.memory_space<vmem>>) semaphore(%arg23 : memref<!tpu.dma_semaphore, #tpu.memory_space<semaphore_mem>>)
      %dma_start3A_54 = arith.constant 3 : i32
      %dma_start3A_55 = arith.constant 0 : i32
      %dma_start3A_56 = tpu.memref_slice %arg10[%dma_start3A_54, %dma_start3A_55] : memref<56x128xi32, #tpu.memory_space<vmem>> -> memref<1x128xi32, #tpu.memory_space<vmem>>
      %dma_start3A_57 = tpu.memref_squeeze %dma_start3A_56 : memref<1x128xi32, #tpu.memory_space<vmem>> -> memref<128xi32, #tpu.memory_space<vmem>>
      %dma_start3A_58 = arith.constant 0 : i32
      %dma_start3A_59 = arith.constant 0 : i32
      %dma_start3A_60 = tpu.memref_slice %arg8[%dma_start3A_58, %dma_start3A_59] : memref<50176x32xf32, #tpu.memory_space<hbm>> -> memref<50176x32xf32, #tpu.memory_space<hbm>>
      tpu.enqueue_indirect_dma source(%dma_start3A_60 : memref<50176x32xf32, #tpu.memory_space<hbm>>) target(%arg14 : memref<128x32xf32, #tpu.memory_space<vmem>>) offsets(%dma_start3A_57 : memref<128xi32, #tpu.memory_space<vmem>>) semaphore(%arg23 : memref<!tpu.dma_semaphore, #tpu.memory_space<semaphore_mem>>)
      %dma_start3A_61 = arith.constant 4 : i32
      %dma_start3A_62 = arith.constant 0 : i32
      %dma_start3A_63 = tpu.memref_slice %arg10[%dma_start3A_61, %dma_start3A_62] : memref<56x128xi32, #tpu.memory_space<vmem>> -> memref<1x128xi32, #tpu.memory_space<vmem>>
      %dma_start3A_64 = tpu.memref_squeeze %dma_start3A_63 : memref<1x128xi32, #tpu.memory_space<vmem>> -> memref<128xi32, #tpu.memory_space<vmem>>
      %dma_start3A_65 = arith.constant 0 : i32
      %dma_start3A_66 = arith.constant 0 : i32
      %dma_start3A_67 = tpu.memref_slice %arg8[%dma_start3A_65, %dma_start3A_66] : memref<50176x32xf32, #tpu.memory_space<hbm>> -> memref<50176x32xf32, #tpu.memory_space<hbm>>
      tpu.enqueue_indirect_dma source(%dma_start3A_67 : memref<50176x32xf32, #tpu.memory_space<hbm>>) target(%arg15 : memref<128x32xf32, #tpu.memory_space<vmem>>) offsets(%dma_start3A_64 : memref<128xi32, #tpu.memory_space<vmem>>) semaphore(%arg23 : memref<!tpu.dma_semaphore, #tpu.memory_space<semaphore_mem>>)
      %dma_start3A_68 = arith.constant 5 : i32
      %dma_start3A_69 = arith.constant 0 : i32
      %dma_start3A_70 = tpu.memref_slice %arg10[%dma_start3A_68, %dma_start3A_69] : memref<56x128xi32, #tpu.memory_space<vmem>> -> memref<1x128xi32, #tpu.memory_space<vmem>>
      %dma_start3A_71 = tpu.memref_squeeze %dma_start3A_70 : memref<1x128xi32, #tpu.memory_space<vmem>> -> memref<128xi32, #tpu.memory_space<vmem>>
      %dma_start3A_72 = arith.constant 0 : i32
      %dma_start3A_73 = arith.constant 0 : i32
      %dma_start3A_74 = tpu.memref_slice %arg8[%dma_start3A_72, %dma_start3A_73] : memref<50176x32xf32, #tpu.memory_space<hbm>> -> memref<50176x32xf32, #tpu.memory_space<hbm>>
      tpu.enqueue_indirect_dma source(%dma_start3A_74 : memref<50176x32xf32, #tpu.memory_space<hbm>>) target(%arg16 : memref<128x32xf32, #tpu.memory_space<vmem>>) offsets(%dma_start3A_71 : memref<128xi32, #tpu.memory_space<vmem>>) semaphore(%arg23 : memref<!tpu.dma_semaphore, #tpu.memory_space<semaphore_mem>>)
      %scan3A_75 = arith.constant 0 : i32
      %scan3A_76 = arith.constant 0 : i32
      %scan3A_77 = arith.constant 7 : i32
      %scan3A_78 = arith.addi %scan3A_76, %scan3A_77 : i32
      %scan3A_79 = arith.constant 1 : i32
      scf.for %scan3A_94 = %scan3A_76 to %scan3A_78 step %scan3A_79  : i32 {
        %mul3A_95 = arith.constant 8 : i32
        %mul3A_96 = arith.muli %scan3A_94, %mul3A_95 : i32
        %add3A_97 = arith.constant 0 : i32
        %add3A_98 = arith.addi %mul3A_96, %add3A_97 : i32
        %dma_wait3A_99 = arith.constant 0 : i32
        %dma_wait3A_100 = tpu.memref_slice %arg10[%add3A_98, %dma_wait3A_99] : memref<56x128xi32, #tpu.memory_space<vmem>> -> memref<1x128xi32, #tpu.memory_space<vmem>>
        %dma_wait3A_101 = tpu.memref_squeeze %dma_wait3A_100 : memref<1x128xi32, #tpu.memory_space<vmem>> -> memref<128xi32, #tpu.memory_space<vmem>>
        %dma_wait3A_102 = arith.constant 0 : i32
        %dma_wait3A_103 = arith.constant 0 : i32
        %dma_wait3A_104 = tpu.memref_slice %arg8[%dma_wait3A_102, %dma_wait3A_103] : memref<50176x32xf32, #tpu.memory_space<hbm>> -> memref<50176x32xf32, #tpu.memory_space<hbm>>
        tpu.wait_indirect_dma semaphore(%arg23 : memref<!tpu.dma_semaphore, #tpu.memory_space<semaphore_mem>>) src(%dma_wait3A_104 : memref<50176x32xf32, #tpu.memory_space<hbm>>) dst(%arg11 : memref<128x32xf32, #tpu.memory_space<vmem>>)
        %dma_start3A_105 = arith.constant 0 : i32
        %dma_start3A_106 = tpu.memref_slice %arg9[%add3A_98, %dma_start3A_105] : memref<56x128xi32, #tpu.memory_space<vmem>> -> memref<1x128xi32, #tpu.memory_space<vmem>>
        %dma_start3A_107 = tpu.memref_squeeze %dma_start3A_106 : memref<1x128xi32, #tpu.memory_space<vmem>> -> memref<128xi32, #tpu.memory_space<vmem>>
        %dma_start3A_108 = arith.constant 0 : i32
        %dma_start3A_109 = arith.constant 0 : i32
        %dma_start3A_110 = tpu.memref_slice %arg22[%dma_start3A_108, %dma_start3A_109] : memref<25088x32xf32, #tpu.memory_space<vmem_shared>> -> memref<25088x32xf32, #tpu.memory_space<vmem_shared>>
        tpu.enqueue_indirect_dma source(%arg11 : memref<128x32xf32, #tpu.memory_space<vmem>>) target(%dma_start3A_110 : memref<25088x32xf32, #tpu.memory_space<vmem_shared>>) offsets(%dma_start3A_107 : memref<128xi32, #tpu.memory_space<vmem>>) semaphore(%arg24 : memref<!tpu.dma_semaphore, #tpu.memory_space<semaphore_mem>>) {add = true}
        %ge3A = arith.constant 2 : i32
        %ge3A_111 = arith.cmpi sge, %add3A_98, %ge3A : i32
        %convert_element_type3A = arith.extui %ge3A_111 : i1 to i32
        %cond3A = arith.constant 0 : i32
        %cond3A_112 = arith.cmpi ne, %convert_element_type3A, %cond3A : i32
        scf.if %cond3A_112 {
          %dma_wait3A_315 = arith.constant 0 : i32
          %dma_wait3A_316 = tpu.memref_slice %arg9[%add3A_98, %dma_wait3A_315] : memref<56x128xi32, #tpu.memory_space<vmem>> -> memref<1x128xi32, #tpu.memory_space<vmem>>
          %dma_wait3A_317 = tpu.memref_squeeze %dma_wait3A_316 : memref<1x128xi32, #tpu.memory_space<vmem>> -> memref<128xi32, #tpu.memory_space<vmem>>
          %dma_wait3A_318 = arith.constant 0 : i32
          %dma_wait3A_319 = arith.constant 0 : i32
          %dma_wait3A_320 = tpu.memref_slice %arg22[%dma_wait3A_318, %dma_wait3A_319] : memref<25088x32xf32, #tpu.memory_space<vmem_shared>> -> memref<25088x32xf32, #tpu.memory_space<vmem_shared>>
          tpu.wait_indirect_dma semaphore(%arg24 : memref<!tpu.dma_semaphore, #tpu.memory_space<semaphore_mem>>) src(%arg11 : memref<128x32xf32, #tpu.memory_space<vmem>>) dst(%dma_wait3A_320 : memref<25088x32xf32, #tpu.memory_space<vmem_shared>>)
        } else {
        }
        %add3A_113 = arith.constant 6 : i32
        %add3A_114 = arith.addi %add3A_98, %add3A_113 : i32
        %lt3A = arith.constant 56 : i32
        %lt3A_115 = arith.cmpi slt, %add3A_114, %lt3A : i32
        %convert_element_type3A_116 = arith.extui %lt3A_115 : i1 to i32
        %cond3A_117 = arith.constant 0 : i32
        %cond3A_118 = arith.cmpi ne, %convert_element_type3A_116, %cond3A_117 : i32
        scf.if %cond3A_118 {
          %add3A_315 = arith.constant 6 : i32
          %add3A_316 = arith.addi %add3A_98, %add3A_315 : i32
          %dma_start3A_317 = arith.constant 0 : i32
          %dma_start3A_318 = tpu.memref_slice %arg10[%add3A_316, %dma_start3A_317] : memref<56x128xi32, #tpu.memory_space<vmem>> -> memref<1x128xi32, #tpu.memory_space<vmem>>
          %dma_start3A_319 = tpu.memref_squeeze %dma_start3A_318 : memref<1x128xi32, #tpu.memory_space<vmem>> -> memref<128xi32, #tpu.memory_space<vmem>>
          %dma_start3A_320 = arith.constant 0 : i32
          %dma_start3A_321 = arith.constant 0 : i32
          %dma_start3A_322 = tpu.memref_slice %arg8[%dma_start3A_320, %dma_start3A_321] : memref<50176x32xf32, #tpu.memory_space<hbm>> -> memref<50176x32xf32, #tpu.memory_space<hbm>>
          tpu.enqueue_indirect_dma source(%dma_start3A_322 : memref<50176x32xf32, #tpu.memory_space<hbm>>) target(%arg17 : memref<128x32xf32, #tpu.memory_space<vmem>>) offsets(%dma_start3A_319 : memref<128xi32, #tpu.memory_space<vmem>>) semaphore(%arg23 : memref<!tpu.dma_semaphore, #tpu.memory_space<semaphore_mem>>)
        } else {
        }
        %mul3A_119 = arith.constant 8 : i32
        %mul3A_120 = arith.muli %scan3A_94, %mul3A_119 : i32
        %add3A_121 = arith.constant 1 : i32
        %add3A_122 = arith.addi %mul3A_120, %add3A_121 : i32
        %dma_wait3A_123 = arith.constant 0 : i32
        %dma_wait3A_124 = tpu.memref_slice %arg10[%add3A_122, %dma_wait3A_123] : memref<56x128xi32, #tpu.memory_space<vmem>> -> memref<1x128xi32, #tpu.memory_space<vmem>>
        %dma_wait3A_125 = tpu.memref_squeeze %dma_wait3A_124 : memref<1x128xi32, #tpu.memory_space<vmem>> -> memref<128xi32, #tpu.memory_space<vmem>>
        %dma_wait3A_126 = arith.constant 0 : i32
        %dma_wait3A_127 = arith.constant 0 : i32
        %dma_wait3A_128 = tpu.memref_slice %arg8[%dma_wait3A_126, %dma_wait3A_127] : memref<50176x32xf32, #tpu.memory_space<hbm>> -> memref<50176x32xf32, #tpu.memory_space<hbm>>
        tpu.wait_indirect_dma semaphore(%arg23 : memref<!tpu.dma_semaphore, #tpu.memory_space<semaphore_mem>>) src(%dma_wait3A_128 : memref<50176x32xf32, #tpu.memory_space<hbm>>) dst(%arg12 : memref<128x32xf32, #tpu.memory_space<vmem>>)
        %dma_start3A_129 = arith.constant 0 : i32
        %dma_start3A_130 = tpu.memref_slice %arg9[%add3A_122, %dma_start3A_129] : memref<56x128xi32, #tpu.memory_space<vmem>> -> memref<1x128xi32, #tpu.memory_space<vmem>>
        %dma_start3A_131 = tpu.memref_squeeze %dma_start3A_130 : memref<1x128xi32, #tpu.memory_space<vmem>> -> memref<128xi32, #tpu.memory_space<vmem>>
        %dma_start3A_132 = arith.constant 0 : i32
        %dma_start3A_133 = arith.constant 0 : i32
        %dma_start3A_134 = tpu.memref_slice %arg22[%dma_start3A_132, %dma_start3A_133] : memref<25088x32xf32, #tpu.memory_space<vmem_shared>> -> memref<25088x32xf32, #tpu.memory_space<vmem_shared>>
        tpu.enqueue_indirect_dma source(%arg12 : memref<128x32xf32, #tpu.memory_space<vmem>>) target(%dma_start3A_134 : memref<25088x32xf32, #tpu.memory_space<vmem_shared>>) offsets(%dma_start3A_131 : memref<128xi32, #tpu.memory_space<vmem>>) semaphore(%arg24 : memref<!tpu.dma_semaphore, #tpu.memory_space<semaphore_mem>>) {add = true}
        %ge3A_135 = arith.constant 2 : i32
        %ge3A_136 = arith.cmpi sge, %add3A_122, %ge3A_135 : i32
        %convert_element_type3A_137 = arith.extui %ge3A_136 : i1 to i32
        %cond3A_138 = arith.constant 0 : i32
        %cond3A_139 = arith.cmpi ne, %convert_element_type3A_137, %cond3A_138 : i32
        scf.if %cond3A_139 {
          %dma_wait3A_315 = arith.constant 0 : i32
          %dma_wait3A_316 = tpu.memref_slice %arg9[%add3A_122, %dma_wait3A_315] : memref<56x128xi32, #tpu.memory_space<vmem>> -> memref<1x128xi32, #tpu.memory_space<vmem>>
          %dma_wait3A_317 = tpu.memref_squeeze %dma_wait3A_316 : memref<1x128xi32, #tpu.memory_space<vmem>> -> memref<128xi32, #tpu.memory_space<vmem>>
          %dma_wait3A_318 = arith.constant 0 : i32
          %dma_wait3A_319 = arith.constant 0 : i32
          %dma_wait3A_320 = tpu.memref_slice %arg22[%dma_wait3A_318, %dma_wait3A_319] : memref<25088x32xf32, #tpu.memory_space<vmem_shared>> -> memref<25088x32xf32, #tpu.memory_space<vmem_shared>>
          tpu.wait_indirect_dma semaphore(%arg24 : memref<!tpu.dma_semaphore, #tpu.memory_space<semaphore_mem>>) src(%arg12 : memref<128x32xf32, #tpu.memory_space<vmem>>) dst(%dma_wait3A_320 : memref<25088x32xf32, #tpu.memory_space<vmem_shared>>)
        } else {
        }
        %add3A_140 = arith.constant 6 : i32
        %add3A_141 = arith.addi %add3A_122, %add3A_140 : i32
        %lt3A_142 = arith.constant 56 : i32
        %lt3A_143 = arith.cmpi slt, %add3A_141, %lt3A_142 : i32
        %convert_element_type3A_144 = arith.extui %lt3A_143 : i1 to i32
        %cond3A_145 = arith.constant 0 : i32
        %cond3A_146 = arith.cmpi ne, %convert_element_type3A_144, %cond3A_145 : i32
        scf.if %cond3A_146 {
          %add3A_315 = arith.constant 6 : i32
          %add3A_316 = arith.addi %add3A_122, %add3A_315 : i32
          %dma_start3A_317 = arith.constant 0 : i32
          %dma_start3A_318 = tpu.memref_slice %arg10[%add3A_316, %dma_start3A_317] : memref<56x128xi32, #tpu.memory_space<vmem>> -> memref<1x128xi32, #tpu.memory_space<vmem>>
          %dma_start3A_319 = tpu.memref_squeeze %dma_start3A_318 : memref<1x128xi32, #tpu.memory_space<vmem>> -> memref<128xi32, #tpu.memory_space<vmem>>
          %dma_start3A_320 = arith.constant 0 : i32
          %dma_start3A_321 = arith.constant 0 : i32
          %dma_start3A_322 = tpu.memref_slice %arg8[%dma_start3A_320, %dma_start3A_321] : memref<50176x32xf32, #tpu.memory_space<hbm>> -> memref<50176x32xf32, #tpu.memory_space<hbm>>
          tpu.enqueue_indirect_dma source(%dma_start3A_322 : memref<50176x32xf32, #tpu.memory_space<hbm>>) target(%arg18 : memref<128x32xf32, #tpu.memory_space<vmem>>) offsets(%dma_start3A_319 : memref<128xi32, #tpu.memory_space<vmem>>) semaphore(%arg23 : memref<!tpu.dma_semaphore, #tpu.memory_space<semaphore_mem>>)
        } else {
        }
        %mul3A_147 = arith.constant 8 : i32
        %mul3A_148 = arith.muli %scan3A_94, %mul3A_147 : i32
        %add3A_149 = arith.constant 2 : i32
        %add3A_150 = arith.addi %mul3A_148, %add3A_149 : i32
        %dma_wait3A_151 = arith.constant 0 : i32
        %dma_wait3A_152 = tpu.memref_slice %arg10[%add3A_150, %dma_wait3A_151] : memref<56x128xi32, #tpu.memory_space<vmem>> -> memref<1x128xi32, #tpu.memory_space<vmem>>
        %dma_wait3A_153 = tpu.memref_squeeze %dma_wait3A_152 : memref<1x128xi32, #tpu.memory_space<vmem>> -> memref<128xi32, #tpu.memory_space<vmem>>
        %dma_wait3A_154 = arith.constant 0 : i32
        %dma_wait3A_155 = arith.constant 0 : i32
        %dma_wait3A_156 = tpu.memref_slice %arg8[%dma_wait3A_154, %dma_wait3A_155] : memref<50176x32xf32, #tpu.memory_space<hbm>> -> memref<50176x32xf32, #tpu.memory_space<hbm>>
        tpu.wait_indirect_dma semaphore(%arg23 : memref<!tpu.dma_semaphore, #tpu.memory_space<semaphore_mem>>) src(%dma_wait3A_156 : memref<50176x32xf32, #tpu.memory_space<hbm>>) dst(%arg13 : memref<128x32xf32, #tpu.memory_space<vmem>>)
        %dma_start3A_157 = arith.constant 0 : i32
        %dma_start3A_158 = tpu.memref_slice %arg9[%add3A_150, %dma_start3A_157] : memref<56x128xi32, #tpu.memory_space<vmem>> -> memref<1x128xi32, #tpu.memory_space<vmem>>
        %dma_start3A_159 = tpu.memref_squeeze %dma_start3A_158 : memref<1x128xi32, #tpu.memory_space<vmem>> -> memref<128xi32, #tpu.memory_space<vmem>>
        %dma_start3A_160 = arith.constant 0 : i32
        %dma_start3A_161 = arith.constant 0 : i32
        %dma_start3A_162 = tpu.memref_slice %arg22[%dma_start3A_160, %dma_start3A_161] : memref<25088x32xf32, #tpu.memory_space<vmem_shared>> -> memref<25088x32xf32, #tpu.memory_space<vmem_shared>>
        tpu.enqueue_indirect_dma source(%arg13 : memref<128x32xf32, #tpu.memory_space<vmem>>) target(%dma_start3A_162 : memref<25088x32xf32, #tpu.memory_space<vmem_shared>>) offsets(%dma_start3A_159 : memref<128xi32, #tpu.memory_space<vmem>>) semaphore(%arg24 : memref<!tpu.dma_semaphore, #tpu.memory_space<semaphore_mem>>) {add = true}
        %ge3A_163 = arith.constant 2 : i32
        %ge3A_164 = arith.cmpi sge, %add3A_150, %ge3A_163 : i32
        %convert_element_type3A_165 = arith.extui %ge3A_164 : i1 to i32
        %cond3A_166 = arith.constant 0 : i32
        %cond3A_167 = arith.cmpi ne, %convert_element_type3A_165, %cond3A_166 : i32
        scf.if %cond3A_167 {
          %dma_wait3A_315 = arith.constant 0 : i32
          %dma_wait3A_316 = tpu.memref_slice %arg9[%add3A_150, %dma_wait3A_315] : memref<56x128xi32, #tpu.memory_space<vmem>> -> memref<1x128xi32, #tpu.memory_space<vmem>>
          %dma_wait3A_317 = tpu.memref_squeeze %dma_wait3A_316 : memref<1x128xi32, #tpu.memory_space<vmem>> -> memref<128xi32, #tpu.memory_space<vmem>>
          %dma_wait3A_318 = arith.constant 0 : i32
          %dma_wait3A_319 = arith.constant 0 : i32
          %dma_wait3A_320 = tpu.memref_slice %arg22[%dma_wait3A_318, %dma_wait3A_319] : memref<25088x32xf32, #tpu.memory_space<vmem_shared>> -> memref<25088x32xf32, #tpu.memory_space<vmem_shared>>
          tpu.wait_indirect_dma semaphore(%arg24 : memref<!tpu.dma_semaphore, #tpu.memory_space<semaphore_mem>>) src(%arg13 : memref<128x32xf32, #tpu.memory_space<vmem>>) dst(%dma_wait3A_320 : memref<25088x32xf32, #tpu.memory_space<vmem_shared>>)
        } else {
        }
        %add3A_168 = arith.constant 6 : i32
        %add3A_169 = arith.addi %add3A_150, %add3A_168 : i32
        %lt3A_170 = arith.constant 56 : i32
        %lt3A_171 = arith.cmpi slt, %add3A_169, %lt3A_170 : i32
        %convert_element_type3A_172 = arith.extui %lt3A_171 : i1 to i32
        %cond3A_173 = arith.constant 0 : i32
        %cond3A_174 = arith.cmpi ne, %convert_element_type3A_172, %cond3A_173 : i32
        scf.if %cond3A_174 {
          %add3A_315 = arith.constant 6 : i32
          %add3A_316 = arith.addi %add3A_150, %add3A_315 : i32
          %dma_start3A_317 = arith.constant 0 : i32
          %dma_start3A_318 = tpu.memref_slice %arg10[%add3A_316, %dma_start3A_317] : memref<56x128xi32, #tpu.memory_space<vmem>> -> memref<1x128xi32, #tpu.memory_space<vmem>>
          %dma_start3A_319 = tpu.memref_squeeze %dma_start3A_318 : memref<1x128xi32, #tpu.memory_space<vmem>> -> memref<128xi32, #tpu.memory_space<vmem>>
          %dma_start3A_320 = arith.constant 0 : i32
          %dma_start3A_321 = arith.constant 0 : i32
          %dma_start3A_322 = tpu.memref_slice %arg8[%dma_start3A_320, %dma_start3A_321] : memref<50176x32xf32, #tpu.memory_space<hbm>> -> memref<50176x32xf32, #tpu.memory_space<hbm>>
          tpu.enqueue_indirect_dma source(%dma_start3A_322 : memref<50176x32xf32, #tpu.memory_space<hbm>>) target(%arg11 : memref<128x32xf32, #tpu.memory_space<vmem>>) offsets(%dma_start3A_319 : memref<128xi32, #tpu.memory_space<vmem>>) semaphore(%arg23 : memref<!tpu.dma_semaphore, #tpu.memory_space<semaphore_mem>>)
        } else {
        }
        %mul3A_175 = arith.constant 8 : i32
        %mul3A_176 = arith.muli %scan3A_94, %mul3A_175 : i32
        %add3A_177 = arith.constant 3 : i32
        %add3A_178 = arith.addi %mul3A_176, %add3A_177 : i32
        %dma_wait3A_179 = arith.constant 0 : i32
        %dma_wait3A_180 = tpu.memref_slice %arg10[%add3A_178, %dma_wait3A_179] : memref<56x128xi32, #tpu.memory_space<vmem>> -> memref<1x128xi32, #tpu.memory_space<vmem>>
        %dma_wait3A_181 = tpu.memref_squeeze %dma_wait3A_180 : memref<1x128xi32, #tpu.memory_space<vmem>> -> memref<128xi32, #tpu.memory_space<vmem>>
        %dma_wait3A_182 = arith.constant 0 : i32
        %dma_wait3A_183 = arith.constant 0 : i32
        %dma_wait3A_184 = tpu.memref_slice %arg8[%dma_wait3A_182, %dma_wait3A_183] : memref<50176x32xf32, #tpu.memory_space<hbm>> -> memref<50176x32xf32, #tpu.memory_space<hbm>>
        tpu.wait_indirect_dma semaphore(%arg23 : memref<!tpu.dma_semaphore, #tpu.memory_space<semaphore_mem>>) src(%dma_wait3A_184 : memref<50176x32xf32, #tpu.memory_space<hbm>>) dst(%arg14 : memref<128x32xf32, #tpu.memory_space<vmem>>)
        %dma_start3A_185 = arith.constant 0 : i32
        %dma_start3A_186 = tpu.memref_slice %arg9[%add3A_178, %dma_start3A_185] : memref<56x128xi32, #tpu.memory_space<vmem>> -> memref<1x128xi32, #tpu.memory_space<vmem>>
        %dma_start3A_187 = tpu.memref_squeeze %dma_start3A_186 : memref<1x128xi32, #tpu.memory_space<vmem>> -> memref<128xi32, #tpu.memory_space<vmem>>
        %dma_start3A_188 = arith.constant 0 : i32
        %dma_start3A_189 = arith.constant 0 : i32
        %dma_start3A_190 = tpu.memref_slice %arg22[%dma_start3A_188, %dma_start3A_189] : memref<25088x32xf32, #tpu.memory_space<vmem_shared>> -> memref<25088x32xf32, #tpu.memory_space<vmem_shared>>
        tpu.enqueue_indirect_dma source(%arg14 : memref<128x32xf32, #tpu.memory_space<vmem>>) target(%dma_start3A_190 : memref<25088x32xf32, #tpu.memory_space<vmem_shared>>) offsets(%dma_start3A_187 : memref<128xi32, #tpu.memory_space<vmem>>) semaphore(%arg24 : memref<!tpu.dma_semaphore, #tpu.memory_space<semaphore_mem>>) {add = true}
        %ge3A_191 = arith.constant 2 : i32
        %ge3A_192 = arith.cmpi sge, %add3A_178, %ge3A_191 : i32
        %convert_element_type3A_193 = arith.extui %ge3A_192 : i1 to i32
        %cond3A_194 = arith.constant 0 : i32
        %cond3A_195 = arith.cmpi ne, %convert_element_type3A_193, %cond3A_194 : i32
        scf.if %cond3A_195 {
          %dma_wait3A_315 = arith.constant 0 : i32
          %dma_wait3A_316 = tpu.memref_slice %arg9[%add3A_178, %dma_wait3A_315] : memref<56x128xi32, #tpu.memory_space<vmem>> -> memref<1x128xi32, #tpu.memory_space<vmem>>
          %dma_wait3A_317 = tpu.memref_squeeze %dma_wait3A_316 : memref<1x128xi32, #tpu.memory_space<vmem>> -> memref<128xi32, #tpu.memory_space<vmem>>
          %dma_wait3A_318 = arith.constant 0 : i32
          %dma_wait3A_319 = arith.constant 0 : i32
          %dma_wait3A_320 = tpu.memref_slice %arg22[%dma_wait3A_318, %dma_wait3A_319] : memref<25088x32xf32, #tpu.memory_space<vmem_shared>> -> memref<25088x32xf32, #tpu.memory_space<vmem_shared>>
          tpu.wait_indirect_dma semaphore(%arg24 : memref<!tpu.dma_semaphore, #tpu.memory_space<semaphore_mem>>) src(%arg14 : memref<128x32xf32, #tpu.memory_space<vmem>>) dst(%dma_wait3A_320 : memref<25088x32xf32, #tpu.memory_space<vmem_shared>>)
        } else {
        }
        %add3A_196 = arith.constant 6 : i32
        %add3A_197 = arith.addi %add3A_178, %add3A_196 : i32
        %lt3A_198 = arith.constant 56 : i32
        %lt3A_199 = arith.cmpi slt, %add3A_197, %lt3A_198 : i32
        %convert_element_type3A_200 = arith.extui %lt3A_199 : i1 to i32
        %cond3A_201 = arith.constant 0 : i32
        %cond3A_202 = arith.cmpi ne, %convert_element_type3A_200, %cond3A_201 : i32
        scf.if %cond3A_202 {
          %add3A_315 = arith.constant 6 : i32
          %add3A_316 = arith.addi %add3A_178, %add3A_315 : i32
          %dma_start3A_317 = arith.constant 0 : i32
          %dma_start3A_318 = tpu.memref_slice %arg10[%add3A_316, %dma_start3A_317] : memref<56x128xi32, #tpu.memory_space<vmem>> -> memref<1x128xi32, #tpu.memory_space<vmem>>
          %dma_start3A_319 = tpu.memref_squeeze %dma_start3A_318 : memref<1x128xi32, #tpu.memory_space<vmem>> -> memref<128xi32, #tpu.memory_space<vmem>>
          %dma_start3A_320 = arith.constant 0 : i32
          %dma_start3A_321 = arith.constant 0 : i32
          %dma_start3A_322 = tpu.memref_slice %arg8[%dma_start3A_320, %dma_start3A_321] : memref<50176x32xf32, #tpu.memory_space<hbm>> -> memref<50176x32xf32, #tpu.memory_space<hbm>>
          tpu.enqueue_indirect_dma source(%dma_start3A_322 : memref<50176x32xf32, #tpu.memory_space<hbm>>) target(%arg12 : memref<128x32xf32, #tpu.memory_space<vmem>>) offsets(%dma_start3A_319 : memref<128xi32, #tpu.memory_space<vmem>>) semaphore(%arg23 : memref<!tpu.dma_semaphore, #tpu.memory_space<semaphore_mem>>)
        } else {
        }
        %mul3A_203 = arith.constant 8 : i32
        %mul3A_204 = arith.muli %scan3A_94, %mul3A_203 : i32
        %add3A_205 = arith.constant 4 : i32
        %add3A_206 = arith.addi %mul3A_204, %add3A_205 : i32
        %dma_wait3A_207 = arith.constant 0 : i32
        %dma_wait3A_208 = tpu.memref_slice %arg10[%add3A_206, %dma_wait3A_207] : memref<56x128xi32, #tpu.memory_space<vmem>> -> memref<1x128xi32, #tpu.memory_space<vmem>>
        %dma_wait3A_209 = tpu.memref_squeeze %dma_wait3A_208 : memref<1x128xi32, #tpu.memory_space<vmem>> -> memref<128xi32, #tpu.memory_space<vmem>>
        %dma_wait3A_210 = arith.constant 0 : i32
        %dma_wait3A_211 = arith.constant 0 : i32
        %dma_wait3A_212 = tpu.memref_slice %arg8[%dma_wait3A_210, %dma_wait3A_211] : memref<50176x32xf32, #tpu.memory_space<hbm>> -> memref<50176x32xf32, #tpu.memory_space<hbm>>
        tpu.wait_indirect_dma semaphore(%arg23 : memref<!tpu.dma_semaphore, #tpu.memory_space<semaphore_mem>>) src(%dma_wait3A_212 : memref<50176x32xf32, #tpu.memory_space<hbm>>) dst(%arg15 : memref<128x32xf32, #tpu.memory_space<vmem>>)
        %dma_start3A_213 = arith.constant 0 : i32
        %dma_start3A_214 = tpu.memref_slice %arg9[%add3A_206, %dma_start3A_213] : memref<56x128xi32, #tpu.memory_space<vmem>> -> memref<1x128xi32, #tpu.memory_space<vmem>>
        %dma_start3A_215 = tpu.memref_squeeze %dma_start3A_214 : memref<1x128xi32, #tpu.memory_space<vmem>> -> memref<128xi32, #tpu.memory_space<vmem>>
        %dma_start3A_216 = arith.constant 0 : i32
        %dma_start3A_217 = arith.constant 0 : i32
        %dma_start3A_218 = tpu.memref_slice %arg22[%dma_start3A_216, %dma_start3A_217] : memref<25088x32xf32, #tpu.memory_space<vmem_shared>> -> memref<25088x32xf32, #tpu.memory_space<vmem_shared>>
        tpu.enqueue_indirect_dma source(%arg15 : memref<128x32xf32, #tpu.memory_space<vmem>>) target(%dma_start3A_218 : memref<25088x32xf32, #tpu.memory_space<vmem_shared>>) offsets(%dma_start3A_215 : memref<128xi32, #tpu.memory_space<vmem>>) semaphore(%arg24 : memref<!tpu.dma_semaphore, #tpu.memory_space<semaphore_mem>>) {add = true}
        %ge3A_219 = arith.constant 2 : i32
        %ge3A_220 = arith.cmpi sge, %add3A_206, %ge3A_219 : i32
        %convert_element_type3A_221 = arith.extui %ge3A_220 : i1 to i32
        %cond3A_222 = arith.constant 0 : i32
        %cond3A_223 = arith.cmpi ne, %convert_element_type3A_221, %cond3A_222 : i32
        scf.if %cond3A_223 {
          %dma_wait3A_315 = arith.constant 0 : i32
          %dma_wait3A_316 = tpu.memref_slice %arg9[%add3A_206, %dma_wait3A_315] : memref<56x128xi32, #tpu.memory_space<vmem>> -> memref<1x128xi32, #tpu.memory_space<vmem>>
          %dma_wait3A_317 = tpu.memref_squeeze %dma_wait3A_316 : memref<1x128xi32, #tpu.memory_space<vmem>> -> memref<128xi32, #tpu.memory_space<vmem>>
          %dma_wait3A_318 = arith.constant 0 : i32
          %dma_wait3A_319 = arith.constant 0 : i32
          %dma_wait3A_320 = tpu.memref_slice %arg22[%dma_wait3A_318, %dma_wait3A_319] : memref<25088x32xf32, #tpu.memory_space<vmem_shared>> -> memref<25088x32xf32, #tpu.memory_space<vmem_shared>>
          tpu.wait_indirect_dma semaphore(%arg24 : memref<!tpu.dma_semaphore, #tpu.memory_space<semaphore_mem>>) src(%arg15 : memref<128x32xf32, #tpu.memory_space<vmem>>) dst(%dma_wait3A_320 : memref<25088x32xf32, #tpu.memory_space<vmem_shared>>)
        } else {
        }
        %add3A_224 = arith.constant 6 : i32
        %add3A_225 = arith.addi %add3A_206, %add3A_224 : i32
        %lt3A_226 = arith.constant 56 : i32
        %lt3A_227 = arith.cmpi slt, %add3A_225, %lt3A_226 : i32
        %convert_element_type3A_228 = arith.extui %lt3A_227 : i1 to i32
        %cond3A_229 = arith.constant 0 : i32
        %cond3A_230 = arith.cmpi ne, %convert_element_type3A_228, %cond3A_229 : i32
        scf.if %cond3A_230 {
          %add3A_315 = arith.constant 6 : i32
          %add3A_316 = arith.addi %add3A_206, %add3A_315 : i32
          %dma_start3A_317 = arith.constant 0 : i32
          %dma_start3A_318 = tpu.memref_slice %arg10[%add3A_316, %dma_start3A_317] : memref<56x128xi32, #tpu.memory_space<vmem>> -> memref<1x128xi32, #tpu.memory_space<vmem>>
          %dma_start3A_319 = tpu.memref_squeeze %dma_start3A_318 : memref<1x128xi32, #tpu.memory_space<vmem>> -> memref<128xi32, #tpu.memory_space<vmem>>
          %dma_start3A_320 = arith.constant 0 : i32
          %dma_start3A_321 = arith.constant 0 : i32
          %dma_start3A_322 = tpu.memref_slice %arg8[%dma_start3A_320, %dma_start3A_321] : memref<50176x32xf32, #tpu.memory_space<hbm>> -> memref<50176x32xf32, #tpu.memory_space<hbm>>
          tpu.enqueue_indirect_dma source(%dma_start3A_322 : memref<50176x32xf32, #tpu.memory_space<hbm>>) target(%arg13 : memref<128x32xf32, #tpu.memory_space<vmem>>) offsets(%dma_start3A_319 : memref<128xi32, #tpu.memory_space<vmem>>) semaphore(%arg23 : memref<!tpu.dma_semaphore, #tpu.memory_space<semaphore_mem>>)
        } else {
        }
        %mul3A_231 = arith.constant 8 : i32
        %mul3A_232 = arith.muli %scan3A_94, %mul3A_231 : i32
        %add3A_233 = arith.constant 5 : i32
        %add3A_234 = arith.addi %mul3A_232, %add3A_233 : i32
        %dma_wait3A_235 = arith.constant 0 : i32
        %dma_wait3A_236 = tpu.memref_slice %arg10[%add3A_234, %dma_wait3A_235] : memref<56x128xi32, #tpu.memory_space<vmem>> -> memref<1x128xi32, #tpu.memory_space<vmem>>
        %dma_wait3A_237 = tpu.memref_squeeze %dma_wait3A_236 : memref<1x128xi32, #tpu.memory_space<vmem>> -> memref<128xi32, #tpu.memory_space<vmem>>
        %dma_wait3A_238 = arith.constant 0 : i32
        %dma_wait3A_239 = arith.constant 0 : i32
        %dma_wait3A_240 = tpu.memref_slice %arg8[%dma_wait3A_238, %dma_wait3A_239] : memref<50176x32xf32, #tpu.memory_space<hbm>> -> memref<50176x32xf32, #tpu.memory_space<hbm>>
        tpu.wait_indirect_dma semaphore(%arg23 : memref<!tpu.dma_semaphore, #tpu.memory_space<semaphore_mem>>) src(%dma_wait3A_240 : memref<50176x32xf32, #tpu.memory_space<hbm>>) dst(%arg16 : memref<128x32xf32, #tpu.memory_space<vmem>>)
        %dma_start3A_241 = arith.constant 0 : i32
        %dma_start3A_242 = tpu.memref_slice %arg9[%add3A_234, %dma_start3A_241] : memref<56x128xi32, #tpu.memory_space<vmem>> -> memref<1x128xi32, #tpu.memory_space<vmem>>
        %dma_start3A_243 = tpu.memref_squeeze %dma_start3A_242 : memref<1x128xi32, #tpu.memory_space<vmem>> -> memref<128xi32, #tpu.memory_space<vmem>>
        %dma_start3A_244 = arith.constant 0 : i32
        %dma_start3A_245 = arith.constant 0 : i32
        %dma_start3A_246 = tpu.memref_slice %arg22[%dma_start3A_244, %dma_start3A_245] : memref<25088x32xf32, #tpu.memory_space<vmem_shared>> -> memref<25088x32xf32, #tpu.memory_space<vmem_shared>>
        tpu.enqueue_indirect_dma source(%arg16 : memref<128x32xf32, #tpu.memory_space<vmem>>) target(%dma_start3A_246 : memref<25088x32xf32, #tpu.memory_space<vmem_shared>>) offsets(%dma_start3A_243 : memref<128xi32, #tpu.memory_space<vmem>>) semaphore(%arg24 : memref<!tpu.dma_semaphore, #tpu.memory_space<semaphore_mem>>) {add = true}
        %ge3A_247 = arith.constant 2 : i32
        %ge3A_248 = arith.cmpi sge, %add3A_234, %ge3A_247 : i32
        %convert_element_type3A_249 = arith.extui %ge3A_248 : i1 to i32
        %cond3A_250 = arith.constant 0 : i32
        %cond3A_251 = arith.cmpi ne, %convert_element_type3A_249, %cond3A_250 : i32
        scf.if %cond3A_251 {
          %dma_wait3A_315 = arith.constant 0 : i32
          %dma_wait3A_316 = tpu.memref_slice %arg9[%add3A_234, %dma_wait3A_315] : memref<56x128xi32, #tpu.memory_space<vmem>> -> memref<1x128xi32, #tpu.memory_space<vmem>>
          %dma_wait3A_317 = tpu.memref_squeeze %dma_wait3A_316 : memref<1x128xi32, #tpu.memory_space<vmem>> -> memref<128xi32, #tpu.memory_space<vmem>>
          %dma_wait3A_318 = arith.constant 0 : i32
          %dma_wait3A_319 = arith.constant 0 : i32
          %dma_wait3A_320 = tpu.memref_slice %arg22[%dma_wait3A_318, %dma_wait3A_319] : memref<25088x32xf32, #tpu.memory_space<vmem_shared>> -> memref<25088x32xf32, #tpu.memory_space<vmem_shared>>
          tpu.wait_indirect_dma semaphore(%arg24 : memref<!tpu.dma_semaphore, #tpu.memory_space<semaphore_mem>>) src(%arg16 : memref<128x32xf32, #tpu.memory_space<vmem>>) dst(%dma_wait3A_320 : memref<25088x32xf32, #tpu.memory_space<vmem_shared>>)
        } else {
        }
        %add3A_252 = arith.constant 6 : i32
        %add3A_253 = arith.addi %add3A_234, %add3A_252 : i32
        %lt3A_254 = arith.constant 56 : i32
        %lt3A_255 = arith.cmpi slt, %add3A_253, %lt3A_254 : i32
        %convert_element_type3A_256 = arith.extui %lt3A_255 : i1 to i32
        %cond3A_257 = arith.constant 0 : i32
        %cond3A_258 = arith.cmpi ne, %convert_element_type3A_256, %cond3A_257 : i32
        scf.if %cond3A_258 {
          %add3A_315 = arith.constant 6 : i32
          %add3A_316 = arith.addi %add3A_234, %add3A_315 : i32
          %dma_start3A_317 = arith.constant 0 : i32
          %dma_start3A_318 = tpu.memref_slice %arg10[%add3A_316, %dma_start3A_317] : memref<56x128xi32, #tpu.memory_space<vmem>> -> memref<1x128xi32, #tpu.memory_space<vmem>>
          %dma_start3A_319 = tpu.memref_squeeze %dma_start3A_318 : memref<1x128xi32, #tpu.memory_space<vmem>> -> memref<128xi32, #tpu.memory_space<vmem>>
          %dma_start3A_320 = arith.constant 0 : i32
          %dma_start3A_321 = arith.constant 0 : i32
          %dma_start3A_322 = tpu.memref_slice %arg8[%dma_start3A_320, %dma_start3A_321] : memref<50176x32xf32, #tpu.memory_space<hbm>> -> memref<50176x32xf32, #tpu.memory_space<hbm>>
          tpu.enqueue_indirect_dma source(%dma_start3A_322 : memref<50176x32xf32, #tpu.memory_space<hbm>>) target(%arg14 : memref<128x32xf32, #tpu.memory_space<vmem>>) offsets(%dma_start3A_319 : memref<128xi32, #tpu.memory_space<vmem>>) semaphore(%arg23 : memref<!tpu.dma_semaphore, #tpu.memory_space<semaphore_mem>>)
        } else {
        }
        %mul3A_259 = arith.constant 8 : i32
        %mul3A_260 = arith.muli %scan3A_94, %mul3A_259 : i32
        %add3A_261 = arith.constant 6 : i32
        %add3A_262 = arith.addi %mul3A_260, %add3A_261 : i32
        %dma_wait3A_263 = arith.constant 0 : i32
        %dma_wait3A_264 = tpu.memref_slice %arg10[%add3A_262, %dma_wait3A_263] : memref<56x128xi32, #tpu.memory_space<vmem>> -> memref<1x128xi32, #tpu.memory_space<vmem>>
        %dma_wait3A_265 = tpu.memref_squeeze %dma_wait3A_264 : memref<1x128xi32, #tpu.memory_space<vmem>> -> memref<128xi32, #tpu.memory_space<vmem>>
        %dma_wait3A_266 = arith.constant 0 : i32
        %dma_wait3A_267 = arith.constant 0 : i32
        %dma_wait3A_268 = tpu.memref_slice %arg8[%dma_wait3A_266, %dma_wait3A_267] : memref<50176x32xf32, #tpu.memory_space<hbm>> -> memref<50176x32xf32, #tpu.memory_space<hbm>>
        tpu.wait_indirect_dma semaphore(%arg23 : memref<!tpu.dma_semaphore, #tpu.memory_space<semaphore_mem>>) src(%dma_wait3A_268 : memref<50176x32xf32, #tpu.memory_space<hbm>>) dst(%arg17 : memref<128x32xf32, #tpu.memory_space<vmem>>)
        %dma_start3A_269 = arith.constant 0 : i32
        %dma_start3A_270 = tpu.memref_slice %arg9[%add3A_262, %dma_start3A_269] : memref<56x128xi32, #tpu.memory_space<vmem>> -> memref<1x128xi32, #tpu.memory_space<vmem>>
        %dma_start3A_271 = tpu.memref_squeeze %dma_start3A_270 : memref<1x128xi32, #tpu.memory_space<vmem>> -> memref<128xi32, #tpu.memory_space<vmem>>
        %dma_start3A_272 = arith.constant 0 : i32
        %dma_start3A_273 = arith.constant 0 : i32
        %dma_start3A_274 = tpu.memref_slice %arg22[%dma_start3A_272, %dma_start3A_273] : memref<25088x32xf32, #tpu.memory_space<vmem_shared>> -> memref<25088x32xf32, #tpu.memory_space<vmem_shared>>
        tpu.enqueue_indirect_dma source(%arg17 : memref<128x32xf32, #tpu.memory_space<vmem>>) target(%dma_start3A_274 : memref<25088x32xf32, #tpu.memory_space<vmem_shared>>) offsets(%dma_start3A_271 : memref<128xi32, #tpu.memory_space<vmem>>) semaphore(%arg24 : memref<!tpu.dma_semaphore, #tpu.memory_space<semaphore_mem>>) {add = true}
        %ge3A_275 = arith.constant 2 : i32
        %ge3A_276 = arith.cmpi sge, %add3A_262, %ge3A_275 : i32
        %convert_element_type3A_277 = arith.extui %ge3A_276 : i1 to i32
        %cond3A_278 = arith.constant 0 : i32
        %cond3A_279 = arith.cmpi ne, %convert_element_type3A_277, %cond3A_278 : i32
        scf.if %cond3A_279 {
          %dma_wait3A_315 = arith.constant 0 : i32
          %dma_wait3A_316 = tpu.memref_slice %arg9[%add3A_262, %dma_wait3A_315] : memref<56x128xi32, #tpu.memory_space<vmem>> -> memref<1x128xi32, #tpu.memory_space<vmem>>
          %dma_wait3A_317 = tpu.memref_squeeze %dma_wait3A_316 : memref<1x128xi32, #tpu.memory_space<vmem>> -> memref<128xi32, #tpu.memory_space<vmem>>
          %dma_wait3A_318 = arith.constant 0 : i32
          %dma_wait3A_319 = arith.constant 0 : i32
          %dma_wait3A_320 = tpu.memref_slice %arg22[%dma_wait3A_318, %dma_wait3A_319] : memref<25088x32xf32, #tpu.memory_space<vmem_shared>> -> memref<25088x32xf32, #tpu.memory_space<vmem_shared>>
          tpu.wait_indirect_dma semaphore(%arg24 : memref<!tpu.dma_semaphore, #tpu.memory_space<semaphore_mem>>) src(%arg17 : memref<128x32xf32, #tpu.memory_space<vmem>>) dst(%dma_wait3A_320 : memref<25088x32xf32, #tpu.memory_space<vmem_shared>>)
        } else {
        }
        %add3A_280 = arith.constant 6 : i32
        %add3A_281 = arith.addi %add3A_262, %add3A_280 : i32
        %lt3A_282 = arith.constant 56 : i32
        %lt3A_283 = arith.cmpi slt, %add3A_281, %lt3A_282 : i32
        %convert_element_type3A_284 = arith.extui %lt3A_283 : i1 to i32
        %cond3A_285 = arith.constant 0 : i32
        %cond3A_286 = arith.cmpi ne, %convert_element_type3A_284, %cond3A_285 : i32
        scf.if %cond3A_286 {
          %add3A_315 = arith.constant 6 : i32
          %add3A_316 = arith.addi %add3A_262, %add3A_315 : i32
          %dma_start3A_317 = arith.constant 0 : i32
          %dma_start3A_318 = tpu.memref_slice %arg10[%add3A_316, %dma_start3A_317] : memref<56x128xi32, #tpu.memory_space<vmem>> -> memref<1x128xi32, #tpu.memory_space<vmem>>
          %dma_start3A_319 = tpu.memref_squeeze %dma_start3A_318 : memref<1x128xi32, #tpu.memory_space<vmem>> -> memref<128xi32, #tpu.memory_space<vmem>>
          %dma_start3A_320 = arith.constant 0 : i32
          %dma_start3A_321 = arith.constant 0 : i32
          %dma_start3A_322 = tpu.memref_slice %arg8[%dma_start3A_320, %dma_start3A_321] : memref<50176x32xf32, #tpu.memory_space<hbm>> -> memref<50176x32xf32, #tpu.memory_space<hbm>>
          tpu.enqueue_indirect_dma source(%dma_start3A_322 : memref<50176x32xf32, #tpu.memory_space<hbm>>) target(%arg15 : memref<128x32xf32, #tpu.memory_space<vmem>>) offsets(%dma_start3A_319 : memref<128xi32, #tpu.memory_space<vmem>>) semaphore(%arg23 : memref<!tpu.dma_semaphore, #tpu.memory_space<semaphore_mem>>)
        } else {
        }
        %mul3A_287 = arith.constant 8 : i32
        %mul3A_288 = arith.muli %scan3A_94, %mul3A_287 : i32
        %add3A_289 = arith.constant 7 : i32
        %add3A_290 = arith.addi %mul3A_288, %add3A_289 : i32
        %dma_wait3A_291 = arith.constant 0 : i32
        %dma_wait3A_292 = tpu.memref_slice %arg10[%add3A_290, %dma_wait3A_291] : memref<56x128xi32, #tpu.memory_space<vmem>> -> memref<1x128xi32, #tpu.memory_space<vmem>>
        %dma_wait3A_293 = tpu.memref_squeeze %dma_wait3A_292 : memref<1x128xi32, #tpu.memory_space<vmem>> -> memref<128xi32, #tpu.memory_space<vmem>>
        %dma_wait3A_294 = arith.constant 0 : i32
        %dma_wait3A_295 = arith.constant 0 : i32
        %dma_wait3A_296 = tpu.memref_slice %arg8[%dma_wait3A_294, %dma_wait3A_295] : memref<50176x32xf32, #tpu.memory_space<hbm>> -> memref<50176x32xf32, #tpu.memory_space<hbm>>
        tpu.wait_indirect_dma semaphore(%arg23 : memref<!tpu.dma_semaphore, #tpu.memory_space<semaphore_mem>>) src(%dma_wait3A_296 : memref<50176x32xf32, #tpu.memory_space<hbm>>) dst(%arg18 : memref<128x32xf32, #tpu.memory_space<vmem>>)
        %dma_start3A_297 = arith.constant 0 : i32
        %dma_start3A_298 = tpu.memref_slice %arg9[%add3A_290, %dma_start3A_297] : memref<56x128xi32, #tpu.memory_space<vmem>> -> memref<1x128xi32, #tpu.memory_space<vmem>>
        %dma_start3A_299 = tpu.memref_squeeze %dma_start3A_298 : memref<1x128xi32, #tpu.memory_space<vmem>> -> memref<128xi32, #tpu.memory_space<vmem>>
        %dma_start3A_300 = arith.constant 0 : i32
        %dma_start3A_301 = arith.constant 0 : i32
        %dma_start3A_302 = tpu.memref_slice %arg22[%dma_start3A_300, %dma_start3A_301] : memref<25088x32xf32, #tpu.memory_space<vmem_shared>> -> memref<25088x32xf32, #tpu.memory_space<vmem_shared>>
        tpu.enqueue_indirect_dma source(%arg18 : memref<128x32xf32, #tpu.memory_space<vmem>>) target(%dma_start3A_302 : memref<25088x32xf32, #tpu.memory_space<vmem_shared>>) offsets(%dma_start3A_299 : memref<128xi32, #tpu.memory_space<vmem>>) semaphore(%arg24 : memref<!tpu.dma_semaphore, #tpu.memory_space<semaphore_mem>>) {add = true}
        %ge3A_303 = arith.constant 2 : i32
        %ge3A_304 = arith.cmpi sge, %add3A_290, %ge3A_303 : i32
        %convert_element_type3A_305 = arith.extui %ge3A_304 : i1 to i32
        %cond3A_306 = arith.constant 0 : i32
        %cond3A_307 = arith.cmpi ne, %convert_element_type3A_305, %cond3A_306 : i32
        scf.if %cond3A_307 {
          %dma_wait3A_315 = arith.constant 0 : i32
          %dma_wait3A_316 = tpu.memref_slice %arg9[%add3A_290, %dma_wait3A_315] : memref<56x128xi32, #tpu.memory_space<vmem>> -> memref<1x128xi32, #tpu.memory_space<vmem>>
          %dma_wait3A_317 = tpu.memref_squeeze %dma_wait3A_316 : memref<1x128xi32, #tpu.memory_space<vmem>> -> memref<128xi32, #tpu.memory_space<vmem>>
          %dma_wait3A_318 = arith.constant 0 : i32
          %dma_wait3A_319 = arith.constant 0 : i32
          %dma_wait3A_320 = tpu.memref_slice %arg22[%dma_wait3A_318, %dma_wait3A_319] : memref<25088x32xf32, #tpu.memory_space<vmem_shared>> -> memref<25088x32xf32, #tpu.memory_space<vmem_shared>>
          tpu.wait_indirect_dma semaphore(%arg24 : memref<!tpu.dma_semaphore, #tpu.memory_space<semaphore_mem>>) src(%arg18 : memref<128x32xf32, #tpu.memory_space<vmem>>) dst(%dma_wait3A_320 : memref<25088x32xf32, #tpu.memory_space<vmem_shared>>)
        } else {
        }
        %add3A_308 = arith.constant 6 : i32
        %add3A_309 = arith.addi %add3A_290, %add3A_308 : i32
        %lt3A_310 = arith.constant 56 : i32
        %lt3A_311 = arith.cmpi slt, %add3A_309, %lt3A_310 : i32
        %convert_element_type3A_312 = arith.extui %lt3A_311 : i1 to i32
        %cond3A_313 = arith.constant 0 : i32
        %cond3A_314 = arith.cmpi ne, %convert_element_type3A_312, %cond3A_313 : i32
        scf.if %cond3A_314 {
          %add3A_315 = arith.constant 6 : i32
          %add3A_316 = arith.addi %add3A_290, %add3A_315 : i32
          %dma_start3A_317 = arith.constant 0 : i32
          %dma_start3A_318 = tpu.memref_slice %arg10[%add3A_316, %dma_start3A_317] : memref<56x128xi32, #tpu.memory_space<vmem>> -> memref<1x128xi32, #tpu.memory_space<vmem>>
          %dma_start3A_319 = tpu.memref_squeeze %dma_start3A_318 : memref<1x128xi32, #tpu.memory_space<vmem>> -> memref<128xi32, #tpu.memory_space<vmem>>
          %dma_start3A_320 = arith.constant 0 : i32
          %dma_start3A_321 = arith.constant 0 : i32
          %dma_start3A_322 = tpu.memref_slice %arg8[%dma_start3A_320, %dma_start3A_321] : memref<50176x32xf32, #tpu.memory_space<hbm>> -> memref<50176x32xf32, #tpu.memory_space<hbm>>
          tpu.enqueue_indirect_dma source(%dma_start3A_322 : memref<50176x32xf32, #tpu.memory_space<hbm>>) target(%arg16 : memref<128x32xf32, #tpu.memory_space<vmem>>) offsets(%dma_start3A_319 : memref<128xi32, #tpu.memory_space<vmem>>) semaphore(%arg23 : memref<!tpu.dma_semaphore, #tpu.memory_space<semaphore_mem>>)
        } else {
        }
      }
      %scan3A_80 = arith.constant 7 : i32
      %dma_wait3A = arith.constant 0 : i32
      %dma_wait3A_81 = arith.constant 0 : i32
      %dma_wait3A_82 = tpu.memref_slice %arg9[%dma_wait3A, %dma_wait3A_81] : memref<56x128xi32, #tpu.memory_space<vmem>> -> memref<1x128xi32, #tpu.memory_space<vmem>>
      %dma_wait3A_83 = tpu.memref_squeeze %dma_wait3A_82 : memref<1x128xi32, #tpu.memory_space<vmem>> -> memref<128xi32, #tpu.memory_space<vmem>>
      %dma_wait3A_84 = arith.constant 0 : i32
      %dma_wait3A_85 = arith.constant 0 : i32
      %dma_wait3A_86 = tpu.memref_slice %arg22[%dma_wait3A_84, %dma_wait3A_85] : memref<25088x32xf32, #tpu.memory_space<vmem_shared>> -> memref<25088x32xf32, #tpu.memory_space<vmem_shared>>
      tpu.wait_indirect_dma semaphore(%arg24 : memref<!tpu.dma_semaphore, #tpu.memory_space<semaphore_mem>>) src(%arg11 : memref<128x32xf32, #tpu.memory_space<vmem>>) dst(%dma_wait3A_86 : memref<25088x32xf32, #tpu.memory_space<vmem_shared>>)
      %dma_wait3A_87 = arith.constant 0 : i32
      %dma_wait3A_88 = arith.constant 0 : i32
      %dma_wait3A_89 = tpu.memref_slice %arg9[%dma_wait3A_87, %dma_wait3A_88] : memref<56x128xi32, #tpu.memory_space<vmem>> -> memref<1x128xi32, #tpu.memory_space<vmem>>
      %dma_wait3A_90 = tpu.memref_squeeze %dma_wait3A_89 : memref<1x128xi32, #tpu.memory_space<vmem>> -> memref<128xi32, #tpu.memory_space<vmem>>
      %dma_wait3A_91 = arith.constant 0 : i32
      %dma_wait3A_92 = arith.constant 0 : i32
      %dma_wait3A_93 = tpu.memref_slice %arg22[%dma_wait3A_91, %dma_wait3A_92] : memref<25088x32xf32, #tpu.memory_space<vmem_shared>> -> memref<25088x32xf32, #tpu.memory_space<vmem_shared>>
      tpu.wait_indirect_dma semaphore(%arg24 : memref<!tpu.dma_semaphore, #tpu.memory_space<semaphore_mem>>) src(%arg11 : memref<128x32xf32, #tpu.memory_space<vmem>>) dst(%dma_wait3A_93 : memref<25088x32xf32, #tpu.memory_space<vmem_shared>>)
    }
    %scan3A_20 = arith.constant 7 : i32
    %barrier3A_21 = arith.constant 0 : index
    tpu.barrier barrier_id(%barrier3A_21)
    %scan3A_22 = arith.constant 0 : i32
    %scan3A_23 = arith.constant 0 : i32
    %scan3A_24 = arith.constant 7 : i32
    %scan3A_25 = arith.addi %scan3A_23, %scan3A_24 : i32
    %scan3A_26 = arith.constant 1 : i32
    scf.for %scan3A_28 = %scan3A_23 to %scan3A_25 step %scan3A_26  : i32 {
      %mul3A_29 = arith.constant 224 : i32
      %mul3A_30 = arith.muli %scan3A_28, %mul3A_29 : i32
      %add3A_31 = arith.addi %mul3A_2, %mul3A_30 : i32
      %mul3A_32 = arith.constant 224 : i32
      %mul3A_33 = arith.muli %scan3A_28, %mul3A_32 : i32
      %add3A_34 = arith.addi %add3A_5, %mul3A_33 : i32
      "tpu.region"() ({
        %run_scoped3A = tpu.sem_alloc : memref<!tpu.dma_semaphore, #tpu.memory_space<semaphore_mem>>
        %dma_start3A = arith.constant 0 : i32
        %dma_start3A_41 = tpu.memref_slice %arg22[%add3A_31, %dma_start3A] : memref<25088x32xf32, #tpu.memory_space<vmem_shared>> -> memref<224x32xf32, #tpu.memory_space<vmem_shared>>
        %dma_start3A_42 = arith.constant 0 : i32
        %dma_start3A_43 = tpu.memref_slice %arg22[%add3A_31, %dma_start3A_42] : memref<25088x32xf32, #tpu.memory_space<vmem_shared>> -> memref<224x32xf32, #tpu.memory_space<vmem_shared>>
        tpu.enqueue_dma source(%dma_start3A_43 : memref<224x32xf32, #tpu.memory_space<vmem_shared>>) target(%arg19 : memref<224x32xf32, #tpu.memory_space<vmem>>) target_semaphore(%run_scoped3A : memref<!tpu.dma_semaphore, #tpu.memory_space<semaphore_mem>>)
        %dma_wait3A = arith.constant 0 : i32
        %dma_wait3A_44 = tpu.memref_slice %arg22[%add3A_31, %dma_wait3A] : memref<25088x32xf32, #tpu.memory_space<vmem_shared>> -> memref<224x32xf32, #tpu.memory_space<vmem_shared>>
        %dma_wait3A_45 = arith.constant 0 : i32
        %dma_wait3A_46 = tpu.memref_slice %arg22[%add3A_31, %dma_wait3A_45] : memref<25088x32xf32, #tpu.memory_space<vmem_shared>> -> memref<224x32xf32, #tpu.memory_space<vmem_shared>>
        tpu.wait_dma2 semaphore(%run_scoped3A : memref<!tpu.dma_semaphore, #tpu.memory_space<semaphore_mem>>) src(%dma_wait3A_46 : memref<224x32xf32, #tpu.memory_space<vmem_shared>>) dst(%arg19 : memref<224x32xf32, #tpu.memory_space<vmem>>)
        tpu.yield
      }) : () -> ()
      "tpu.region"() ({
        %run_scoped3A = tpu.sem_alloc : memref<!tpu.dma_semaphore, #tpu.memory_space<semaphore_mem>>
        %dma_start3A = arith.constant 0 : i32
        %dma_start3A_41 = tpu.memref_slice %arg2[%add3A_34, %dma_start3A] : memref<50176x16xf32, #tpu.memory_space<hbm>> -> memref<224x16xf32, #tpu.memory_space<hbm>>
        %dma_start3A_42 = arith.constant 0 : i32
        %dma_start3A_43 = tpu.memref_slice %arg2[%add3A_34, %dma_start3A_42] : memref<50176x16xf32, #tpu.memory_space<hbm>> -> memref<224x16xf32, #tpu.memory_space<hbm>>
        tpu.enqueue_dma source(%dma_start3A_43 : memref<224x16xf32, #tpu.memory_space<hbm>>) target(%arg20 : memref<224x16xf32, #tpu.memory_space<vmem>>) target_semaphore(%run_scoped3A : memref<!tpu.dma_semaphore, #tpu.memory_space<semaphore_mem>>)
        %dma_wait3A = arith.constant 0 : i32
        %dma_wait3A_44 = tpu.memref_slice %arg2[%add3A_34, %dma_wait3A] : memref<50176x16xf32, #tpu.memory_space<hbm>> -> memref<224x16xf32, #tpu.memory_space<hbm>>
        %dma_wait3A_45 = arith.constant 0 : i32
        %dma_wait3A_46 = tpu.memref_slice %arg2[%add3A_34, %dma_wait3A_45] : memref<50176x16xf32, #tpu.memory_space<hbm>> -> memref<224x16xf32, #tpu.memory_space<hbm>>
        tpu.wait_dma2 semaphore(%run_scoped3A : memref<!tpu.dma_semaphore, #tpu.memory_space<semaphore_mem>>) src(%dma_wait3A_46 : memref<224x16xf32, #tpu.memory_space<hbm>>) dst(%arg20 : memref<224x16xf32, #tpu.memory_space<vmem>>)
        tpu.yield
      }) : () -> ()
      %scan3A_35 = arith.constant 0 : i32
      %scan3A_36 = arith.constant 0 : i32
      %scan3A_37 = arith.constant 112 : i32
      %scan3A_38 = arith.addi %scan3A_36, %scan3A_37 : i32
      %scan3A_39 = arith.constant 1 : i32
      scf.for %scan3A_41 = %scan3A_36 to %scan3A_38 step %scan3A_39  : i32 {
        %mul3A_42 = arith.constant 2 : i32
        %mul3A_43 = arith.muli %scan3A_41, %mul3A_42 : i32
        %add3A_44 = arith.constant 0 : i32
        %add3A_45 = arith.addi %mul3A_43, %add3A_44 : i32
        %get3A = arith.index_cast %add3A_45 : i32 to index
        %get3A_46 = arith.constant 0 : index
        %get3A_47 = tpu.vector_load %arg20[%get3A, %get3A_46] {strides = array<i32>} : memref<224x16xf32, #tpu.memory_space<vmem>>, vector<16xf32>,
        %mul3A_48 = arith.constant 0.333333343 : f32
        %mul3A_49 = vector.broadcast %mul3A_48 : f32 to vector<16xf32>
        %mul3A_50 = arith.mulf %get3A_47, %mul3A_49 : vector<16xf32>
        %get3A_51 = arith.index_cast %add3A_45 : i32 to index
        %get3A_52 = arith.constant 0 : index
        %get3A_53 = tpu.vector_load %arg19[%get3A_51, %get3A_52] {strides = array<i32>} : memref<224x32xf32, #tpu.memory_space<vmem>>, vector<16xf32>,
        %mul3A_54 = arith.mulf %get3A_53, %mul3A_50 : vector<16xf32>
        %swap3A = arith.index_cast %add3A_45 : i32 to index
        %swap3A_55 = arith.constant 0 : index
        %swap3A_56 = tpu.vector_load %arg21[%swap3A, %swap3A_55] {strides = array<i32>} : memref<224x32xf32, #tpu.memory_space<vmem>>, vector<16xf32>,
        tpu.vector_store %arg21[%swap3A, %swap3A_55], %mul3A_54 {strides = array<i32>} : memref<224x32xf32, #tpu.memory_space<vmem>>, vector<16xf32>,
        %get3A_57 = arith.index_cast %add3A_45 : i32 to index
        %get3A_58 = arith.constant 16 : index
        %get3A_59 = tpu.vector_load %arg19[%get3A_57, %get3A_58] {strides = array<i32>} : memref<224x32xf32, #tpu.memory_space<vmem>>, vector<16xf32>,
        %mul3A_60 = arith.mulf %get3A_59, %mul3A_50 : vector<16xf32>
        %swap3A_61 = arith.index_cast %add3A_45 : i32 to index
        %swap3A_62 = arith.constant 16 : index
        %swap3A_63 = tpu.vector_load %arg21[%swap3A_61, %swap3A_62] {strides = array<i32>} : memref<224x32xf32, #tpu.memory_space<vmem>>, vector<16xf32>,
        tpu.vector_store %arg21[%swap3A_61, %swap3A_62], %mul3A_60 {strides = array<i32>} : memref<224x32xf32, #tpu.memory_space<vmem>>, vector<16xf32>,
        %mul3A_64 = arith.constant 2 : i32
        %mul3A_65 = arith.muli %scan3A_41, %mul3A_64 : i32
        %add3A_66 = arith.constant 1 : i32
        %add3A_67 = arith.addi %mul3A_65, %add3A_66 : i32
        %get3A_68 = arith.index_cast %add3A_67 : i32 to index
        %get3A_69 = arith.constant 0 : index
        %get3A_70 = tpu.vector_load %arg20[%get3A_68, %get3A_69] {strides = array<i32>} : memref<224x16xf32, #tpu.memory_space<vmem>>, vector<16xf32>,
        %mul3A_71 = arith.constant 0.333333343 : f32
        %mul3A_72 = vector.broadcast %mul3A_71 : f32 to vector<16xf32>
        %mul3A_73 = arith.mulf %get3A_70, %mul3A_72 : vector<16xf32>
        %get3A_74 = arith.index_cast %add3A_67 : i32 to index
        %get3A_75 = arith.constant 0 : index
        %get3A_76 = tpu.vector_load %arg19[%get3A_74, %get3A_75] {strides = array<i32>} : memref<224x32xf32, #tpu.memory_space<vmem>>, vector<16xf32>,
        %mul3A_77 = arith.mulf %get3A_76, %mul3A_73 : vector<16xf32>
        %swap3A_78 = arith.index_cast %add3A_67 : i32 to index
        %swap3A_79 = arith.constant 0 : index
        %swap3A_80 = tpu.vector_load %arg21[%swap3A_78, %swap3A_79] {strides = array<i32>} : memref<224x32xf32, #tpu.memory_space<vmem>>, vector<16xf32>,
        tpu.vector_store %arg21[%swap3A_78, %swap3A_79], %mul3A_77 {strides = array<i32>} : memref<224x32xf32, #tpu.memory_space<vmem>>, vector<16xf32>,
        %get3A_81 = arith.index_cast %add3A_67 : i32 to index
        %get3A_82 = arith.constant 16 : index
        %get3A_83 = tpu.vector_load %arg19[%get3A_81, %get3A_82] {strides = array<i32>} : memref<224x32xf32, #tpu.memory_space<vmem>>, vector<16xf32>,
        %mul3A_84 = arith.mulf %get3A_83, %mul3A_73 : vector<16xf32>
        %swap3A_85 = arith.index_cast %add3A_67 : i32 to index
        %swap3A_86 = arith.constant 16 : index
        %swap3A_87 = tpu.vector_load %arg21[%swap3A_85, %swap3A_86] {strides = array<i32>} : memref<224x32xf32, #tpu.memory_space<vmem>>, vector<16xf32>,
        tpu.vector_store %arg21[%swap3A_85, %swap3A_86], %mul3A_84 {strides = array<i32>} : memref<224x32xf32, #tpu.memory_space<vmem>>, vector<16xf32>,
      }
      %scan3A_40 = arith.constant 112 : i32
      "tpu.region"() ({
        %run_scoped3A = tpu.sem_alloc : memref<!tpu.dma_semaphore, #tpu.memory_space<semaphore_mem>>
        %dma_start3A = arith.constant 0 : i32
        %dma_start3A_41 = tpu.memref_slice %arg7[%add3A_34, %dma_start3A] : memref<50176x32xf32, #tpu.memory_space<hbm>> -> memref<224x32xf32, #tpu.memory_space<hbm>>
        %dma_start3A_42 = arith.constant 0 : i32
        %dma_start3A_43 = tpu.memref_slice %arg7[%add3A_34, %dma_start3A_42] : memref<50176x32xf32, #tpu.memory_space<hbm>> -> memref<224x32xf32, #tpu.memory_space<hbm>>
        tpu.enqueue_dma source(%arg21 : memref<224x32xf32, #tpu.memory_space<vmem>>) target(%dma_start3A_43 : memref<224x32xf32, #tpu.memory_space<hbm>>) target_semaphore(%run_scoped3A : memref<!tpu.dma_semaphore, #tpu.memory_space<semaphore_mem>>)
        %dma_wait3A = arith.constant 0 : i32
        %dma_wait3A_44 = tpu.memref_slice %arg7[%add3A_34, %dma_wait3A] : memref<50176x32xf32, #tpu.memory_space<hbm>> -> memref<224x32xf32, #tpu.memory_space<hbm>>
        %dma_wait3A_45 = arith.constant 0 : i32
        %dma_wait3A_46 = tpu.memref_slice %arg7[%add3A_34, %dma_wait3A_45] : memref<50176x32xf32, #tpu.memory_space<hbm>> -> memref<224x32xf32, #tpu.memory_space<hbm>>
        tpu.wait_dma2 semaphore(%run_scoped3A : memref<!tpu.dma_semaphore, #tpu.memory_space<semaphore_mem>>) src(%arg21 : memref<224x32xf32, #tpu.memory_space<vmem>>) dst(%dma_wait3A_46 : memref<224x32xf32, #tpu.memory_space<hbm>>)
        tpu.yield
      }) : () -> ()
    }
    %scan3A_27 = arith.constant 7 : i32
    return
  }
}

module attributes {stable_mosaic.version = 14 : i64} {
  func.func @_tc_norm_body(%arg0: i32, %arg1: memref<3136x128xf32, #tpu.memory_space<vmem>>, %arg2: memref<3136x128xf32, #tpu.memory_space<vmem>>, %arg3: memref<128x128xf32, #tpu.memory_space<vmem>>, %arg4: memref<3136x128xf32, #tpu.memory_space<vmem>>) attributes {dimension_semantics = [#tpu.dimension_semantics<arbitrary>], iteration_bounds = array<i64: 4>, scalar_prefetch = 0 : i64, scratch_operands = 0 : i64, tpu.core_type = #tpu.core_type<tc>, window_params = [{transform_indices = @transform_0, window_bounds = array<i64: 3136, 128>}, {transform_indices = @transform_1, window_bounds = array<i64: 3136, 128>}, {pipeline_mode = #tpu.pipeline_mode<synchronous>, transform_indices = @transform_2, window_bounds = array<i64: 128, 128>}, {transform_indices = @transform_3, window_bounds = array<i64: 3136, 128>}]} {
    %get3A = arith.constant 0 : index
    %get3A_0 = arith.constant 0 : index
    %get3A_1 = vector.load %arg2[%get3A, %get3A_0] : memref<3136x128xf32, #tpu.memory_space<vmem>>, vector<3136x128xf32>
    %mul3A = arith.mulf %get3A_1, %get3A_1 : vector<3136x128xf32>
    %get3A_2 = arith.constant 0 : index
    %get3A_3 = arith.constant 0 : index
    %get3A_4 = vector.load %arg3[%get3A_2, %get3A_3] : memref<128x128xf32, #tpu.memory_space<vmem>>, vector<128x128xf32>
    %dot_general3A = arith.constant dense<0.000000e+00> : vector<3136x128xf32>
    %dot_general3A_5 = tpu.matmul %mul3A, %get3A_4, %dot_general3A {dimension_numbers = #tpu.dot_dimension_numbers<[1], [0], [0], [1], [0, 0, 1, 1], [], []>, precision = #tpu.contract_precision<fp32>, transpose_lhs_hint = false} : vector<3136x128xf32>, vector<128x128xf32>, vector<3136x128xf32> -> vector<3136x128xf32>
    %get3A_6 = arith.constant 0 : index
    %get3A_7 = arith.constant 0 : index
    %get3A_8 = vector.load %arg1[%get3A_6, %get3A_7] : memref<3136x128xf32, #tpu.memory_space<vmem>>, vector<3136x128xf32>
    %sqrt3A = math.sqrt %dot_general3A_5 : vector<3136x128xf32>
    %max3A = arith.constant 9.99999996E-13 : f32
    %max3A_9 = vector.broadcast %max3A : f32 to vector<3136x128xf32>
    %max3A_10 = arith.maximumf %sqrt3A, %max3A_9 : vector<3136x128xf32>
    %div3A = arith.divf %get3A_1, %max3A_10 : vector<3136x128xf32>
    %add3A = arith.addf %get3A_8, %div3A : vector<3136x128xf32>
    %swap3A = arith.constant 0 : index
    %swap3A_11 = arith.constant 0 : index
    %swap3A_12 = vector.load %arg4[%swap3A, %swap3A_11] : memref<3136x128xf32, #tpu.memory_space<vmem>>, vector<3136x128xf32>
    tpu.vector_store %arg4[%swap3A, %swap3A_11], %add3A {strides = array<i32>} : memref<3136x128xf32, #tpu.memory_space<vmem>>, vector<3136x128xf32>,
    return
  }
  func.func @transform_0(%arg0: i32) -> (i32, i32) {
    %c0_i32 = arith.constant 0 : i32
    %c0_i32_0 = arith.constant 0 : i32
    return %arg0, %c0_i32 : i32, i32
  }
  func.func @transform_1(%arg0: i32) -> (i32, i32) {
    %c0_i32 = arith.constant 0 : i32
    %c0_i32_0 = arith.constant 0 : i32
    return %arg0, %c0_i32 : i32, i32
  }
  func.func @transform_2(%arg0: i32) -> (i32, i32) {
    %c0_i32 = arith.constant 0 : i32
    %c0_i32_0 = arith.constant 0 : i32
    %c0_i32_1 = arith.constant 0 : i32
    return %c0_i32, %c0_i32_0 : i32, i32
  }
  func.func @transform_3(%arg0: i32) -> (i32, i32) {
    %c0_i32 = arith.constant 0 : i32
    %c0_i32_0 = arith.constant 0 : i32
    return %arg0, %c0_i32 : i32, i32
  }
}

</mosaic_0001>

<sc_bundles>
// kernel: kernel.10.cloned.1.call-start
scs
__scs_entry_jumppad:
0x0: {  	(pc) =	sbr.rel $0x88, $3  }
0x1: {  	(tag) =	ssettag $0x0;
	lr =	simm.s32 $0x1  }
0x2: {  	[smem:$0x3F9E] =	sst lr;
	_ =	strace $0xD0000000  }
0x3: {  	_ = 	snop  }
0x4: {  	_ = 	snop  }
0x5: {  	_ = 	snop  }
0x6: {  	_ = 	snop  }
0x7: {  	_ = 	snop  }
__scs_overlays_trampoline_lowered:
0x8: {  	[smem:$0x3FAD] =	sst s0  }
0x9: {  	[smem:$0x3FAE] =	sst s1  }
0xa: {  	[smem:$0x3FAF] =	sst s2  }
0xb: {  	[smem:$0x3FB0] =	sst s3  }
0xc: {  	[smem:$0x3FB1] =	sst s4  }
0xd: {  	[smem:$0x3FB2] =	sst s5  }
0xe: {  	[smem:$0x3FB3] =	sst s6  }
0xf: {  	[smem:$0x3FB4] =	sst s7  }
0x10: {  	[smem:$0x3FB5] =	sst s8  }
0x11: {  	[smem:$0x3FB6] =	sst s9;
	s0 =	simm.s32 @!p0 $0x0  }
0x12: {  	s1 =	sld [smem:$0x3F9C];
	s0 =	simm.s32 @p0 $0x1  }
0x13: {  	[smem:$0x3FB7] =	sst s0;
	s0 =	simm.s32 @!p1 $0x0  }
0x14: {  	s2 =	sld [smem:$0x3F9B];
	s0 =	simm.s32 @p1 $0x1  }
0x15: {  	[smem:$0x3FB8] =	sst s0;
	s0 =	simm.s32 @!p2 $0x0  }
0x16: {  	s3 =	sld [smem:$0x3FDB];
	s0 =	simm.s32 @p2 $0x1  }
0x17: {  	s4 =	simm.s32 $0x1BF5;
	[smem:$0x3FBA] =	sst s0  }
0x18: {  	s0 =	sld [smem:$0x3F9D];
	_ =	swait.ge [sflag:s4], $0x0  }
0x19: {  	s7 =	sld [smem:$0x3F9E]  }
0x1a: {  	s8 =	sadd.s32 $0xFFFFE003, lr  }
0x1b: {  	s9 =	sadd.s32 $0xFFFFFEF7, lr;
	s5 =	simm.s32 $0xFFFFFFFF;
	p2 =	slt.u32 s8, $0xFFFFF086  }
0x1c: {  	p1 =	slt.u32 s9, $0xF7A;
	s5 =	simm.s32 @!p2 $0x0  }
0x1d: {  	s5 =	simm.s32 @p1 $0x1;
	p0 =	seq.s32 s7, s2  }
0x1e: {  	s7 =	smul.u32 @!p0 $0xF7A, s2;
	p2 =	seq.s32 @!p0 s5, $0x0  }
0x1f: {  	s9 =	smul.u32 $0xF7A, s1;
	s8 =	simm.s32 @!p0 $0x1BF5;
	p2 =	por !p2, p0  }
0x20: {  	[sflag:s8] =	ssyncset.s32 @!p0 $0xFFFFF086;
	s6 =	sadd.s32 @!p0 s3, s7;
	s7 =	simm.s32 @!p0 $0x108  }
0x21: {  	s3 =	sadd.s32 s3, s9;
	s6 =	sadd.s32 @!p0 $0x88, s6;
	s7 =	simm.s32 @p2 $0x1082  }
0x22: {  	[simem:s7], [sflag:s8] =	dma.local @!p0 [hbm:s6], $0xF7A  }
0x23: {  	s9 =	sor.u32 $0xD0000000, s2;
	s6 =	simm.s32 $0x108;
	_ =	swait.ge @!p0 [sflag:s8], $0x0  }
0x24: {  	s3 =	sadd.s32 $0x88, s3;
	s6 =	simm.s32 @!p1 $0x1082;
	[sflag:s4] =	ssyncset.s32 $0xFFFFF086  }
0x25: {  	[simem:s6], [sflag:s4] =	dma.local [hbm:s3], $0xF7A  }
0x26: {  	[smem:$0x3F9E] =	sst s1;
	(tag) =	ssettag s2;
	_ =	strace s9  }
0x27: {  	s1 =	sld [smem:$0x3FAE]  }
0x28: {  	s2 =	sld [smem:$0x3FAF]  }
0x29: {  	s4 =	sld [smem:$0x3FB1]  }
0x2a: {  	p0 =	seq.s32 s5, $0x0;
	s5 =	sld [smem:$0x3FB2]  }
0x2b: {  	s6 =	sld [smem:$0x3FB3]  }
0x2c: {  	s7 =	sld [smem:$0x3FB4]  }
0x2d: {  	s3 =	simm.s32 $0x108;
	s8 =	sld [smem:$0x3FB5]  }
0x2e: {  	s3 =	simm.s32 @!p0 $0x1082;
	s9 =	sld [smem:$0x3FB6]  }
0x2f: {  	lr =	sadd.s32 s0, s3;
	s0 =	sld [smem:$0x3FAD]  }
0x30: {  	s3 =	sld [smem:$0x3FB0]  }
0x31: {  	[smem:$0x3FB9] =	sst s10  }
0x32: {  	s10 =	sld [smem:$0x3FB7];
	_ =	sdelay $0x3  }
0x33: {  	p0 =	seq.s32 s10, $0x1;
	s10 =	sld [smem:$0x3FB9];
	_ =	sdelay $0x3  }
0x34: {  	[smem:$0x3FB9] =	sst s10  }
0x35: {  	s10 =	sld [smem:$0x3FB8];
	_ =	sdelay $0x3  }
0x36: {  	p1 =	seq.s32 s10, $0x1;
	s10 =	sld [smem:$0x3FB9];
	_ =	sdelay $0x3  }
0x37: {  	[smem:$0x3FB9] =	sst s10  }
0x38: {  	s10 =	sld [smem:$0x3FBA]  }
0x39: {  	_ = 	snop;
	(pc) =	sbr.ind lr, $3  }
0x3a: {  	_ = 	snop  }
0x3b: {  	_ = 	snop  }
0x3c: {  	p2 =	seq.s32 s10, $0x1;
	s10 =	sld [smem:$0x3FB9]  }
0x3d: {  	_ =	shalt  }
0x3e: {  	_ =	shalt  }
0x3f: {  	_ =	shalt  }
0x40: {  	_ =	shalt  }
0x41: {  	_ =	shalt  }
0x42: {  	_ =	shalt  }
0x43: {  	_ =	shalt  }
0x44: {  	_ =	shalt  }
0x45: {  	_ =	shalt  }
0x46: {  	_ =	shalt  }
0x47: {  	_ =	shalt  }
0x48: {  	_ =	shalt  }
0x49: {  	_ =	shalt  }
0x4a: {  	_ =	shalt  }
0x4b: {  	_ =	shalt  }
0x4c: {  	_ =	shalt  }
0x4d: {  	_ =	shalt  }
0x4e: {  	_ =	shalt  }
0x4f: {  	_ =	shalt  }
0x50: {  	_ =	shalt  }
0x51: {  	_ =	shalt  }
0x52: {  	_ =	shalt  }
0x53: {  	_ =	shalt  }
0x54: {  	_ =	shalt  }
0x55: {  	_ =	shalt  }
0x56: {  	_ =	shalt  }
0x57: {  	_ =	shalt  }
0x58: {  	_ =	shalt  }
0x59: {  	_ =	shalt  }
0x5a: {  	_ =	shalt  }
0x5b: {  	_ =	shalt  }
0x5c: {  	_ =	shalt  }
0x5d: {  	_ =	shalt  }
0x5e: {  	_ =	shalt  }
0x5f: {  	_ =	shalt  }
0x60: {  	_ =	shalt  }
0x61: {  	_ =	shalt  }
0x62: {  	_ =	shalt  }
0x63: {  	_ =	shalt  }
0x64: {  	_ =	shalt  }
0x65: {  	_ =	shalt  }
0x66: {  	_ =	shalt  }
0x67: {  	_ =	shalt  }
0x68: {  	_ =	shalt  }
0x69: {  	_ =	shalt  }
0x6a: {  	_ =	shalt  }
0x6b: {  	_ =	shalt  }
0x6c: {  	_ =	shalt  }
0x6d: {  	_ =	shalt  }
0x6e: {  	_ =	shalt  }
0x6f: {  	_ =	shalt  }
0x70: {  	_ =	shalt  }
0x71: {  	_ =	shalt  }
0x72: {  	_ =	shalt  }
0x73: {  	_ =	shalt  }
0x74: {  	_ =	shalt  }
0x75: {  	_ =	shalt  }
0x76: {  	_ =	shalt  }
0x77: {  	_ =	shalt  }
0x78: {  	_ =	shalt  }
0x79: {  	_ =	shalt  }
0x7a: {  	_ =	shalt  }
0x7b: {  	_ =	shalt  }
0x7c: {  	_ =	shalt  }
0x7d: {  	_ =	shalt  }
0x7e: {  	_ =	shalt  }
0x7f: {  	_ =	shalt  }
0x80: {  	_ =	shalt  }
0x81: {  	_ =	shalt  }
0x82: {  	_ =	shalt  }
0x83: {  	_ =	shalt  }
0x84: {  	_ =	shalt  }
0x85: {  	_ =	shalt  }
0x86: {  	_ =	shalt  }
0x87: {  	_ =	shalt  }
.Lfunc_end0:
.L_simem_size_0:
called_computation.1_lowered:
.L_overlay_start_0:
0x88: {  	s2 =	sld [smem:$0x3FD9]  }
0x89: {  	s3 =	sld [smem:$0x3FFE];
	_ =	sdelay $0x1  }
0x8a: {  	s1 =	srdreg.scid  }
0x8b: {  	s0 =	sand.u32 $0x1, s1  }
0x8c: {  	s14 =	sshll.u32 s0, $0xA;
	s2 =	sadd.s32 s3, s2  }
0x8d: {  	s2 =	sadd.s32 s2, s14  }
0x8e: {  	[smem:$0x3FC5] =	sst s2  }
0x8f: {  	_ = 	snop  }
0x90: {  	s2 =	sld [smem:$0x3FD0];
	_ =	sdelay $0x2  }
0x91: {  	s15 =	simm.s32 $0xA;
	s4 =	simm.s32 $0x10  }
0x92: {  	[smem:s4], [sflag:s15] =	dma.local [hbm:s2], $0x1  }
0x93: {  	_ =	swait.eq [sflag:s15], $0x1  }
0x94: {  	[sflag:s15] =	ssyncset.done $0x0  }
0x95: {  	s16 =	sld [smem:$0x10];
	[sflag:s15] =	ssyncadd.s32 $0xFFFFFFFF  }
0x96: {  	s17 =	sld [smem:$0x11];
	(tm) =	ssettm $0x1  }
0x97: {  	s18 =	sld [smem:$0x3FFB];
	_ =	sdelay $0x3  }
0x98: {  	_ =	strace s18  }
0x99: {  	s4 =	sld [smem:$0x3FFC];
	_ =	sdelay $0x3  }
0x9a: {  	_ =	strace s4  }
0x9b: {  	s4 =	sld [smem:$0x3FFD];
	_ =	sdelay $0x3  }
0x9c: {  	_ =	strace s4  }
0x9d: {  	_ =	strace $0x8FFFFFFF  }
0x9e: {  	s19 =	sld [smem:$0x3FDB];
	_ =	sdelay $0x1  }
0x9f: {  	s5 =	simm.s32 $_scs_section_size  }
0xa0: {  	s6 =	simm.s32 $_size__tile_overlayer_lowered;
	s7 =	simm.s32 $_tile_overlayer_lowered  }
0xa1: {  	s22 =	simm.s32 $0x1BFF;
	s21 =	sshll.u32 s7, $0x1;
	s4 =	sadd.s32 s5, s19  }
0xa2: {  	s8 =	simm.s32 $0x0;
	s20 =	sshll.u32 s6, $0x1;
	s6 =	sadd.s32 s21, s4  }
0xa3: {  	[timem:s8], [sflag:s22] =	dma.local [hbm:s6], s20  }
0xa4: {  	_ =	swait.ge [sflag:s22], s20  }
0xa5: {  	s5 =	ssub.s32 $0x0, s20;
	[sflag:s22] =	ssyncset.done $0x0  }
0xa6: {  	[sflag:s22] =	ssyncadd.s32 s5;
	_ =	sdelay $0x1  }
0xa7: {  	s23 =	simm.s32 $0x1B8B  }
0xa8: {  	_ =	swait.ge [sflag:s23], $0x1  }
0xa9: {  	[sflag:s23] =	ssyncset.done $0x0  }
0xaa: {  	s25 =	simm.s32 $0x1B8E;
	s24 =	sld [smem:$0x3FFE];
	[sflag:s23] =	ssyncadd.s32 $0xFFFFFFFF  }
0xab: {  	s26 =	simm.s32 $execute0_lowered;
	[smem:$0x3FD2] =	sst s25  }
0xac: {  	s6 =	sshll.u32 s26, $0x1;
	_ =	strace $0x80000049;
	[dreg:$0x1] =	wrdreg $0xFFFFFFFF  }
0xad: {  	s28 =	simm.s32 $_size_execute0_lowered;
	s4 =	sadd.s32 s4, s6;
	[dreg:$0x0] =	wrdreg $0x0  }
0xae: {  	s6 =	sshll.u32 s28, $0x1;
	[dreg:$0x2] =	wrdreg s4  }
0xaf: {  	[dreg:$0x3] =	wrdreg s6  }
0xb0: {  	[dreg:$0x4] =	wrdreg $0xC0  }
0xb1: {  	_ =	task [dreg:s8], $0x5FFFF  }
0xb2: {  	[dreg:$0x1] =	wrdreg $0xFFFFFFFF  }
0xb3: {  	[dreg:$0x0] =	wrdreg $0x60  }
0xb4: {  	[dreg:$0x2] =	wrdreg s16  }
0xb5: {  	[dreg:$0x3] =	wrdreg s24  }
0xb6: {  	[dreg:$0x4] =	wrdreg s17  }
0xb7: {  	[dreg:$0x5] =	wrdreg $0xFE000  }
0xb8: {  	[dreg:$0x6] =	wrdreg $0x9  }
0xb9: {  	_ =	task.clear_ibuf [dreg:s8], $0x7FFFF;
	_ =	strace $0x90000049  }
0xba: {  	s29 =	simm.s32 $0x9;
	_ =	strace $0x8000004B  }
0xbb: {  	_ =	swait.ge [sflag:s29], $0x1  }
0xbc: {  	[sflag:s29] =	ssyncadd.s32 $0xFFFFFFFF  }
0xbd: {  	_ =	strace $0x9000004B  }
0xbe: {  	_ =	sfence  }
0xbf: {  	s30 =	sld [smem:$0x0];
	_ =	sdelay $0x2  }
0xc0: {  	s31 =	sshll.u32 s1, $0xD;
	s1 =	sshrl.u32 s1, $0x2  }
0xc1: {  	s3 =	sand.u32 $0x4000, s31;
	s1 =	sadd.s32 s1, s30  }
0xc2: {  	s0 =	sor.u32 s3, s0;
	s1 =	sshll.u32 s1, $0x11  }
0xc3: {  	s0 =	sor.u32 s1, s0  }
0xc4: {  	s0 =	sadd.s32 $0x8F2B, s0  }
0xc5: {  	[sflag:s0] =	ssyncadd.remote.s32 $0x1  }
0xc6: {  	_ =	sfence.sel $0xFFFF  }
0xc7: {  	[dreg:$0x0] =	wrdreg $0xFFFFFFFF;
	(pc) =	sbr.abs _section_cstart, $3  }
0xc8: {  	[dreg:$0x1] =	wrdreg $0xFFFFFFFF  }
0xc9: {  	_ =	task.clear_ibuf [dreg:s8], $0x2FFFF;
	_ =	strace $0x9FFFFFFF  }
0xca: {  	(tm) =	ssettm $0x7FFFFFFF  }
0xcb: {  	_ =	shalt  }
tec
execute0_lowered:
.L_overlay_start_1:
0x0: {  	(tag) =	ssettag $0x1  }
0x1: {  	s6 =	rddreg [dreg:$0x0]  }
0x2: {  	s0 =	rddreg [dreg:$0x1]  }
0x3: {  	s1 =	rddreg [dreg:$0x2]  }
0x4: {  	s2 =	rddreg [dreg:$0x3];
	s7 =	simm.s32 $0x0  }
0x5: {  	s23 =	srdreg.scid;
	s5 =	stileid.u32;
	s18 =	simm.s32 $0x3  }
0x6: {  	s19 =	simm.s32 $0xB800;
	s20 =	simm.s32 $0xD400;
	s21 =	simm.s32 $0xE200  }
0x7: {  	s29 =	simm.s32 $0x5800;
	s16 =	simm.s32 $0x1;
	s17 =	simm.s32 $0x9800  }
0x8: {  	s28 =	simm.s32 $0x2;
	[smem:$0x7FF] =	sst s7;
	s8 =	sadd.s32 $0x63A00, s0  }
0x9: {  	s3 =	sadd.s32 $0x32800, s0;
	s22 =	sadd.s32 $0x1800, s0;
	s15 =	smul.u32 $0x620, s5  }
0xa: {  	s9 =	sadd.s32 $0xC5A00, s0;
	s10 =	sadd.s32 $0x94A00, s0;
	s25 =	smul.u32 $0xC400, s5  }
0xb: {  	s14 =	sshll.u32 s5, $0x6;
	_ =	strace $0x8000004A;
	[dreg:$0x6] =	wrdreg s3  }
0xc: {  	[dreg:$0x7] =	wrdreg s22;
	s3 =	sand.u32 $0x1, s23;
	s26 =	sor.u32 $0x1C03, s14  }
0xd: {  	s22 =	simm.s32 $0x1C00;
	s23 =	simm.s32 $0x80;
	[dreg:$0x5] =	wrdreg s8  }
0xe: {  	s14 =	simm.s32 $0x8800;
	[dreg:$0x8] =	wrdreg s9;
	s4 =	ssub.s32 $0x2, s3  }
0xf: {  	s11 =	smul.u32 $0x6200, s3;
	s12 =	sxor.u32 $0x1, s3;
	s3 =	sshll.u32 s3, $0x4  }
0x10: {  	s13 =	sadd.s32 s25, s2;
	[dreg:$0xc] =	wrdreg s26;
	s26 =	simm.s32 $0x4800  }
0x11: {  	[dreg:$0x9] =	wrdreg s15;
	s24 =	sshrl.u32 s4, $0x1;
	s3 =	sor.u32 s5, s3  }
0x12: {  	s31 =	sshrl.u32 s13, $0x3;
	s0 =	ssub.s32 s4, s24;
	s4 =	sshrl.u32 s25, $0x3  }
0x13: {  	s30 =	smul.u32 $0x188, s3;
	[dreg:$0xf] =	wrdreg s31;
	s1 =	sadd.s32 s1, s4  }
0x14: {  	s12 =	smul.u32 $0x6200, s12;
	s11 =	sadd.s32 s15, s11;
	[dreg:$0xb] =	wrdreg s1  }
0x15: {  	s24 =	simm.s32 $0x3800;
	s0 =	smax.u32 s0, $0x1;
	[dreg:$0xd] =	wrdreg s30  }
0x16: {  	s25 =	simm.s32 $0xA800;
	s12 =	sadd.s32 s15, s12;
	[dreg:$0xe] =	wrdreg s0  }
0x17: {  	s4 =	simm.s32 $0x7800;
	s1 =	simm.s32 $0x0;
	[dreg:$0xa] =	wrdreg s12  }
.LBB2_1:
0x18: {  	[dreg:$0x10] =	wrdreg s1  }
0x19: {  	s0 =	rddreg [dreg:$0xb]  }
0x1a: {  	s31 =	rddreg [dreg:$0xc]  }
0x1b: {  	s3 =	rddreg [dreg:$0xf]  }
0x1c: {  	[spmem:s3], [sflag:s31] =	dma.local [hbm:s0], $0x1880  }
0x1d: {  	_ =	swait.ge [sflag:s18], $0x1880  }
0x1e: {  	[sflag:s18] =	ssyncset.done $0x0  }
0x1f: {  	s0 =	simm.s32 $0x0;
	[sflag:s18] =	ssyncadd.s32 $0xFFFFE780  }
.LBB2_2:
0x20: {  	s13 =	smul.u32 $0xE0, s0;
	_ =	sdelay $0x1  }
0x21: {  	s1 =	sadd.s32 s13, s12  }
0x22: {  	s3 =	sshll.u32 s1, $0x2  }
0x23: {  	s30 =	simm.s32 $0x0;
	s3 =	sadd.s32 s8, s3  }
0x24: {  	[tilespmem:s19], [sflag:$0x3] =	stream.linear.gather [hbm4b:s3+s30], $0x1C00, $0x38;
	[tilespmem:$0x1C200] =	vst v63  }
0x25: {  	_ =	swait.ge [sflag:s18], $0x1C00  }
0x26: {  	s1 =	sshll.u32 s1, $0x1;
	[sflag:s18] =	ssyncset.done $0x0  }
0x27: {  	s1 =	sadd.s32 s6, s1;
	[sflag:s18] =	ssyncadd.s32 $0xFFFFE400  }
0x28: {  	[tilespmem:s20], [sflag:$0x3] =	stream.linear.gather [hbm4b:s1+s30], $0xE00, $0x38;
	[tilespmem:$0x1C200] =	vst v63  }
0x29: {  	_ =	swait.ge [sflag:s18], $0xE00  }
0x2a: {  	[sflag:s18] =	ssyncset.done $0x0  }
0x2b: {  	s1 =	simm.s32 $0x0;
	[sflag:s18] =	ssyncadd.s32 $0xFFFFF200  }
0x2c: {  	s30 =	simm.s32 $0xD410;
	v0 =	vld [tilespmem:s1+$0xB800]  }
0x2d: {  	v1 =	vld [tilespmem:s30+$0xFFFFFFF0]  }
0x2e: {  	v2 =	vld [tilespmem:s1+$0xB810];
	_ =	sdelay $0x3  }
0x2f: {  	v0 =	vmul.f32 v0, v1  }
0x30: {  	v1 =	vmul.f32 v2, v1  }
0x31: {  	[tilespmem:s1+$0xE200] =	vst v0;
	v0 =	vld [tilespmem:s1+$0xB830]  }
0x32: {  	[tilespmem:s1+$0xE210] =	vst v1;
	v1 =	vld [tilespmem:s1+$0xB820]  }
0x33: {  	s3 =	simm.s32 $0x100;
	v2 =	vld [tilespmem:s30+$0x0]  }
.LBB2_3:
0x34: {  	_ =	sdelay $0x2  }
0x35: {  	p0 =	sne.s32 s3, $0x6F00  }
0x36: {  	s30 =	sadd.s32 $0x20, s30;
	s31 =	smov.u32 s3;
	s3 =	sadd.s32 $0x100, s3;
	v1 =	vmul.f32 v1, v2;
	v0 =	vmul.f32 v0, v2  }
0x37: {  	_ = 	snop  }
0x38: {  	s31 =	sshra.s32 s31, $0x2;
	[tilespmem:s1+$0xE220] =	vst v1  }
0x39: {  	v1 =	vld [tilespmem:s31+$0xB800];
	[tilespmem:s1+$0xE230] =	vst v0;
	s1 =	smov.u32 s31  }
0x3a: {  	v0 =	vld [tilespmem:s30+$0xFFFFFFF0]  }
0x3b: {  	v2 =	vld [tilespmem:s1+$0xB810];
	_ =	sdelay $0x3  }
.Ltmp0:
0x3c: {  	v1 =	vmul.f32 v1, v0;
	(pc) =	sbr.rel @p0 .LBB2_3-.Ltmp0, $4  }
0x3d: {  	v2 =	vmul.f32 v2, v0  }
0x3e: {  	[tilespmem:s1+$0xE200] =	vst v1;
	v0 =	vld [tilespmem:s1+$0xB830]  }
0x3f: {  	[tilespmem:s1+$0xE210] =	vst v2;
	v1 =	vld [tilespmem:s1+$0xB820]  }
0x40: {  	v2 =	vld [tilespmem:s30+$0x0]  }
0x41: {  	_ =	sdelay $0x3  }
0x42: {  	v1 =	vmul.f32 v1, v2  }
0x43: {  	s3 =	sadd.s32 s11, s13;
	s0 =	sadd.s32 $0x1, s0;
	v0 =	vmul.f32 v0, v2  }
0x44: {  	s3 =	sshll.u32 s3, $0x2;
	p0 =	sne.s32 s0, $0x7;
	[tilespmem:s1+$0xE220] =	vst v1  }
.Ltmp1:
0x45: {  	s31 =	sadd.s32 s10, s3;
	[tilespmem:s1+$0xE230] =	vst v0;
	(pc) =	sbr.rel @p0 .LBB2_2-.Ltmp1, $4  }
0x46: {  	[hbm4b:s31+s7] =	stream.linear.scatter [tilespmem:s21], [sflag:$0x3], $0x1C00, $0x38;
	[tilespmem:$0x1C200] =	vst v63  }
0x47: {  	_ =	swait.ge [sflag:s18], $0x1C00  }
0x48: {  	[sflag:s18] =	ssyncset.done $0x0  }
0x49: {  	[sflag:s18] =	ssyncadd.s32 $0xFFFFE400  }
.Ltmp2:
0x4a: {  	(pc) =	sbr.rel .LBB2_6-.Ltmp2, $3  }
0x4b: {  	_ =	sdelay $0x1  }
0x4c: {  	[bflag:$0x0] =	sbarrier.arrive $0xFFFF  }
0x4d: {  	s30 =	simm.s32 $0x0;
	s31 =	simm.s32 $0x0  }
.LBB2_9:
0x4e: {  	_ =	swait.ge [sflag:s16], $0x1000  }
0x4f: {  	[sflag:s16] =	ssyncset.done $0x0  }
0x50: {  	[sflag:s16] =	ssyncadd.s32 $0xFFFFF000  }
0x51: {  	[spmem:s2] =	stream.indirect.scatter.add.f32 [tilespmem:s25], [sflag:$0x2], $0x20, s1, s23, $0xb8;
	[tilespmem:$0x1C200] =	vst v63  }
0x52: {  	_ =	swait.ge [sflag:s28], $0x1000  }
0x53: {  	[sflag:s28] =	ssyncset.done $0x0  }
0x54: {  	s31 =	sadd.s32 $0x1, s31;
	[sflag:s28] =	ssyncadd.s32 $0xFFFFF000  }
0x55: {  	p0 =	sne.s32 s31, $0x7;
	_ =	swait.ge [sflag:s28], $0x1000  }
.Ltmp3:
0x56: {  	[sflag:s28] =	ssyncset.done $0x0;
	(pc) =	sbr.rel @!p0 .LBB2_10-.Ltmp3, $4  }
0x57: {  	[sflag:s28] =	ssyncadd.s32 $0xFFFFF000  }
0x58: {  	_ =	swait.ge [sflag:s28], $0x1000  }
0x59: {  	[sflag:s28] =	ssyncset.done $0x0  }
0x5a: {  	[sflag:s28] =	ssyncadd.s32 $0xFFFFF000  }
.LBB2_6:
0x5b: {  	s0 =	smul.u32 $0x38, s31  }
0x5c: {  	s1 =	rddreg [dreg:$0xd]  }
0x5d: {  	s0 =	sadd.s32 s1, s0  }
0x5e: {  	s7 =	rddreg [dreg:$0x6];
	s0 =	sshll.u32 s0, $0x4  }
0x5f: {  	s1 =	sadd.s32 s7, s0  }
0x60: {  	[tilespmem:s30], [sflag:$0x3] =	stream.linear.gather [hbm4b:s1+s30], $0x1C00, $0x38;
	[tilespmem:$0x1C200] =	vst v63  }
0x61: {  	_ =	swait.ge [sflag:s18], $0x1C00  }
0x62: {  	[sflag:s18] =	ssyncset.done $0x0;
	s8 =	rddreg [dreg:$0x7]  }
0x63: {  	[sflag:s18] =	ssyncadd.s32 $0xFFFFE400;
	s0 =	sadd.s32 s8, s0  }
0x64: {  	[tilespmem:s22], [sflag:$0x3] =	stream.linear.gather [hbm4b:s0+s30], $0x1C00, $0x38;
	[tilespmem:$0x1C200] =	vst v63  }
0x65: {  	_ =	swait.ge [sflag:s18], $0x1C00  }
0x66: {  	[sflag:s18] =	ssyncset.done $0x0  }
0x67: {  	[sflag:s18] =	ssyncadd.s32 $0xFFFFE400  }
0x68: {  	[tilespmem:s24], [sflag:$0x1] =	stream.indirect.gather [hbm4b:s10+s23], $0x20, s22, s23, $0xb8;
	[tilespmem:$0x1C200] =	vst v63  }
0x69: {  	s9 =	simm.s32 $0x1C80  }
0x6a: {  	[tilespmem:s26], [sflag:$0x1] =	stream.indirect.gather [hbm4b:s10+s23], $0x20, s9, s23, $0xb8;
	[tilespmem:$0x1C200] =	vst v63  }
0x6b: {  	s12 =	simm.s32 $0x1D00  }
0x6c: {  	[tilespmem:s29], [sflag:$0x1] =	stream.indirect.gather [hbm4b:s10+s23], $0x20, s12, s23, $0xb8;
	[tilespmem:$0x1C200] =	vst v63  }
0x6d: {  	s13 =	simm.s32 $0x1D80;
	s15 =	simm.s32 $0x6800  }
0x6e: {  	[tilespmem:s15], [sflag:$0x1] =	stream.indirect.gather [hbm4b:s10+s23], $0x20, s13, s23, $0xb8;
	[tilespmem:$0x1C200] =	vst v63  }
0x6f: {  	s19 =	simm.s32 $0x1E00  }
0x70: {  	[tilespmem:s4], [sflag:$0x1] =	stream.indirect.gather [hbm4b:s10+s23], $0x20, s19, s23, $0xb8;
	[tilespmem:$0x1C200] =	vst v63  }
0x71: {  	s20 =	simm.s32 $0x1E80;
	s0 =	simm.s32 $0x0  }
0x72: {  	[tilespmem:s14], [sflag:$0x1] =	stream.indirect.gather [hbm4b:s10+s23], $0x20, s20, s23, $0xb8;
	[tilespmem:$0x1C200] =	vst v63  }
.LBB2_7:
0x73: {  	_ =	swait.ge [sflag:s16], $0x1000  }
0x74: {  	p0 =	seq.s32 s0, $0x0;
	[sflag:s16] =	ssyncset.done $0x0  }
0x75: {  	s13 =	sshra.s32 s0, $0x2;
	s1 =	simm.s32 @!p0 $0x2;
	[sflag:s16] =	ssyncadd.s32 $0xFFFFF000  }
0x76: {  	[spmem:s2] =	stream.indirect.scatter.add.f32 [tilespmem:s24], [sflag:$0x2], $0x20, s13, s23, $0xb8;
	[tilespmem:$0x1C200] =	vst v63  }
0x77: {  	_ =	swait.ge @!p0 [sflag:s1], $0x1000  }
0x78: {  	[sflag:s1] =	ssyncset.done @!p0 $0x0  }
0x79: {  	s3 =	sadd.s32 $0x1F00, s13;
	[sflag:s1] =	ssyncadd.s32 @!p0 $0xFFFFF000  }
0x7a: {  	[tilespmem:s17], [sflag:$0x1] =	stream.indirect.gather [hbm4b:s10+s23], $0x20, s3, s23, $0xb8;
	[tilespmem:$0x1C200] =	vst v63  }
0x7b: {  	_ =	swait.ge [sflag:s16], $0x1000  }
0x7c: {  	[sflag:s16] =	ssyncset.done $0x0  }
0x7d: {  	s12 =	sadd.s32 $0x80, s13;
	[sflag:s16] =	ssyncadd.s32 $0xFFFFF000  }
0x7e: {  	[spmem:s2] =	stream.indirect.scatter.add.f32 [tilespmem:s26], [sflag:$0x2], $0x20, s12, s23, $0xb8;
	[tilespmem:$0x1C200] =	vst v63  }
0x7f: {  	_ =	swait.ge @!p0 [sflag:s1], $0x1000  }
0x80: {  	[sflag:s1] =	ssyncset.done @!p0 $0x0  }
0x81: {  	s15 =	sadd.s32 $0x1F80, s13;
	[sflag:s1] =	ssyncadd.s32 @!p0 $0xFFFFF000  }
0x82: {  	[tilespmem:s25], [sflag:$0x1] =	stream.indirect.gather [hbm4b:s10+s23], $0x20, s15, s23, $0xb8;
	[tilespmem:$0x1C200] =	vst v63  }
0x83: {  	_ =	swait.ge [sflag:s16], $0x1000  }
0x84: {  	[sflag:s16] =	ssyncset.done $0x0  }
0x85: {  	s19 =	sadd.s32 $0x100, s13;
	[sflag:s16] =	ssyncadd.s32 $0xFFFFF000  }
0x86: {  	[spmem:s2] =	stream.indirect.scatter.add.f32 [tilespmem:s29], [sflag:$0x2], $0x20, s19, s23, $0xb8;
	[tilespmem:$0x1C200] =	vst v63  }
0x87: {  	_ =	swait.ge [sflag:s28], $0x1000  }
0x88: {  	p0 =	seq.s32 s0, $0x6000;
	[sflag:s28] =	ssyncset.done $0x0  }
0x89: {  	s1 =	simm.s32 @p0 $0x1;
	[sflag:s28] =	ssyncadd.s32 $0xFFFFF000  }
0x8a: {  	_ =	swait.ge @p0 [sflag:s1], $0x1000  }
0x8b: {  	s3 =	sshra.s32 @p0 s0, $0x2;
	s6 =	simm.s32 @p0 $0x80;
	[sflag:s1] =	ssyncset.done @p0 $0x0  }
0x8c: {  	s7 =	simm.s32 @p0 $0x6800;
	s5 =	sadd.s32 @p0 $0x180, s3;
	[sflag:s1] =	ssyncadd.s32 @p0 $0xFFFFF000  }
0x8d: {  	[spmem:s2] =	stream.indirect.scatter.add.f32 @p0 [tilespmem:s7], [sflag:$0x2], $0x20, s5, s6, $0xb8;
	[tilespmem:$0x1C200] =	vst v63  }
0x8e: {  	s5 =	simm.s32 @p0 $0x2  }
0x8f: {  	_ =	swait.ge @p0 [sflag:s5], $0x1000  }
0x90: {  	s9 =	simm.s32 @!p0 $0x80;
	s7 =	sshra.s32 @!p0 s0, $0x2;
	[sflag:s5] =	ssyncset.done @p0 $0x0  }
0x91: {  	s12 =	simm.s32 @!p0 $0x3800;
	s8 =	sadd.s32 @!p0 $0x2000, s7;
	[sflag:s5] =	ssyncadd.s32 @p0 $0xFFFFF000  }
0x92: {  	[tilespmem:s12], [sflag:$0x1] =	stream.indirect.gather @!p0 [hbm4b:s10+s9], $0x20, s8, s9, $0xb8;
	[tilespmem:$0x1C200] =	vst v63  }
0x93: {  	s8 =	simm.s32 @!p0 $0x1  }
0x94: {  	_ =	swait.ge @!p0 [sflag:s8], $0x1000  }
0x95: {  	[sflag:s8] =	ssyncset.done @!p0 $0x0  }
0x96: {  	s15 =	simm.s32 @!p0 $0x6800;
	s12 =	sadd.s32 @!p0 $0x180, s7;
	[sflag:s8] =	ssyncadd.s32 @!p0 $0xFFFFF000  }
0x97: {  	[spmem:s2] =	stream.indirect.scatter.add.f32 @!p0 [tilespmem:s15], [sflag:$0x2], $0x20, s12, s9, $0xb8;
	[tilespmem:$0x1C200] =	vst v63  }
0x98: {  	s12 =	simm.s32 @!p0 $0x2  }
0x99: {  	_ =	swait.ge @!p0 [sflag:s12], $0x1000  }
0x9a: {  	[sflag:s12] =	ssyncset.done @!p0 $0x0  }
0x9b: {  	s20 =	simm.s32 @!p0 $0x4800;
	s19 =	sadd.s32 @!p0 $0x2080, s7;
	[sflag:s12] =	ssyncadd.s32 @!p0 $0xFFFFF000  }
0x9c: {  	[tilespmem:s20], [sflag:$0x1] =	stream.indirect.gather @!p0 [hbm4b:s10+s9], $0x20, s19, s9, $0xb8;
	[tilespmem:$0x1C200] =	vst v63  }
0x9d: {  	_ =	swait.ge [sflag:s16], $0x1000  }
0x9e: {  	[sflag:s16] =	ssyncset.done $0x0  }
0x9f: {  	s20 =	sadd.s32 $0x200, s13;
	[sflag:s16] =	ssyncadd.s32 $0xFFFFF000  }
0xa0: {  	[spmem:s2] =	stream.indirect.scatter.add.f32 [tilespmem:s4], [sflag:$0x2], $0x20, s20, s23, $0xb8;
	[tilespmem:$0x1C200] =	vst v63  }
0xa1: {  	_ =	swait.ge [sflag:s28], $0x1000  }
0xa2: {  	[sflag:s28] =	ssyncset.done $0x0  }
0xa3: {  	[sflag:s28] =	ssyncadd.s32 $0xFFFFF000  }
0xa4: {  	_ =	swait.ge @p0 [sflag:s1], $0x1000  }
0xa5: {  	[sflag:s1] =	ssyncset.done @p0 $0x0  }
0xa6: {  	[sflag:s1] =	ssyncadd.s32 @p0 $0xFFFFF000;
	s1 =	sadd.s32 @p0 $0x280, s3;
	s3 =	simm.s32 @p0 $0x8800  }
0xa7: {  	[spmem:s2] =	stream.indirect.scatter.add.f32 @p0 [tilespmem:s3], [sflag:$0x2], $0x20, s1, s6, $0xb8;
	[tilespmem:$0x1C200] =	vst v63  }
0xa8: {  	_ =	swait.ge @p0 [sflag:s5], $0x1000  }
0xa9: {  	[sflag:s5] =	ssyncset.done @p0 $0x0  }
0xaa: {  	s1 =	sadd.s32 @!p0 $0x2100, s7;
	s3 =	simm.s32 @!p0 $0x5800;
	[sflag:s5] =	ssyncadd.s32 @p0 $0xFFFFF000  }
0xab: {  	[tilespmem:s3], [sflag:$0x1] =	stream.indirect.gather @!p0 [hbm4b:s10+s9], $0x20, s1, s9, $0xb8;
	[tilespmem:$0x1C200] =	vst v63  }
0xac: {  	_ =	swait.ge @!p0 [sflag:s8], $0x1000  }
0xad: {  	[sflag:s8] =	ssyncset.done @!p0 $0x0  }
0xae: {  	s1 =	sadd.s32 @!p0 $0x280, s7;
	s3 =	simm.s32 @!p0 $0x8800;
	[sflag:s8] =	ssyncadd.s32 @!p0 $0xFFFFF000  }
0xaf: {  	[spmem:s2] =	stream.indirect.scatter.add.f32 @!p0 [tilespmem:s3], [sflag:$0x2], $0x20, s1, s9, $0xb8;
	[tilespmem:$0x1C200] =	vst v63  }
0xb0: {  	_ =	swait.ge @!p0 [sflag:s12], $0x1000  }
0xb1: {  	[sflag:s12] =	ssyncset.done @!p0 $0x0  }
0xb2: {  	s1 =	sadd.s32 @!p0 $0x2180, s7;
	[sflag:s12] =	ssyncadd.s32 @!p0 $0xFFFFF000  }
0xb3: {  	[tilespmem:s15], [sflag:$0x1] =	stream.indirect.gather @!p0 [hbm4b:s10+s9], $0x20, s1, s9, $0xb8;
	[tilespmem:$0x1C200] =	vst v63  }
0xb4: {  	_ =	swait.ge [sflag:s16], $0x1000  }
0xb5: {  	[sflag:s16] =	ssyncset.done $0x0  }
.Ltmp4:
0xb6: {  	s20 =	sadd.s32 $0x300, s13;
	[sflag:s16] =	ssyncadd.s32 $0xFFFFF000;
	(pc) =	sbr.rel @p0 .LBB2_9-.Ltmp4, $4  }
0xb7: {  	[spmem:s2] =	stream.indirect.scatter.add.f32 [tilespmem:s17], [sflag:$0x2], $0x20, s20, s23, $0xb8;
	[tilespmem:$0x1C200] =	vst v63  }
0xb8: {  	_ =	swait.ge [sflag:s28], $0x1000  }
0xb9: {  	[sflag:s28] =	ssyncset.done $0x0  }
0xba: {  	s1 =	sadd.s32 $0x380, s13;
	[sflag:s28] =	ssyncadd.s32 $0xFFFFF000  }
0xbb: {  	s3 =	sadd.s32 $0x2200, s13  }
0xbc: {  	[tilespmem:s4], [sflag:$0x1] =	stream.indirect.gather [hbm4b:s10+s23], $0x20, s3, s23, $0xb8;
	[tilespmem:$0x1C200] =	vst v63  }
0xbd: {  	_ =	swait.ge [sflag:s16], $0x1000  }
0xbe: {  	[sflag:s16] =	ssyncset.done $0x0  }
0xbf: {  	[sflag:s16] =	ssyncadd.s32 $0xFFFFF000  }
0xc0: {  	[spmem:s2] =	stream.indirect.scatter.add.f32 [tilespmem:s25], [sflag:$0x2], $0x20, s1, s23, $0xb8;
	[tilespmem:$0x1C200] =	vst v63  }
.Ltmp5:
0xc1: {  	_ = 	snop;
	(pc) =	sbr.rel .LBB2_7-.Ltmp5, $4  }
0xc2: {  	_ =	swait.ge [sflag:s28], $0x1000  }
0xc3: {  	[sflag:s28] =	ssyncset.done $0x0  }
0xc4: {  	s20 =	sadd.s32 $0x2280, s13;
	s0 =	sadd.s32 $0x1000, s0;
	[sflag:s28] =	ssyncadd.s32 $0xFFFFF000  }
0xc5: {  	[tilespmem:s14], [sflag:$0x1] =	stream.indirect.gather [hbm4b:s10+s23], $0x20, s20, s23, $0xb8;
	[tilespmem:$0x1C200] =	vst v63  }
.LBB2_10:
0xc6: {  	[bflag:$0x0] =	sbarrier.arrive $0xFFFF  }
0xc7: {  	s6 =	rddreg [dreg:$0x0]  }
0xc8: {  	s8 =	rddreg [dreg:$0x5]  }
0xc9: {  	s0 =	simm.s32 $0x0;
	s9 =	rddreg [dreg:$0x8]  }
0xca: {  	s13 =	simm.s32 $0x0;
	s7 =	simm.s32 $0x0;
	s15 =	rddreg [dreg:$0x9]  }
0xcb: {  	s19 =	simm.s32 $0xB800;
	s20 =	simm.s32 $0xD400;
	s12 =	rddreg [dreg:$0xa]  }
.LBB2_11:
0xcc: {  	s1 =	smul.u32 $0xE0, s13;
	_ =	sdelay $0x1  }
0xcd: {  	s3 =	sadd.s32 s15, s1  }
0xce: {  	s3 =	sshll.u32 s3, $0x5  }
0xcf: {  	s3 =	sand.u32 $0x3FFFFFE0, s3  }
0xd0: {  	s3 =	sadd.s32 s3, s2  }
0xd1: {  	[tilespmem:s19], [sflag:$0x3] =	stream.linear.gather [spmem:s3], $0x1C00, $0x38;
	[tilespmem:$0x1C200] =	vst v63  }
0xd2: {  	s30 =	sadd.s32 s11, s1;
	_ =	swait.ge [sflag:s18], $0x1C00  }
0xd3: {  	s1 =	sshll.u32 s30, $0x1;
	[sflag:s18] =	ssyncset.done $0x0  }
0xd4: {  	s1 =	sadd.s32 s6, s1;
	[sflag:s18] =	ssyncadd.s32 $0xFFFFE400  }
0xd5: {  	[tilespmem:s20], [sflag:$0x3] =	stream.linear.gather [hbm4b:s1+s0], $0xE00, $0x38;
	[tilespmem:$0x1C200] =	vst v63  }
0xd6: {  	_ =	swait.ge [sflag:s18], $0xE00  }
0xd7: {  	[sflag:s18] =	ssyncset.done $0x0  }
0xd8: {  	s31 =	simm.s32 $0xD410;
	[sflag:s18] =	ssyncadd.s32 $0xFFFFF200  }
0xd9: {  	v0 =	vld [tilespmem:s31+$0xFFFFFFF0]  }
0xda: {  	s1 =	simm.s32 $0x0  }
0xdb: {  	v1 =	vld [tilespmem:s1+$0xB800]  }
0xdc: {  	v2 =	vld [tilespmem:s1+$0xB810];
	_ =	sdelay $0x1  }
0xdd: {  	v0 =	vmul.f32 $5.000000000e-01, v0;
	_ =	sdelay $0x1  }
0xde: {  	v1 =	vmul.f32 v0, v1  }
0xdf: {  	v0 =	vmul.f32 v2, v0  }
0xe0: {  	[tilespmem:s1+$0xE200] =	vst v1  }
0xe1: {  	[tilespmem:s1+$0xE210] =	vst v0  }
0xe2: {  	v0 =	vld [tilespmem:s31+$0x0]  }
0xe3: {  	v2 =	vld [tilespmem:s1+$0xB830]  }
0xe4: {  	v1 =	vld [tilespmem:s1+$0xB820];
	_ =	sdelay $0x2  }
0xe5: {  	v0 =	vmul.f32 $5.000000000e-01, v0;
	_ =	sdelay $0x1  }
0xe6: {  	s3 =	simm.s32 $0x100;
	v1 =	vmul.f32 v0, v1;
	v0 =	vmul.f32 v2, v0  }
.LBB2_12:
0xe7: {  	p0 =	sne.s32 s3, $0x6F00  }
0xe8: {  	s31 =	sadd.s32 $0x20, s31;
	s5 =	smov.u32 s3;
	s3 =	sadd.s32 $0x100, s3  }
0xe9: {  	[tilespmem:s1+$0xE220] =	vst v1  }
0xea: {  	[tilespmem:s1+$0xE230] =	vst v0  }
0xeb: {  	v0 =	vld [tilespmem:s31+$0xFFFFFFF0]  }
0xec: {  	s1 =	sshra.s32 s5, $0x2  }
0xed: {  	v1 =	vld [tilespmem:s1+$0xB800]  }
0xee: {  	v2 =	vld [tilespmem:s1+$0xB810];
	_ =	sdelay $0x1  }
0xef: {  	v0 =	vmul.f32 $5.000000000e-01, v0;
	_ =	sdelay $0x1  }
0xf0: {  	v1 =	vmul.f32 v0, v1  }
0xf1: {  	v0 =	vmul.f32 v2, v0  }
0xf2: {  	[tilespmem:s1+$0xE200] =	vst v1  }
0xf3: {  	[tilespmem:s1+$0xE210] =	vst v0  }
0xf4: {  	v0 =	vld [tilespmem:s31+$0x0]  }
0xf5: {  	v2 =	vld [tilespmem:s1+$0xB830]  }
0xf6: {  	v1 =	vld [tilespmem:s1+$0xB820]  }
.Ltmp6:
0xf7: {  	(pc) =	sbr.rel @p0 .LBB2_12-.Ltmp6, $3  }
0xf8: {  	_ = 	snop  }
0xf9: {  	v0 =	vmul.f32 $5.000000000e-01, v0;
	_ =	sdelay $0x1  }
0xfa: {  	v1 =	vmul.f32 v0, v1;
	v0 =	vmul.f32 v2, v0  }
0xfb: {  	s13 =	sadd.s32 $0x1, s13  }
0xfc: {  	s3 =	sshll.u32 s30, $0x2;
	[tilespmem:s1+$0xE220] =	vst v1;
	p0 =	sne.s32 s13, $0x7  }
.Ltmp7:
0xfd: {  	[tilespmem:s1+$0xE230] =	vst v0;
	s31 =	sadd.s32 s9, s3;
	(pc) =	sbr.rel @p0 .LBB2_11-.Ltmp7, $4  }
0xfe: {  	[hbm4b:s31+s7] =	stream.linear.scatter [tilespmem:s21], [sflag:$0x3], $0x1C00, $0x38;
	[tilespmem:$0x1C200] =	vst v63  }
0xff: {  	_ =	swait.ge [sflag:s18], $0x1C00  }
0x100: {  	[sflag:s18] =	ssyncset.done $0x0  }
0x101: {  	[sflag:s18] =	ssyncadd.s32 $0xFFFFE400  }
0x102: {  	s1 =	rddreg [dreg:$0x10]  }
0x103: {  	s0 =	rddreg [dreg:$0xe];
	s1 =	sadd.s32 $0x1, s1  }
0x104: {  	p0 =	sne.s32 s1, s0  }
.Ltmp8:
0x105: {  	_ = 	snop;
	(pc) =	sbr.rel @p0 .LBB2_1-.Ltmp8, $1  }
0x106: {  	_ =	sdelay $0x3  }
0x107: {  	_ =	sfence.sel $0x180000  }
0x108: {  	[bflag:$0x0] =	sbarrier.arrive $0xFFFF  }
0x109: {  	_ =	strace $0x9000004A  }
0x10a: {  	s0 =	stileid.u32;
	[bflag:$0x2] =	sbarrier.arrive $0xFFFF  }
0x10b: {  	p0 =	sne.s32 s0, $0x0;
	s0 =	rddreg [dreg:$0x4]  }
0x10c: {  	s0 =	sadd.s32 @!p0 $0x100000, s0  }
0x10d: {  	[sflag:s0] =	ssyncadd.tile.s32 @!p0 $0x1;
	_ =	shalt  }
.Lfunc_end2:
_tile_overlayer_lowered:
.L_overlay_start_2:
0x10e: {  	(tag) =	ssettag $0x2  }
0x10f: {  	s0 =	rddreg [dreg:$0x0];
	s2 =	stileid.u32  }
0x110: {  	s1 =	rddreg [dreg:$0x1];
	p0 =	sne.s32 s2, $0x0  }
0x111: {  	s3 =	rddreg [dreg:$0x2];
	[bflag:$0x3] =	sbarrier.arrive $0xFFFF;
	s2 =	simm.s32 @!p0 $0x1C03  }
0x112: {  	[timem:s3], [sflag:s2] =	dma.local @!p0 [hbm:s0], s1  }
0x113: {  	s0 =	simm.s32 @!p0 $0x3  }
0x114: {  	_ =	swait.ge @!p0 [sflag:s0], s1  }
0x115: {  	s1 =	ssub.s32 @!p0 $0x0, s1;
	[sflag:s0] =	ssyncset.done @!p0 $0x0  }
0x116: {  	[sflag:s0] =	ssyncadd.s32 @!p0 s1  }
0x117: {  	[bflag:$0x3] =	sbarrier.arrive $0xFFFF  }
0x118: {  	_ =	shalt  }

// kernel: kernel.13.cloned.1.call-start
scs
__scs_entry_jumppad:
0x0: {  	(pc) =	sbr.rel $0x88, $3  }
0x1: {  	(tag) =	ssettag $0x0;
	lr =	simm.s32 $0x1  }
0x2: {  	[smem:$0x3F9E] =	sst lr;
	_ =	strace $0xD0000000  }
0x3: {  	_ = 	snop  }
0x4: {  	_ = 	snop  }
0x5: {  	_ = 	snop  }
0x6: {  	_ = 	snop  }
0x7: {  	_ = 	snop  }
__scs_overlays_trampoline_lowered:
0x8: {  	[smem:$0x3FAD] =	sst s0  }
0x9: {  	[smem:$0x3FAE] =	sst s1  }
0xa: {  	[smem:$0x3FAF] =	sst s2  }
0xb: {  	[smem:$0x3FB0] =	sst s3  }
0xc: {  	[smem:$0x3FB1] =	sst s4  }
0xd: {  	[smem:$0x3FB2] =	sst s5  }
0xe: {  	[smem:$0x3FB3] =	sst s6  }
0xf: {  	[smem:$0x3FB4] =	sst s7  }
0x10: {  	[smem:$0x3FB5] =	sst s8  }
0x11: {  	[smem:$0x3FB6] =	sst s9;
	s0 =	simm.s32 @!p0 $0x0  }
0x12: {  	s1 =	sld [smem:$0x3F9C];
	s0 =	simm.s32 @p0 $0x1  }
0x13: {  	[smem:$0x3FB7] =	sst s0;
	s0 =	simm.s32 @!p1 $0x0  }
0x14: {  	s2 =	sld [smem:$0x3F9B];
	s0 =	simm.s32 @p1 $0x1  }
0x15: {  	[smem:$0x3FB8] =	sst s0;
	s0 =	simm.s32 @!p2 $0x0  }
0x16: {  	s3 =	sld [smem:$0x3FDB];
	s0 =	simm.s32 @p2 $0x1  }
0x17: {  	s4 =	simm.s32 $0x1BF5;
	[smem:$0x3FBA] =	sst s0  }
0x18: {  	s0 =	sld [smem:$0x3F9D];
	_ =	swait.ge [sflag:s4], $0x0  }
0x19: {  	s7 =	sld [smem:$0x3F9E]  }
0x1a: {  	s8 =	sadd.s32 $0xFFFFE003, lr  }
0x1b: {  	s9 =	sadd.s32 $0xFFFFFEF7, lr;
	s5 =	simm.s32 $0xFFFFFFFF;
	p2 =	slt.u32 s8, $0xFFFFF086  }
0x1c: {  	p1 =	slt.u32 s9, $0xF7A;
	s5 =	simm.s32 @!p2 $0x0  }
0x1d: {  	s5 =	simm.s32 @p1 $0x1;
	p0 =	seq.s32 s7, s2  }
0x1e: {  	s7 =	smul.u32 @!p0 $0xF7A, s2;
	p2 =	seq.s32 @!p0 s5, $0x0  }
0x1f: {  	s9 =	smul.u32 $0xF7A, s1;
	s8 =	simm.s32 @!p0 $0x1BF5;
	p2 =	por !p2, p0  }
0x20: {  	[sflag:s8] =	ssyncset.s32 @!p0 $0xFFFFF086;
	s6 =	sadd.s32 @!p0 s3, s7;
	s7 =	simm.s32 @!p0 $0x108  }
0x21: {  	s3 =	sadd.s32 s3, s9;
	s6 =	sadd.s32 @!p0 $0x88, s6;
	s7 =	simm.s32 @p2 $0x1082  }
0x22: {  	[simem:s7], [sflag:s8] =	dma.local @!p0 [hbm:s6], $0xF7A  }
0x23: {  	s9 =	sor.u32 $0xD0000000, s2;
	s6 =	simm.s32 $0x108;
	_ =	swait.ge @!p0 [sflag:s8], $0x0  }
0x24: {  	s3 =	sadd.s32 $0x88, s3;
	s6 =	simm.s32 @!p1 $0x1082;
	[sflag:s4] =	ssyncset.s32 $0xFFFFF086  }
0x25: {  	[simem:s6], [sflag:s4] =	dma.local [hbm:s3], $0xF7A  }
0x26: {  	[smem:$0x3F9E] =	sst s1;
	(tag) =	ssettag s2;
	_ =	strace s9  }
0x27: {  	s1 =	sld [smem:$0x3FAE]  }
0x28: {  	s2 =	sld [smem:$0x3FAF]  }
0x29: {  	s4 =	sld [smem:$0x3FB1]  }
0x2a: {  	p0 =	seq.s32 s5, $0x0;
	s5 =	sld [smem:$0x3FB2]  }
0x2b: {  	s6 =	sld [smem:$0x3FB3]  }
0x2c: {  	s7 =	sld [smem:$0x3FB4]  }
0x2d: {  	s3 =	simm.s32 $0x108;
	s8 =	sld [smem:$0x3FB5]  }
0x2e: {  	s3 =	simm.s32 @!p0 $0x1082;
	s9 =	sld [smem:$0x3FB6]  }
0x2f: {  	lr =	sadd.s32 s0, s3;
	s0 =	sld [smem:$0x3FAD]  }
0x30: {  	s3 =	sld [smem:$0x3FB0]  }
0x31: {  	[smem:$0x3FB9] =	sst s10  }
0x32: {  	s10 =	sld [smem:$0x3FB7];
	_ =	sdelay $0x3  }
0x33: {  	p0 =	seq.s32 s10, $0x1;
	s10 =	sld [smem:$0x3FB9];
	_ =	sdelay $0x3  }
0x34: {  	[smem:$0x3FB9] =	sst s10  }
0x35: {  	s10 =	sld [smem:$0x3FB8];
	_ =	sdelay $0x3  }
0x36: {  	p1 =	seq.s32 s10, $0x1;
	s10 =	sld [smem:$0x3FB9];
	_ =	sdelay $0x3  }
0x37: {  	[smem:$0x3FB9] =	sst s10  }
0x38: {  	s10 =	sld [smem:$0x3FBA]  }
0x39: {  	_ = 	snop;
	(pc) =	sbr.ind lr, $3  }
0x3a: {  	_ = 	snop  }
0x3b: {  	_ = 	snop  }
0x3c: {  	p2 =	seq.s32 s10, $0x1;
	s10 =	sld [smem:$0x3FB9]  }
0x3d: {  	_ =	shalt  }
0x3e: {  	_ =	shalt  }
0x3f: {  	_ =	shalt  }
0x40: {  	_ =	shalt  }
0x41: {  	_ =	shalt  }
0x42: {  	_ =	shalt  }
0x43: {  	_ =	shalt  }
0x44: {  	_ =	shalt  }
0x45: {  	_ =	shalt  }
0x46: {  	_ =	shalt  }
0x47: {  	_ =	shalt  }
0x48: {  	_ =	shalt  }
0x49: {  	_ =	shalt  }
0x4a: {  	_ =	shalt  }
0x4b: {  	_ =	shalt  }
0x4c: {  	_ =	shalt  }
0x4d: {  	_ =	shalt  }
0x4e: {  	_ =	shalt  }
0x4f: {  	_ =	shalt  }
0x50: {  	_ =	shalt  }
0x51: {  	_ =	shalt  }
0x52: {  	_ =	shalt  }
0x53: {  	_ =	shalt  }
0x54: {  	_ =	shalt  }
0x55: {  	_ =	shalt  }
0x56: {  	_ =	shalt  }
0x57: {  	_ =	shalt  }
0x58: {  	_ =	shalt  }
0x59: {  	_ =	shalt  }
0x5a: {  	_ =	shalt  }
0x5b: {  	_ =	shalt  }
0x5c: {  	_ =	shalt  }
0x5d: {  	_ =	shalt  }
0x5e: {  	_ =	shalt  }
0x5f: {  	_ =	shalt  }
0x60: {  	_ =	shalt  }
0x61: {  	_ =	shalt  }
0x62: {  	_ =	shalt  }
0x63: {  	_ =	shalt  }
0x64: {  	_ =	shalt  }
0x65: {  	_ =	shalt  }
0x66: {  	_ =	shalt  }
0x67: {  	_ =	shalt  }
0x68: {  	_ =	shalt  }
0x69: {  	_ =	shalt  }
0x6a: {  	_ =	shalt  }
0x6b: {  	_ =	shalt  }
0x6c: {  	_ =	shalt  }
0x6d: {  	_ =	shalt  }
0x6e: {  	_ =	shalt  }
0x6f: {  	_ =	shalt  }
0x70: {  	_ =	shalt  }
0x71: {  	_ =	shalt  }
0x72: {  	_ =	shalt  }
0x73: {  	_ =	shalt  }
0x74: {  	_ =	shalt  }
0x75: {  	_ =	shalt  }
0x76: {  	_ =	shalt  }
0x77: {  	_ =	shalt  }
0x78: {  	_ =	shalt  }
0x79: {  	_ =	shalt  }
0x7a: {  	_ =	shalt  }
0x7b: {  	_ =	shalt  }
0x7c: {  	_ =	shalt  }
0x7d: {  	_ =	shalt  }
0x7e: {  	_ =	shalt  }
0x7f: {  	_ =	shalt  }
0x80: {  	_ =	shalt  }
0x81: {  	_ =	shalt  }
0x82: {  	_ =	shalt  }
0x83: {  	_ =	shalt  }
0x84: {  	_ =	shalt  }
0x85: {  	_ =	shalt  }
0x86: {  	_ =	shalt  }
0x87: {  	_ =	shalt  }
.Lfunc_end0:
.L_simem_size_0:
called_computation.2_lowered:
.L_overlay_start_0:
0x88: {  	s2 =	sld [smem:$0x3FD9]  }
0x89: {  	s3 =	sld [smem:$0x3FFE];
	_ =	sdelay $0x1  }
0x8a: {  	s1 =	srdreg.scid  }
0x8b: {  	s0 =	sand.u32 $0x1, s1  }
0x8c: {  	s14 =	sshll.u32 s0, $0xA;
	s2 =	sadd.s32 s3, s2  }
0x8d: {  	s2 =	sadd.s32 s2, s14  }
0x8e: {  	[smem:$0x3FC5] =	sst s2  }
0x8f: {  	_ = 	snop  }
0x90: {  	s2 =	sld [smem:$0x3FD0];
	_ =	sdelay $0x2  }
0x91: {  	s15 =	simm.s32 $0xA;
	s4 =	simm.s32 $0x10  }
0x92: {  	[smem:s4], [sflag:s15] =	dma.local [hbm:s2], $0x1  }
0x93: {  	_ =	swait.eq [sflag:s15], $0x1  }
0x94: {  	[sflag:s15] =	ssyncset.done $0x0  }
0x95: {  	s16 =	sld [smem:$0x10];
	[sflag:s15] =	ssyncadd.s32 $0xFFFFFFFF  }
0x96: {  	s17 =	sld [smem:$0x11];
	(tm) =	ssettm $0x1  }
0x97: {  	s18 =	sld [smem:$0x3FFB];
	_ =	sdelay $0x3  }
0x98: {  	_ =	strace s18  }
0x99: {  	s4 =	sld [smem:$0x3FFC];
	_ =	sdelay $0x3  }
0x9a: {  	_ =	strace s4  }
0x9b: {  	s4 =	sld [smem:$0x3FFD];
	_ =	sdelay $0x3  }
0x9c: {  	_ =	strace s4  }
0x9d: {  	_ =	strace $0x8FFFFFFF  }
0x9e: {  	s19 =	sld [smem:$0x3FDB];
	_ =	sdelay $0x1  }
0x9f: {  	s5 =	simm.s32 $_scs_section_size  }
0xa0: {  	s6 =	simm.s32 $_size__tile_overlayer_lowered;
	s7 =	simm.s32 $_tile_overlayer_lowered  }
0xa1: {  	s22 =	simm.s32 $0x1BFF;
	s21 =	sshll.u32 s7, $0x1;
	s4 =	sadd.s32 s5, s19  }
0xa2: {  	s8 =	simm.s32 $0x0;
	s20 =	sshll.u32 s6, $0x1;
	s6 =	sadd.s32 s21, s4  }
0xa3: {  	[timem:s8], [sflag:s22] =	dma.local [hbm:s6], s20  }
0xa4: {  	_ =	swait.ge [sflag:s22], s20  }
0xa5: {  	s5 =	ssub.s32 $0x0, s20;
	[sflag:s22] =	ssyncset.done $0x0  }
0xa6: {  	[sflag:s22] =	ssyncadd.s32 s5;
	_ =	sdelay $0x1  }
0xa7: {  	s23 =	simm.s32 $0x1B8B  }
0xa8: {  	_ =	swait.ge [sflag:s23], $0x1  }
0xa9: {  	[sflag:s23] =	ssyncset.done $0x0  }
0xaa: {  	s25 =	simm.s32 $0x1B8E;
	s24 =	sld [smem:$0x3FFE];
	[sflag:s23] =	ssyncadd.s32 $0xFFFFFFFF  }
0xab: {  	s26 =	simm.s32 $execute0_lowered;
	[smem:$0x3FD2] =	sst s25  }
0xac: {  	s6 =	sshll.u32 s26, $0x1;
	_ =	strace $0x8000004C;
	[dreg:$0x1] =	wrdreg $0xFFFFFFFF  }
0xad: {  	s28 =	simm.s32 $_size_execute0_lowered;
	s4 =	sadd.s32 s4, s6;
	[dreg:$0x0] =	wrdreg $0x0  }
0xae: {  	s6 =	sshll.u32 s28, $0x1;
	[dreg:$0x2] =	wrdreg s4  }
0xaf: {  	[dreg:$0x3] =	wrdreg s6  }
0xb0: {  	[dreg:$0x4] =	wrdreg $0xC0  }
0xb1: {  	_ =	task [dreg:s8], $0x5FFFF  }
0xb2: {  	[dreg:$0x1] =	wrdreg $0xFFFFFFFF  }
0xb3: {  	[dreg:$0x0] =	wrdreg $0x60  }
0xb4: {  	[dreg:$0x2] =	wrdreg s16  }
0xb5: {  	[dreg:$0x3] =	wrdreg s24  }
0xb6: {  	[dreg:$0x4] =	wrdreg s17  }
0xb7: {  	[dreg:$0x5] =	wrdreg $0xFE000  }
0xb8: {  	[dreg:$0x6] =	wrdreg $0x9  }
0xb9: {  	_ =	task.clear_ibuf [dreg:s8], $0x7FFFF;
	_ =	strace $0x9000004C  }
0xba: {  	s29 =	simm.s32 $0x9;
	_ =	strace $0x8000004E  }
0xbb: {  	_ =	swait.ge [sflag:s29], $0x1  }
0xbc: {  	[sflag:s29] =	ssyncadd.s32 $0xFFFFFFFF  }
0xbd: {  	_ =	strace $0x9000004E  }
0xbe: {  	_ =	sfence  }
0xbf: {  	s30 =	sld [smem:$0x0];
	_ =	sdelay $0x2  }
0xc0: {  	s31 =	sshll.u32 s1, $0xD;
	s1 =	sshrl.u32 s1, $0x2  }
0xc1: {  	s3 =	sand.u32 $0x4000, s31;
	s1 =	sadd.s32 s1, s30  }
0xc2: {  	s0 =	sor.u32 s3, s0;
	s1 =	sshll.u32 s1, $0x11  }
0xc3: {  	s0 =	sor.u32 s1, s0  }
0xc4: {  	s0 =	sadd.s32 $0x8F2B, s0  }
0xc5: {  	[sflag:s0] =	ssyncadd.remote.s32 $0x1  }
0xc6: {  	_ =	sfence.sel $0xFFFF  }
0xc7: {  	[dreg:$0x0] =	wrdreg $0xFFFFFFFF;
	(pc) =	sbr.abs _section_cstart, $3  }
0xc8: {  	[dreg:$0x1] =	wrdreg $0xFFFFFFFF  }
0xc9: {  	_ =	task.clear_ibuf [dreg:s8], $0x2FFFF;
	_ =	strace $0x9FFFFFFF  }
0xca: {  	(tm) =	ssettm $0x7FFFFFFF  }
0xcb: {  	_ =	shalt  }
tec
execute0_lowered:
.L_overlay_start_1:
0x0: {  	(tag) =	ssettag $0x1  }
0x1: {  	s6 =	rddreg [dreg:$0x0]  }
0x2: {  	s0 =	rddreg [dreg:$0x1]  }
0x3: {  	s1 =	rddreg [dreg:$0x2]  }
0x4: {  	s2 =	rddreg [dreg:$0x3];
	s7 =	simm.s32 $0x0  }
0x5: {  	s23 =	srdreg.scid;
	s5 =	stileid.u32;
	s18 =	simm.s32 $0x3  }
0x6: {  	s19 =	simm.s32 $0xB800;
	s20 =	simm.s32 $0xD400;
	s21 =	simm.s32 $0xE200  }
0x7: {  	s29 =	simm.s32 $0x5800;
	s16 =	simm.s32 $0x1;
	s17 =	simm.s32 $0x9800  }
0x8: {  	s28 =	simm.s32 $0x2;
	[smem:$0x7FF] =	sst s7;
	s8 =	sadd.s32 $0xC5A00, s0  }
0x9: {  	s3 =	sadd.s32 $0x32800, s0;
	s22 =	sadd.s32 $0x1800, s0;
	s15 =	smul.u32 $0x620, s5  }
0xa: {  	s9 =	sadd.s32 $0x94800, s0;
	s10 =	sadd.s32 $0x63800, s0;
	s25 =	smul.u32 $0xC400, s5  }
0xb: {  	s14 =	sshll.u32 s5, $0x6;
	_ =	strace $0x8000004D;
	[dreg:$0x6] =	wrdreg s3  }
0xc: {  	[dreg:$0x7] =	wrdreg s22;
	s3 =	sand.u32 $0x1, s23;
	s26 =	sor.u32 $0x1C03, s14  }
0xd: {  	s22 =	simm.s32 $0x1C00;
	s23 =	simm.s32 $0x80;
	[dreg:$0x5] =	wrdreg s8  }
0xe: {  	s14 =	simm.s32 $0x8800;
	[dreg:$0x8] =	wrdreg s9;
	s4 =	ssub.s32 $0x2, s3  }
0xf: {  	s11 =	smul.u32 $0x6200, s3;
	s12 =	sxor.u32 $0x1, s3;
	s3 =	sshll.u32 s3, $0x4  }
0x10: {  	s13 =	sadd.s32 s25, s2;
	[dreg:$0xc] =	wrdreg s26;
	s26 =	simm.s32 $0x4800  }
0x11: {  	[dreg:$0x9] =	wrdreg s15;
	s24 =	sshrl.u32 s4, $0x1;
	s3 =	sor.u32 s5, s3  }
0x12: {  	s31 =	sshrl.u32 s13, $0x3;
	s0 =	ssub.s32 s4, s24;
	s4 =	sshrl.u32 s25, $0x3  }
0x13: {  	s30 =	smul.u32 $0x188, s3;
	[dreg:$0xf] =	wrdreg s31;
	s1 =	sadd.s32 s1, s4  }
0x14: {  	s12 =	smul.u32 $0x6200, s12;
	s11 =	sadd.s32 s15, s11;
	[dreg:$0xb] =	wrdreg s1  }
0x15: {  	s24 =	simm.s32 $0x3800;
	s0 =	smax.u32 s0, $0x1;
	[dreg:$0xd] =	wrdreg s30  }
0x16: {  	s25 =	simm.s32 $0xA800;
	s12 =	sadd.s32 s15, s12;
	[dreg:$0xe] =	wrdreg s0  }
0x17: {  	s4 =	simm.s32 $0x7800;
	s1 =	simm.s32 $0x0;
	[dreg:$0xa] =	wrdreg s12  }
.LBB2_1:
0x18: {  	[dreg:$0x10] =	wrdreg s1  }
0x19: {  	s0 =	rddreg [dreg:$0xb]  }
0x1a: {  	s31 =	rddreg [dreg:$0xc]  }
0x1b: {  	s3 =	rddreg [dreg:$0xf]  }
0x1c: {  	[spmem:s3], [sflag:s31] =	dma.local [hbm:s0], $0x1880  }
0x1d: {  	_ =	swait.ge [sflag:s18], $0x1880  }
0x1e: {  	[sflag:s18] =	ssyncset.done $0x0  }
0x1f: {  	s0 =	simm.s32 $0x0;
	[sflag:s18] =	ssyncadd.s32 $0xFFFFE780  }
.LBB2_2:
0x20: {  	s13 =	smul.u32 $0xE0, s0;
	_ =	sdelay $0x1  }
0x21: {  	s1 =	sadd.s32 s13, s12  }
0x22: {  	s3 =	sshll.u32 s1, $0x2  }
0x23: {  	s30 =	simm.s32 $0x0;
	s3 =	sadd.s32 s8, s3  }
0x24: {  	[tilespmem:s19], [sflag:$0x3] =	stream.linear.gather [hbm4b:s3+s30], $0x1C00, $0x38;
	[tilespmem:$0x1C200] =	vst v63  }
0x25: {  	_ =	swait.ge [sflag:s18], $0x1C00  }
0x26: {  	s1 =	sshll.u32 s1, $0x1;
	[sflag:s18] =	ssyncset.done $0x0  }
0x27: {  	s1 =	sadd.s32 s6, s1;
	[sflag:s18] =	ssyncadd.s32 $0xFFFFE400  }
0x28: {  	[tilespmem:s20], [sflag:$0x3] =	stream.linear.gather [hbm4b:s1+s30], $0xE00, $0x38;
	[tilespmem:$0x1C200] =	vst v63  }
0x29: {  	_ =	swait.ge [sflag:s18], $0xE00  }
0x2a: {  	[sflag:s18] =	ssyncset.done $0x0  }
0x2b: {  	s1 =	simm.s32 $0x0;
	[sflag:s18] =	ssyncadd.s32 $0xFFFFF200  }
0x2c: {  	s30 =	simm.s32 $0xD410;
	v0 =	vld [tilespmem:s1+$0xB800]  }
0x2d: {  	v1 =	vld [tilespmem:s30+$0xFFFFFFF0]  }
0x2e: {  	v2 =	vld [tilespmem:s1+$0xB810];
	_ =	sdelay $0x3  }
0x2f: {  	v0 =	vmul.f32 v0, v1  }
0x30: {  	v1 =	vmul.f32 v2, v1  }
0x31: {  	[tilespmem:s1+$0xE200] =	vst v0;
	v0 =	vld [tilespmem:s1+$0xB830]  }
0x32: {  	[tilespmem:s1+$0xE210] =	vst v1;
	v1 =	vld [tilespmem:s1+$0xB820]  }
0x33: {  	s3 =	simm.s32 $0x100;
	v2 =	vld [tilespmem:s30+$0x0]  }
.LBB2_3:
0x34: {  	_ =	sdelay $0x2  }
0x35: {  	p0 =	sne.s32 s3, $0x6F00  }
0x36: {  	s30 =	sadd.s32 $0x20, s30;
	s31 =	smov.u32 s3;
	s3 =	sadd.s32 $0x100, s3;
	v1 =	vmul.f32 v1, v2;
	v0 =	vmul.f32 v0, v2  }
0x37: {  	_ = 	snop  }
0x38: {  	s31 =	sshra.s32 s31, $0x2;
	[tilespmem:s1+$0xE220] =	vst v1  }
0x39: {  	v1 =	vld [tilespmem:s31+$0xB800];
	[tilespmem:s1+$0xE230] =	vst v0;
	s1 =	smov.u32 s31  }
0x3a: {  	v0 =	vld [tilespmem:s30+$0xFFFFFFF0]  }
0x3b: {  	v2 =	vld [tilespmem:s1+$0xB810];
	_ =	sdelay $0x3  }
.Ltmp0:
0x3c: {  	v1 =	vmul.f32 v1, v0;
	(pc) =	sbr.rel @p0 .LBB2_3-.Ltmp0, $4  }
0x3d: {  	v2 =	vmul.f32 v2, v0  }
0x3e: {  	[tilespmem:s1+$0xE200] =	vst v1;
	v0 =	vld [tilespmem:s1+$0xB830]  }
0x3f: {  	[tilespmem:s1+$0xE210] =	vst v2;
	v1 =	vld [tilespmem:s1+$0xB820]  }
0x40: {  	v2 =	vld [tilespmem:s30+$0x0]  }
0x41: {  	_ =	sdelay $0x3  }
0x42: {  	v1 =	vmul.f32 v1, v2  }
0x43: {  	s3 =	sadd.s32 s11, s13;
	s0 =	sadd.s32 $0x1, s0;
	v0 =	vmul.f32 v0, v2  }
0x44: {  	s3 =	sshll.u32 s3, $0x2;
	p0 =	sne.s32 s0, $0x7;
	[tilespmem:s1+$0xE220] =	vst v1  }
.Ltmp1:
0x45: {  	s31 =	sadd.s32 s10, s3;
	[tilespmem:s1+$0xE230] =	vst v0;
	(pc) =	sbr.rel @p0 .LBB2_2-.Ltmp1, $4  }
0x46: {  	[hbm4b:s31+s7] =	stream.linear.scatter [tilespmem:s21], [sflag:$0x3], $0x1C00, $0x38;
	[tilespmem:$0x1C200] =	vst v63  }
0x47: {  	_ =	swait.ge [sflag:s18], $0x1C00  }
0x48: {  	[sflag:s18] =	ssyncset.done $0x0  }
0x49: {  	[sflag:s18] =	ssyncadd.s32 $0xFFFFE400  }
.Ltmp2:
0x4a: {  	(pc) =	sbr.rel .LBB2_6-.Ltmp2, $3  }
0x4b: {  	_ =	sdelay $0x1  }
0x4c: {  	[bflag:$0x0] =	sbarrier.arrive $0xFFFF  }
0x4d: {  	s30 =	simm.s32 $0x0;
	s31 =	simm.s32 $0x0  }
.LBB2_9:
0x4e: {  	_ =	swait.ge [sflag:s16], $0x1000  }
0x4f: {  	[sflag:s16] =	ssyncset.done $0x0  }
0x50: {  	[sflag:s16] =	ssyncadd.s32 $0xFFFFF000  }
0x51: {  	[spmem:s2] =	stream.indirect.scatter.add.f32 [tilespmem:s25], [sflag:$0x2], $0x20, s1, s23, $0xb8;
	[tilespmem:$0x1C200] =	vst v63  }
0x52: {  	_ =	swait.ge [sflag:s28], $0x1000  }
0x53: {  	[sflag:s28] =	ssyncset.done $0x0  }
0x54: {  	s31 =	sadd.s32 $0x1, s31;
	[sflag:s28] =	ssyncadd.s32 $0xFFFFF000  }
0x55: {  	p0 =	sne.s32 s31, $0x7;
	_ =	swait.ge [sflag:s28], $0x1000  }
.Ltmp3:
0x56: {  	[sflag:s28] =	ssyncset.done $0x0;
	(pc) =	sbr.rel @!p0 .LBB2_10-.Ltmp3, $4  }
0x57: {  	[sflag:s28] =	ssyncadd.s32 $0xFFFFF000  }
0x58: {  	_ =	swait.ge [sflag:s28], $0x1000  }
0x59: {  	[sflag:s28] =	ssyncset.done $0x0  }
0x5a: {  	[sflag:s28] =	ssyncadd.s32 $0xFFFFF000  }
.LBB2_6:
0x5b: {  	s0 =	smul.u32 $0x38, s31  }
0x5c: {  	s1 =	rddreg [dreg:$0xd]  }
0x5d: {  	s0 =	sadd.s32 s1, s0  }
0x5e: {  	s7 =	rddreg [dreg:$0x6];
	s0 =	sshll.u32 s0, $0x4  }
0x5f: {  	s1 =	sadd.s32 s7, s0  }
0x60: {  	[tilespmem:s30], [sflag:$0x3] =	stream.linear.gather [hbm4b:s1+s30], $0x1C00, $0x38;
	[tilespmem:$0x1C200] =	vst v63  }
0x61: {  	_ =	swait.ge [sflag:s18], $0x1C00  }
0x62: {  	[sflag:s18] =	ssyncset.done $0x0;
	s8 =	rddreg [dreg:$0x7]  }
0x63: {  	[sflag:s18] =	ssyncadd.s32 $0xFFFFE400;
	s0 =	sadd.s32 s8, s0  }
0x64: {  	[tilespmem:s22], [sflag:$0x3] =	stream.linear.gather [hbm4b:s0+s30], $0x1C00, $0x38;
	[tilespmem:$0x1C200] =	vst v63  }
0x65: {  	_ =	swait.ge [sflag:s18], $0x1C00  }
0x66: {  	[sflag:s18] =	ssyncset.done $0x0  }
0x67: {  	[sflag:s18] =	ssyncadd.s32 $0xFFFFE400  }
0x68: {  	[tilespmem:s24], [sflag:$0x1] =	stream.indirect.gather [hbm4b:s10+s23], $0x20, s22, s23, $0xb8;
	[tilespmem:$0x1C200] =	vst v63  }
0x69: {  	s9 =	simm.s32 $0x1C80  }
0x6a: {  	[tilespmem:s26], [sflag:$0x1] =	stream.indirect.gather [hbm4b:s10+s23], $0x20, s9, s23, $0xb8;
	[tilespmem:$0x1C200] =	vst v63  }
0x6b: {  	s12 =	simm.s32 $0x1D00  }
0x6c: {  	[tilespmem:s29], [sflag:$0x1] =	stream.indirect.gather [hbm4b:s10+s23], $0x20, s12, s23, $0xb8;
	[tilespmem:$0x1C200] =	vst v63  }
0x6d: {  	s13 =	simm.s32 $0x1D80;
	s15 =	simm.s32 $0x6800  }
0x6e: {  	[tilespmem:s15], [sflag:$0x1] =	stream.indirect.gather [hbm4b:s10+s23], $0x20, s13, s23, $0xb8;
	[tilespmem:$0x1C200] =	vst v63  }
0x6f: {  	s19 =	simm.s32 $0x1E00  }
0x70: {  	[tilespmem:s4], [sflag:$0x1] =	stream.indirect.gather [hbm4b:s10+s23], $0x20, s19, s23, $0xb8;
	[tilespmem:$0x1C200] =	vst v63  }
0x71: {  	s20 =	simm.s32 $0x1E80;
	s0 =	simm.s32 $0x0  }
0x72: {  	[tilespmem:s14], [sflag:$0x1] =	stream.indirect.gather [hbm4b:s10+s23], $0x20, s20, s23, $0xb8;
	[tilespmem:$0x1C200] =	vst v63  }
.LBB2_7:
0x73: {  	_ =	swait.ge [sflag:s16], $0x1000  }
0x74: {  	p0 =	seq.s32 s0, $0x0;
	[sflag:s16] =	ssyncset.done $0x0  }
0x75: {  	s13 =	sshra.s32 s0, $0x2;
	s1 =	simm.s32 @!p0 $0x2;
	[sflag:s16] =	ssyncadd.s32 $0xFFFFF000  }
0x76: {  	[spmem:s2] =	stream.indirect.scatter.add.f32 [tilespmem:s24], [sflag:$0x2], $0x20, s13, s23, $0xb8;
	[tilespmem:$0x1C200] =	vst v63  }
0x77: {  	_ =	swait.ge @!p0 [sflag:s1], $0x1000  }
0x78: {  	[sflag:s1] =	ssyncset.done @!p0 $0x0  }
0x79: {  	s3 =	sadd.s32 $0x1F00, s13;
	[sflag:s1] =	ssyncadd.s32 @!p0 $0xFFFFF000  }
0x7a: {  	[tilespmem:s17], [sflag:$0x1] =	stream.indirect.gather [hbm4b:s10+s23], $0x20, s3, s23, $0xb8;
	[tilespmem:$0x1C200] =	vst v63  }
0x7b: {  	_ =	swait.ge [sflag:s16], $0x1000  }
0x7c: {  	[sflag:s16] =	ssyncset.done $0x0  }
0x7d: {  	s12 =	sadd.s32 $0x80, s13;
	[sflag:s16] =	ssyncadd.s32 $0xFFFFF000  }
0x7e: {  	[spmem:s2] =	stream.indirect.scatter.add.f32 [tilespmem:s26], [sflag:$0x2], $0x20, s12, s23, $0xb8;
	[tilespmem:$0x1C200] =	vst v63  }
0x7f: {  	_ =	swait.ge @!p0 [sflag:s1], $0x1000  }
0x80: {  	[sflag:s1] =	ssyncset.done @!p0 $0x0  }
0x81: {  	s15 =	sadd.s32 $0x1F80, s13;
	[sflag:s1] =	ssyncadd.s32 @!p0 $0xFFFFF000  }
0x82: {  	[tilespmem:s25], [sflag:$0x1] =	stream.indirect.gather [hbm4b:s10+s23], $0x20, s15, s23, $0xb8;
	[tilespmem:$0x1C200] =	vst v63  }
0x83: {  	_ =	swait.ge [sflag:s16], $0x1000  }
0x84: {  	[sflag:s16] =	ssyncset.done $0x0  }
0x85: {  	s19 =	sadd.s32 $0x100, s13;
	[sflag:s16] =	ssyncadd.s32 $0xFFFFF000  }
0x86: {  	[spmem:s2] =	stream.indirect.scatter.add.f32 [tilespmem:s29], [sflag:$0x2], $0x20, s19, s23, $0xb8;
	[tilespmem:$0x1C200] =	vst v63  }
0x87: {  	_ =	swait.ge [sflag:s28], $0x1000  }
0x88: {  	p0 =	seq.s32 s0, $0x6000;
	[sflag:s28] =	ssyncset.done $0x0  }
0x89: {  	s1 =	simm.s32 @p0 $0x1;
	[sflag:s28] =	ssyncadd.s32 $0xFFFFF000  }
0x8a: {  	_ =	swait.ge @p0 [sflag:s1], $0x1000  }
0x8b: {  	s3 =	sshra.s32 @p0 s0, $0x2;
	s6 =	simm.s32 @p0 $0x80;
	[sflag:s1] =	ssyncset.done @p0 $0x0  }
0x8c: {  	s7 =	simm.s32 @p0 $0x6800;
	s5 =	sadd.s32 @p0 $0x180, s3;
	[sflag:s1] =	ssyncadd.s32 @p0 $0xFFFFF000  }
0x8d: {  	[spmem:s2] =	stream.indirect.scatter.add.f32 @p0 [tilespmem:s7], [sflag:$0x2], $0x20, s5, s6, $0xb8;
	[tilespmem:$0x1C200] =	vst v63  }
0x8e: {  	s5 =	simm.s32 @p0 $0x2  }
0x8f: {  	_ =	swait.ge @p0 [sflag:s5], $0x1000  }
0x90: {  	s9 =	simm.s32 @!p0 $0x80;
	s7 =	sshra.s32 @!p0 s0, $0x2;
	[sflag:s5] =	ssyncset.done @p0 $0x0  }
0x91: {  	s12 =	simm.s32 @!p0 $0x3800;
	s8 =	sadd.s32 @!p0 $0x2000, s7;
	[sflag:s5] =	ssyncadd.s32 @p0 $0xFFFFF000  }
0x92: {  	[tilespmem:s12], [sflag:$0x1] =	stream.indirect.gather @!p0 [hbm4b:s10+s9], $0x20, s8, s9, $0xb8;
	[tilespmem:$0x1C200] =	vst v63  }
0x93: {  	s8 =	simm.s32 @!p0 $0x1  }
0x94: {  	_ =	swait.ge @!p0 [sflag:s8], $0x1000  }
0x95: {  	[sflag:s8] =	ssyncset.done @!p0 $0x0  }
0x96: {  	s15 =	simm.s32 @!p0 $0x6800;
	s12 =	sadd.s32 @!p0 $0x180, s7;
	[sflag:s8] =	ssyncadd.s32 @!p0 $0xFFFFF000  }
0x97: {  	[spmem:s2] =	stream.indirect.scatter.add.f32 @!p0 [tilespmem:s15], [sflag:$0x2], $0x20, s12, s9, $0xb8;
	[tilespmem:$0x1C200] =	vst v63  }
0x98: {  	s12 =	simm.s32 @!p0 $0x2  }
0x99: {  	_ =	swait.ge @!p0 [sflag:s12], $0x1000  }
0x9a: {  	[sflag:s12] =	ssyncset.done @!p0 $0x0  }
0x9b: {  	s20 =	simm.s32 @!p0 $0x4800;
	s19 =	sadd.s32 @!p0 $0x2080, s7;
	[sflag:s12] =	ssyncadd.s32 @!p0 $0xFFFFF000  }
0x9c: {  	[tilespmem:s20], [sflag:$0x1] =	stream.indirect.gather @!p0 [hbm4b:s10+s9], $0x20, s19, s9, $0xb8;
	[tilespmem:$0x1C200] =	vst v63  }
0x9d: {  	_ =	swait.ge [sflag:s16], $0x1000  }
0x9e: {  	[sflag:s16] =	ssyncset.done $0x0  }
0x9f: {  	s20 =	sadd.s32 $0x200, s13;
	[sflag:s16] =	ssyncadd.s32 $0xFFFFF000  }
0xa0: {  	[spmem:s2] =	stream.indirect.scatter.add.f32 [tilespmem:s4], [sflag:$0x2], $0x20, s20, s23, $0xb8;
	[tilespmem:$0x1C200] =	vst v63  }
0xa1: {  	_ =	swait.ge [sflag:s28], $0x1000  }
0xa2: {  	[sflag:s28] =	ssyncset.done $0x0  }
0xa3: {  	[sflag:s28] =	ssyncadd.s32 $0xFFFFF000  }
0xa4: {  	_ =	swait.ge @p0 [sflag:s1], $0x1000  }
0xa5: {  	[sflag:s1] =	ssyncset.done @p0 $0x0  }
0xa6: {  	[sflag:s1] =	ssyncadd.s32 @p0 $0xFFFFF000;
	s1 =	sadd.s32 @p0 $0x280, s3;
	s3 =	simm.s32 @p0 $0x8800  }
0xa7: {  	[spmem:s2] =	stream.indirect.scatter.add.f32 @p0 [tilespmem:s3], [sflag:$0x2], $0x20, s1, s6, $0xb8;
	[tilespmem:$0x1C200] =	vst v63  }
0xa8: {  	_ =	swait.ge @p0 [sflag:s5], $0x1000  }
0xa9: {  	[sflag:s5] =	ssyncset.done @p0 $0x0  }
0xaa: {  	s1 =	sadd.s32 @!p0 $0x2100, s7;
	s3 =	simm.s32 @!p0 $0x5800;
	[sflag:s5] =	ssyncadd.s32 @p0 $0xFFFFF000  }
0xab: {  	[tilespmem:s3], [sflag:$0x1] =	stream.indirect.gather @!p0 [hbm4b:s10+s9], $0x20, s1, s9, $0xb8;
	[tilespmem:$0x1C200] =	vst v63  }
0xac: {  	_ =	swait.ge @!p0 [sflag:s8], $0x1000  }
0xad: {  	[sflag:s8] =	ssyncset.done @!p0 $0x0  }
0xae: {  	s1 =	sadd.s32 @!p0 $0x280, s7;
	s3 =	simm.s32 @!p0 $0x8800;
	[sflag:s8] =	ssyncadd.s32 @!p0 $0xFFFFF000  }
0xaf: {  	[spmem:s2] =	stream.indirect.scatter.add.f32 @!p0 [tilespmem:s3], [sflag:$0x2], $0x20, s1, s9, $0xb8;
	[tilespmem:$0x1C200] =	vst v63  }
0xb0: {  	_ =	swait.ge @!p0 [sflag:s12], $0x1000  }
0xb1: {  	[sflag:s12] =	ssyncset.done @!p0 $0x0  }
0xb2: {  	s1 =	sadd.s32 @!p0 $0x2180, s7;
	[sflag:s12] =	ssyncadd.s32 @!p0 $0xFFFFF000  }
0xb3: {  	[tilespmem:s15], [sflag:$0x1] =	stream.indirect.gather @!p0 [hbm4b:s10+s9], $0x20, s1, s9, $0xb8;
	[tilespmem:$0x1C200] =	vst v63  }
0xb4: {  	_ =	swait.ge [sflag:s16], $0x1000  }
0xb5: {  	[sflag:s16] =	ssyncset.done $0x0  }
.Ltmp4:
0xb6: {  	s20 =	sadd.s32 $0x300, s13;
	[sflag:s16] =	ssyncadd.s32 $0xFFFFF000;
	(pc) =	sbr.rel @p0 .LBB2_9-.Ltmp4, $4  }
0xb7: {  	[spmem:s2] =	stream.indirect.scatter.add.f32 [tilespmem:s17], [sflag:$0x2], $0x20, s20, s23, $0xb8;
	[tilespmem:$0x1C200] =	vst v63  }
0xb8: {  	_ =	swait.ge [sflag:s28], $0x1000  }
0xb9: {  	[sflag:s28] =	ssyncset.done $0x0  }
0xba: {  	s1 =	sadd.s32 $0x380, s13;
	[sflag:s28] =	ssyncadd.s32 $0xFFFFF000  }
0xbb: {  	s3 =	sadd.s32 $0x2200, s13  }
0xbc: {  	[tilespmem:s4], [sflag:$0x1] =	stream.indirect.gather [hbm4b:s10+s23], $0x20, s3, s23, $0xb8;
	[tilespmem:$0x1C200] =	vst v63  }
0xbd: {  	_ =	swait.ge [sflag:s16], $0x1000  }
0xbe: {  	[sflag:s16] =	ssyncset.done $0x0  }
0xbf: {  	[sflag:s16] =	ssyncadd.s32 $0xFFFFF000  }
0xc0: {  	[spmem:s2] =	stream.indirect.scatter.add.f32 [tilespmem:s25], [sflag:$0x2], $0x20, s1, s23, $0xb8;
	[tilespmem:$0x1C200] =	vst v63  }
.Ltmp5:
0xc1: {  	_ = 	snop;
	(pc) =	sbr.rel .LBB2_7-.Ltmp5, $4  }
0xc2: {  	_ =	swait.ge [sflag:s28], $0x1000  }
0xc3: {  	[sflag:s28] =	ssyncset.done $0x0  }
0xc4: {  	s20 =	sadd.s32 $0x2280, s13;
	s0 =	sadd.s32 $0x1000, s0;
	[sflag:s28] =	ssyncadd.s32 $0xFFFFF000  }
0xc5: {  	[tilespmem:s14], [sflag:$0x1] =	stream.indirect.gather [hbm4b:s10+s23], $0x20, s20, s23, $0xb8;
	[tilespmem:$0x1C200] =	vst v63  }
.LBB2_10:
0xc6: {  	[bflag:$0x0] =	sbarrier.arrive $0xFFFF  }
0xc7: {  	s6 =	rddreg [dreg:$0x0]  }
0xc8: {  	s8 =	rddreg [dreg:$0x5]  }
0xc9: {  	s0 =	simm.s32 $0x0;
	s9 =	rddreg [dreg:$0x8]  }
0xca: {  	s13 =	simm.s32 $0x0;
	s7 =	simm.s32 $0x0;
	s15 =	rddreg [dreg:$0x9]  }
0xcb: {  	s19 =	simm.s32 $0xB800;
	s20 =	simm.s32 $0xD400;
	s12 =	rddreg [dreg:$0xa]  }
.LBB2_11:
0xcc: {  	s1 =	smul.u32 $0xE0, s13;
	_ =	sdelay $0x1  }
0xcd: {  	s3 =	sadd.s32 s15, s1  }
0xce: {  	s3 =	sshll.u32 s3, $0x5  }
0xcf: {  	s3 =	sand.u32 $0x3FFFFFE0, s3  }
0xd0: {  	s3 =	sadd.s32 s3, s2  }
0xd1: {  	[tilespmem:s19], [sflag:$0x3] =	stream.linear.gather [spmem:s3], $0x1C00, $0x38;
	[tilespmem:$0x1C200] =	vst v63  }
0xd2: {  	s30 =	sadd.s32 s11, s1;
	_ =	swait.ge [sflag:s18], $0x1C00  }
0xd3: {  	s1 =	sshll.u32 s30, $0x1;
	[sflag:s18] =	ssyncset.done $0x0  }
0xd4: {  	s1 =	sadd.s32 s6, s1;
	[sflag:s18] =	ssyncadd.s32 $0xFFFFE400  }
0xd5: {  	[tilespmem:s20], [sflag:$0x3] =	stream.linear.gather [hbm4b:s1+s0], $0xE00, $0x38;
	[tilespmem:$0x1C200] =	vst v63  }
0xd6: {  	_ =	swait.ge [sflag:s18], $0xE00  }
0xd7: {  	[sflag:s18] =	ssyncset.done $0x0  }
0xd8: {  	s31 =	simm.s32 $0xD410;
	[sflag:s18] =	ssyncadd.s32 $0xFFFFF200  }
0xd9: {  	v0 =	vld [tilespmem:s31+$0xFFFFFFF0]  }
0xda: {  	s1 =	simm.s32 $0x0  }
0xdb: {  	v1 =	vld [tilespmem:s1+$0xB800]  }
0xdc: {  	v2 =	vld [tilespmem:s1+$0xB810];
	_ =	sdelay $0x1  }
0xdd: {  	v0 =	vmul.f32 $3.333333430e-01, v0;
	_ =	sdelay $0x1  }
0xde: {  	v1 =	vmul.f32 v0, v1  }
0xdf: {  	v0 =	vmul.f32 v2, v0  }
0xe0: {  	[tilespmem:s1+$0xE200] =	vst v1  }
0xe1: {  	[tilespmem:s1+$0xE210] =	vst v0  }
0xe2: {  	v0 =	vld [tilespmem:s31+$0x0]  }
0xe3: {  	v2 =	vld [tilespmem:s1+$0xB830]  }
0xe4: {  	v1 =	vld [tilespmem:s1+$0xB820];
	_ =	sdelay $0x2  }
0xe5: {  	v0 =	vmul.f32 $3.333333430e-01, v0;
	_ =	sdelay $0x1  }
0xe6: {  	s3 =	simm.s32 $0x100;
	v1 =	vmul.f32 v0, v1;
	v0 =	vmul.f32 v2, v0  }
.LBB2_12:
0xe7: {  	p0 =	sne.s32 s3, $0x6F00  }
0xe8: {  	s31 =	sadd.s32 $0x20, s31;
	s5 =	smov.u32 s3;
	s3 =	sadd.s32 $0x100, s3  }
0xe9: {  	[tilespmem:s1+$0xE220] =	vst v1  }
0xea: {  	[tilespmem:s1+$0xE230] =	vst v0  }
0xeb: {  	v0 =	vld [tilespmem:s31+$0xFFFFFFF0]  }
0xec: {  	s1 =	sshra.s32 s5, $0x2  }
0xed: {  	v1 =	vld [tilespmem:s1+$0xB800]  }
0xee: {  	v2 =	vld [tilespmem:s1+$0xB810];
	_ =	sdelay $0x1  }
0xef: {  	v0 =	vmul.f32 $3.333333430e-01, v0;
	_ =	sdelay $0x1  }
0xf0: {  	v1 =	vmul.f32 v0, v1  }
0xf1: {  	v0 =	vmul.f32 v2, v0  }
0xf2: {  	[tilespmem:s1+$0xE200] =	vst v1  }
0xf3: {  	[tilespmem:s1+$0xE210] =	vst v0  }
0xf4: {  	v0 =	vld [tilespmem:s31+$0x0]  }
0xf5: {  	v2 =	vld [tilespmem:s1+$0xB830]  }
0xf6: {  	v1 =	vld [tilespmem:s1+$0xB820]  }
.Ltmp6:
0xf7: {  	(pc) =	sbr.rel @p0 .LBB2_12-.Ltmp6, $3  }
0xf8: {  	_ = 	snop  }
0xf9: {  	v0 =	vmul.f32 $3.333333430e-01, v0;
	_ =	sdelay $0x1  }
0xfa: {  	v1 =	vmul.f32 v0, v1;
	v0 =	vmul.f32 v2, v0  }
0xfb: {  	s13 =	sadd.s32 $0x1, s13  }
0xfc: {  	s3 =	sshll.u32 s30, $0x2;
	[tilespmem:s1+$0xE220] =	vst v1;
	p0 =	sne.s32 s13, $0x7  }
.Ltmp7:
0xfd: {  	[tilespmem:s1+$0xE230] =	vst v0;
	s31 =	sadd.s32 s9, s3;
	(pc) =	sbr.rel @p0 .LBB2_11-.Ltmp7, $4  }
0xfe: {  	[hbm4b:s31+s7] =	stream.linear.scatter [tilespmem:s21], [sflag:$0x3], $0x1C00, $0x38;
	[tilespmem:$0x1C200] =	vst v63  }
0xff: {  	_ =	swait.ge [sflag:s18], $0x1C00  }
0x100: {  	[sflag:s18] =	ssyncset.done $0x0  }
0x101: {  	[sflag:s18] =	ssyncadd.s32 $0xFFFFE400  }
0x102: {  	s1 =	rddreg [dreg:$0x10]  }
0x103: {  	s0 =	rddreg [dreg:$0xe];
	s1 =	sadd.s32 $0x1, s1  }
0x104: {  	p0 =	sne.s32 s1, s0  }
.Ltmp8:
0x105: {  	_ = 	snop;
	(pc) =	sbr.rel @p0 .LBB2_1-.Ltmp8, $1  }
0x106: {  	_ =	sdelay $0x3  }
0x107: {  	_ =	sfence.sel $0x180000  }
0x108: {  	[bflag:$0x0] =	sbarrier.arrive $0xFFFF  }
0x109: {  	_ =	strace $0x9000004D  }
0x10a: {  	s0 =	stileid.u32;
	[bflag:$0x2] =	sbarrier.arrive $0xFFFF  }
0x10b: {  	p0 =	sne.s32 s0, $0x0;
	s0 =	rddreg [dreg:$0x4]  }
0x10c: {  	s0 =	sadd.s32 @!p0 $0x100000, s0  }
0x10d: {  	[sflag:s0] =	ssyncadd.tile.s32 @!p0 $0x1;
	_ =	shalt  }
.Lfunc_end2:
_tile_overlayer_lowered:
.L_overlay_start_2:
0x10e: {  	(tag) =	ssettag $0x2  }
0x10f: {  	s0 =	rddreg [dreg:$0x0];
	s2 =	stileid.u32  }
0x110: {  	s1 =	rddreg [dreg:$0x1];
	p0 =	sne.s32 s2, $0x0  }
0x111: {  	s3 =	rddreg [dreg:$0x2];
	[bflag:$0x3] =	sbarrier.arrive $0xFFFF;
	s2 =	simm.s32 @!p0 $0x1C03  }
0x112: {  	[timem:s3], [sflag:s2] =	dma.local @!p0 [hbm:s0], s1  }
0x113: {  	s0 =	simm.s32 @!p0 $0x3  }
0x114: {  	_ =	swait.ge @!p0 [sflag:s0], s1  }
0x115: {  	s1 =	ssub.s32 @!p0 $0x0, s1;
	[sflag:s0] =	ssyncset.done @!p0 $0x0  }
0x116: {  	[sflag:s0] =	ssyncadd.s32 @!p0 s1  }
0x117: {  	[bflag:$0x3] =	sbarrier.arrive $0xFFFF  }
0x118: {  	_ =	shalt  }

// kernel: kernel.7.cloned.1.call-start
scs
__scs_entry_jumppad:
0x0: {  	(pc) =	sbr.rel $0x88, $3  }
0x1: {  	(tag) =	ssettag $0x0;
	lr =	simm.s32 $0x1  }
0x2: {  	[smem:$0x3F9E] =	sst lr;
	_ =	strace $0xD0000000  }
0x3: {  	_ = 	snop  }
0x4: {  	_ = 	snop  }
0x5: {  	_ = 	snop  }
0x6: {  	_ = 	snop  }
0x7: {  	_ = 	snop  }
__scs_overlays_trampoline_lowered:
0x8: {  	[smem:$0x3FAD] =	sst s0  }
0x9: {  	[smem:$0x3FAE] =	sst s1  }
0xa: {  	[smem:$0x3FAF] =	sst s2  }
0xb: {  	[smem:$0x3FB0] =	sst s3  }
0xc: {  	[smem:$0x3FB1] =	sst s4  }
0xd: {  	[smem:$0x3FB2] =	sst s5  }
0xe: {  	[smem:$0x3FB3] =	sst s6  }
0xf: {  	[smem:$0x3FB4] =	sst s7  }
0x10: {  	[smem:$0x3FB5] =	sst s8  }
0x11: {  	[smem:$0x3FB6] =	sst s9;
	s0 =	simm.s32 @!p0 $0x0  }
0x12: {  	s1 =	sld [smem:$0x3F9C];
	s0 =	simm.s32 @p0 $0x1  }
0x13: {  	[smem:$0x3FB7] =	sst s0;
	s0 =	simm.s32 @!p1 $0x0  }
0x14: {  	s2 =	sld [smem:$0x3F9B];
	s0 =	simm.s32 @p1 $0x1  }
0x15: {  	[smem:$0x3FB8] =	sst s0;
	s0 =	simm.s32 @!p2 $0x0  }
0x16: {  	s3 =	sld [smem:$0x3FDB];
	s0 =	simm.s32 @p2 $0x1  }
0x17: {  	s4 =	simm.s32 $0x1BF5;
	[smem:$0x3FBA] =	sst s0  }
0x18: {  	s0 =	sld [smem:$0x3F9D];
	_ =	swait.ge [sflag:s4], $0x0  }
0x19: {  	s7 =	sld [smem:$0x3F9E]  }
0x1a: {  	s8 =	sadd.s32 $0xFFFFE003, lr  }
0x1b: {  	s9 =	sadd.s32 $0xFFFFFEF7, lr;
	s5 =	simm.s32 $0xFFFFFFFF;
	p2 =	slt.u32 s8, $0xFFFFF086  }
0x1c: {  	p1 =	slt.u32 s9, $0xF7A;
	s5 =	simm.s32 @!p2 $0x0  }
0x1d: {  	s5 =	simm.s32 @p1 $0x1;
	p0 =	seq.s32 s7, s2  }
0x1e: {  	s7 =	smul.u32 @!p0 $0xF7A, s2;
	p2 =	seq.s32 @!p0 s5, $0x0  }
0x1f: {  	s9 =	smul.u32 $0xF7A, s1;
	s8 =	simm.s32 @!p0 $0x1BF5;
	p2 =	por !p2, p0  }
0x20: {  	[sflag:s8] =	ssyncset.s32 @!p0 $0xFFFFF086;
	s6 =	sadd.s32 @!p0 s3, s7;
	s7 =	simm.s32 @!p0 $0x108  }
0x21: {  	s3 =	sadd.s32 s3, s9;
	s6 =	sadd.s32 @!p0 $0x88, s6;
	s7 =	simm.s32 @p2 $0x1082  }
0x22: {  	[simem:s7], [sflag:s8] =	dma.local @!p0 [hbm:s6], $0xF7A  }
0x23: {  	s9 =	sor.u32 $0xD0000000, s2;
	s6 =	simm.s32 $0x108;
	_ =	swait.ge @!p0 [sflag:s8], $0x0  }
0x24: {  	s3 =	sadd.s32 $0x88, s3;
	s6 =	simm.s32 @!p1 $0x1082;
	[sflag:s4] =	ssyncset.s32 $0xFFFFF086  }
0x25: {  	[simem:s6], [sflag:s4] =	dma.local [hbm:s3], $0xF7A  }
0x26: {  	[smem:$0x3F9E] =	sst s1;
	(tag) =	ssettag s2;
	_ =	strace s9  }
0x27: {  	s1 =	sld [smem:$0x3FAE]  }
0x28: {  	s2 =	sld [smem:$0x3FAF]  }
0x29: {  	s4 =	sld [smem:$0x3FB1]  }
0x2a: {  	p0 =	seq.s32 s5, $0x0;
	s5 =	sld [smem:$0x3FB2]  }
0x2b: {  	s6 =	sld [smem:$0x3FB3]  }
0x2c: {  	s7 =	sld [smem:$0x3FB4]  }
0x2d: {  	s3 =	simm.s32 $0x108;
	s8 =	sld [smem:$0x3FB5]  }
0x2e: {  	s3 =	simm.s32 @!p0 $0x1082;
	s9 =	sld [smem:$0x3FB6]  }
0x2f: {  	lr =	sadd.s32 s0, s3;
	s0 =	sld [smem:$0x3FAD]  }
0x30: {  	s3 =	sld [smem:$0x3FB0]  }
0x31: {  	[smem:$0x3FB9] =	sst s10  }
0x32: {  	s10 =	sld [smem:$0x3FB7];
	_ =	sdelay $0x3  }
0x33: {  	p0 =	seq.s32 s10, $0x1;
	s10 =	sld [smem:$0x3FB9];
	_ =	sdelay $0x3  }
0x34: {  	[smem:$0x3FB9] =	sst s10  }
0x35: {  	s10 =	sld [smem:$0x3FB8];
	_ =	sdelay $0x3  }
0x36: {  	p1 =	seq.s32 s10, $0x1;
	s10 =	sld [smem:$0x3FB9];
	_ =	sdelay $0x3  }
0x37: {  	[smem:$0x3FB9] =	sst s10  }
0x38: {  	s10 =	sld [smem:$0x3FBA]  }
0x39: {  	_ = 	snop;
	(pc) =	sbr.ind lr, $3  }
0x3a: {  	_ = 	snop  }
0x3b: {  	_ = 	snop  }
0x3c: {  	p2 =	seq.s32 s10, $0x1;
	s10 =	sld [smem:$0x3FB9]  }
0x3d: {  	_ =	shalt  }
0x3e: {  	_ =	shalt  }
0x3f: {  	_ =	shalt  }
0x40: {  	_ =	shalt  }
0x41: {  	_ =	shalt  }
0x42: {  	_ =	shalt  }
0x43: {  	_ =	shalt  }
0x44: {  	_ =	shalt  }
0x45: {  	_ =	shalt  }
0x46: {  	_ =	shalt  }
0x47: {  	_ =	shalt  }
0x48: {  	_ =	shalt  }
0x49: {  	_ =	shalt  }
0x4a: {  	_ =	shalt  }
0x4b: {  	_ =	shalt  }
0x4c: {  	_ =	shalt  }
0x4d: {  	_ =	shalt  }
0x4e: {  	_ =	shalt  }
0x4f: {  	_ =	shalt  }
0x50: {  	_ =	shalt  }
0x51: {  	_ =	shalt  }
0x52: {  	_ =	shalt  }
0x53: {  	_ =	shalt  }
0x54: {  	_ =	shalt  }
0x55: {  	_ =	shalt  }
0x56: {  	_ =	shalt  }
0x57: {  	_ =	shalt  }
0x58: {  	_ =	shalt  }
0x59: {  	_ =	shalt  }
0x5a: {  	_ =	shalt  }
0x5b: {  	_ =	shalt  }
0x5c: {  	_ =	shalt  }
0x5d: {  	_ =	shalt  }
0x5e: {  	_ =	shalt  }
0x5f: {  	_ =	shalt  }
0x60: {  	_ =	shalt  }
0x61: {  	_ =	shalt  }
0x62: {  	_ =	shalt  }
0x63: {  	_ =	shalt  }
0x64: {  	_ =	shalt  }
0x65: {  	_ =	shalt  }
0x66: {  	_ =	shalt  }
0x67: {  	_ =	shalt  }
0x68: {  	_ =	shalt  }
0x69: {  	_ =	shalt  }
0x6a: {  	_ =	shalt  }
0x6b: {  	_ =	shalt  }
0x6c: {  	_ =	shalt  }
0x6d: {  	_ =	shalt  }
0x6e: {  	_ =	shalt  }
0x6f: {  	_ =	shalt  }
0x70: {  	_ =	shalt  }
0x71: {  	_ =	shalt  }
0x72: {  	_ =	shalt  }
0x73: {  	_ =	shalt  }
0x74: {  	_ =	shalt  }
0x75: {  	_ =	shalt  }
0x76: {  	_ =	shalt  }
0x77: {  	_ =	shalt  }
0x78: {  	_ =	shalt  }
0x79: {  	_ =	shalt  }
0x7a: {  	_ =	shalt  }
0x7b: {  	_ =	shalt  }
0x7c: {  	_ =	shalt  }
0x7d: {  	_ =	shalt  }
0x7e: {  	_ =	shalt  }
0x7f: {  	_ =	shalt  }
0x80: {  	_ =	shalt  }
0x81: {  	_ =	shalt  }
0x82: {  	_ =	shalt  }
0x83: {  	_ =	shalt  }
0x84: {  	_ =	shalt  }
0x85: {  	_ =	shalt  }
0x86: {  	_ =	shalt  }
0x87: {  	_ =	shalt  }
.Lfunc_end0:
.L_simem_size_0:
called_computation_lowered:
.L_overlay_start_0:
0x88: {  	s2 =	sld [smem:$0x3FD9]  }
0x89: {  	s3 =	sld [smem:$0x3FFE];
	_ =	sdelay $0x1  }
0x8a: {  	s1 =	srdreg.scid  }
0x8b: {  	s0 =	sand.u32 $0x1, s1  }
0x8c: {  	s14 =	sshll.u32 s0, $0xA;
	s2 =	sadd.s32 s3, s2  }
0x8d: {  	s2 =	sadd.s32 s2, s14  }
0x8e: {  	[smem:$0x3FC5] =	sst s2  }
0x8f: {  	_ = 	snop  }
0x90: {  	s2 =	sld [smem:$0x3FD0];
	_ =	sdelay $0x2  }
0x91: {  	s15 =	simm.s32 $0xA;
	s4 =	simm.s32 $0x10  }
0x92: {  	[smem:s4], [sflag:s15] =	dma.local [hbm:s2], $0x1  }
0x93: {  	_ =	swait.eq [sflag:s15], $0x1  }
0x94: {  	[sflag:s15] =	ssyncset.done $0x0  }
0x95: {  	s16 =	sld [smem:$0x10];
	[sflag:s15] =	ssyncadd.s32 $0xFFFFFFFF  }
0x96: {  	s17 =	sld [smem:$0x11];
	(tm) =	ssettm $0x1  }
0x97: {  	s18 =	sld [smem:$0x3FFB];
	_ =	sdelay $0x3  }
0x98: {  	_ =	strace s18  }
0x99: {  	s4 =	sld [smem:$0x3FFC];
	_ =	sdelay $0x3  }
0x9a: {  	_ =	strace s4  }
0x9b: {  	s4 =	sld [smem:$0x3FFD];
	_ =	sdelay $0x3  }
0x9c: {  	_ =	strace s4  }
0x9d: {  	_ =	strace $0x8FFFFFFF  }
0x9e: {  	s19 =	sld [smem:$0x3FDB];
	_ =	sdelay $0x1  }
0x9f: {  	s5 =	simm.s32 $_scs_section_size  }
0xa0: {  	s6 =	simm.s32 $_size__tile_overlayer_lowered;
	s7 =	simm.s32 $_tile_overlayer_lowered  }
0xa1: {  	s22 =	simm.s32 $0x1BFF;
	s21 =	sshll.u32 s7, $0x1;
	s4 =	sadd.s32 s5, s19  }
0xa2: {  	s8 =	simm.s32 $0x0;
	s20 =	sshll.u32 s6, $0x1;
	s6 =	sadd.s32 s21, s4  }
0xa3: {  	[timem:s8], [sflag:s22] =	dma.local [hbm:s6], s20  }
0xa4: {  	_ =	swait.ge [sflag:s22], s20  }
0xa5: {  	s5 =	ssub.s32 $0x0, s20;
	[sflag:s22] =	ssyncset.done $0x0  }
0xa6: {  	[sflag:s22] =	ssyncadd.s32 s5;
	_ =	sdelay $0x1  }
0xa7: {  	s23 =	simm.s32 $0x1B8B  }
0xa8: {  	_ =	swait.ge [sflag:s23], $0x1  }
0xa9: {  	[sflag:s23] =	ssyncset.done $0x0  }
0xaa: {  	s25 =	simm.s32 $0x1B8E;
	s24 =	sld [smem:$0x3FFE];
	[sflag:s23] =	ssyncadd.s32 $0xFFFFFFFF  }
0xab: {  	s26 =	simm.s32 $execute0_lowered;
	[smem:$0x3FD2] =	sst s25  }
0xac: {  	s6 =	sshll.u32 s26, $0x1;
	_ =	strace $0x80000046;
	[dreg:$0x1] =	wrdreg $0xFFFFFFFF  }
0xad: {  	s28 =	simm.s32 $_size_execute0_lowered;
	s4 =	sadd.s32 s4, s6;
	[dreg:$0x0] =	wrdreg $0x0  }
0xae: {  	s6 =	sshll.u32 s28, $0x1;
	[dreg:$0x2] =	wrdreg s4  }
0xaf: {  	[dreg:$0x3] =	wrdreg s6  }
0xb0: {  	[dreg:$0x4] =	wrdreg $0xC0  }
0xb1: {  	_ =	task [dreg:s8], $0x5FFFF  }
0xb2: {  	[dreg:$0x1] =	wrdreg $0xFFFFFFFF  }
0xb3: {  	[dreg:$0x0] =	wrdreg $0x60  }
0xb4: {  	[dreg:$0x2] =	wrdreg s24  }
0xb5: {  	[dreg:$0x3] =	wrdreg s17  }
0xb6: {  	[dreg:$0x4] =	wrdreg s16  }
0xb7: {  	[dreg:$0x5] =	wrdreg $0xDA000  }
0xb8: {  	[dreg:$0x6] =	wrdreg $0x9  }
0xb9: {  	_ =	task.clear_ibuf [dreg:s8], $0x7FFFF;
	_ =	strace $0x90000046  }
0xba: {  	s29 =	simm.s32 $0x9;
	_ =	strace $0x80000048  }
0xbb: {  	_ =	swait.ge [sflag:s29], $0x1  }
0xbc: {  	[sflag:s29] =	ssyncadd.s32 $0xFFFFFFFF  }
0xbd: {  	_ =	strace $0x90000048  }
0xbe: {  	_ =	sfence  }
0xbf: {  	s30 =	sld [smem:$0x0];
	_ =	sdelay $0x2  }
0xc0: {  	s31 =	sshll.u32 s1, $0xD;
	s1 =	sshrl.u32 s1, $0x2  }
0xc1: {  	s3 =	sand.u32 $0x4000, s31;
	s1 =	sadd.s32 s1, s30  }
0xc2: {  	s0 =	sor.u32 s3, s0;
	s1 =	sshll.u32 s1, $0x11  }
0xc3: {  	s0 =	sor.u32 s1, s0  }
0xc4: {  	s0 =	sadd.s32 $0x8F2B, s0  }
0xc5: {  	[sflag:s0] =	ssyncadd.remote.s32 $0x1  }
0xc6: {  	_ =	sfence.sel $0xFFFF  }
0xc7: {  	[dreg:$0x0] =	wrdreg $0xFFFFFFFF;
	(pc) =	sbr.abs _section_cstart, $3  }
0xc8: {  	[dreg:$0x1] =	wrdreg $0xFFFFFFFF  }
0xc9: {  	_ =	task.clear_ibuf [dreg:s8], $0x2FFFF;
	_ =	strace $0x9FFFFFFF  }
0xca: {  	(tm) =	ssettm $0x7FFFFFFF  }
0xcb: {  	_ =	shalt  }
tec
execute0_lowered:
.L_overlay_start_1:
0x0: {  	(tag) =	ssettag $0x1  }
0x1: {  	s5 =	rddreg [dreg:$0x0]  }
0x2: {  	s7 =	rddreg [dreg:$0x1]  }
0x3: {  	s0 =	srdreg.scid;
	s2 =	rddreg [dreg:$0x2]  }
0x4: {  	s3 =	rddreg [dreg:$0x3];
	s1 =	stileid.u32;
	s4 =	simm.s32 $0x0  }
0x5: {  	s14 =	simm.s32 $0xC400;
	s15 =	simm.s32 $0x80;
	s16 =	simm.s32 $0x100  }
0x6: {  	s17 =	simm.s32 $0x1;
	s10 =	sand.u32 $0x1, s0;
	s0 =	rddreg [dreg:$0x4]  }
0x7: {  	s18 =	simm.s32 $0xCC00;
	s19 =	simm.s32 $0x0;
	[smem:$0x7FF] =	sst s4  }
0x8: {  	s9 =	smul.u32 $0x6200, s1;
	s31 =	sshll.u32 s1, $0x6;
	s6 =	sshll.u32 s10, $0x4  }
0x9: {  	s8 =	ssub.s32 $0x2, s10;
	s10 =	smul.u32 $0x6200, s10;
	s6 =	sor.u32 s1, s6  }
0xa: {  	_ =	strace $0x80000047;
	s29 =	sshrl.u32 s8, $0x1;
	s6 =	smul.u32 $0x1880, s6  }
0xb: {  	s30 =	sshrl.u32 s9, $0x3;
	s13 =	sadd.s32 s9, s3;
	s12 =	ssub.s32 s8, s29  }
0xc: {  	s7 =	sadd.s32 s7, s30;
	s8 =	sor.u32 $0x1C02, s31;
	s11 =	sadd.s32 s6, s5  }
0xd: {  	s5 =	sadd.s32 $0x63800, s5;
	s6 =	smul.u32 $0x620, s1;
	s9 =	sadd.s32 $0x32800, s11  }
0xe: {  	s11 =	smax.u32 s12, $0x1;
	s12 =	sshrl.u32 s13, $0x3;
	s13 =	simm.s32 $0x2  }
.LBB2_1:
0xf: {  	[spmem:s12], [sflag:s8] =	dma.local [hbm:s7], $0xC40  }
0x10: {  	_ =	swait.ge [sflag:s13], $0xC40  }
0x11: {  	[sflag:s13] =	ssyncset.done $0x0  }
0x12: {  	[sflag:s13] =	ssyncadd.s32 $0xFFFFF3C0  }
0x13: {  	[tilespmem:s14], [sflag:$0x2] =	stream.linear.gather [hbm4b:s5+s4], $0x800, $0x38;
	[tilespmem:$0x13C00] =	vst v63  }
0x14: {  	_ =	swait.ge [sflag:s13], $0x800  }
0x15: {  	[sflag:s13] =	ssyncset.done $0x0  }
0x16: {  	[sflag:s13] =	ssyncadd.s32 $0xFFFFF800  }
0x17: {  	[tilespmem:s4], [sflag:$0x2] =	stream.linear.gather [hbm4b:s9+s4], $0xC400, $0x38;
	[tilespmem:$0x13C00] =	vst v63  }
0x18: {  	_ =	swait.ge [sflag:s13], $0xC400  }
0x19: {  	[sflag:s13] =	ssyncset.done $0x0  }
0x1a: {  	[sflag:s13] =	ssyncadd.s32 $0xFFFF3C00  }
0x1b: {  	[bflag:$0x0] =	sbarrier.arrive $0xFFFF  }
0x1c: {  	[spmem:s3] =	stream.indirect.scatter.add.f32 [tilespmem:s14], [sflag:$0x1], $0x10, s4, s15, $0xb8;
	[tilespmem:$0x13C00] =	vst v63  }
0x1d: {  	_ = 	snop  }
0x1e: {  	[spmem:s3] =	stream.indirect.scatter.add.f32 [tilespmem:s14], [sflag:$0x1], $0x10, s15, s15, $0xb8;
	[tilespmem:$0x13C00] =	vst v63  }
0x1f: {  	_ = 	snop  }
0x20: {  	[spmem:s3] =	stream.indirect.scatter.add.f32 [tilespmem:s14], [sflag:$0x1], $0x10, s16, s15, $0xb8;
	[tilespmem:$0x13C00] =	vst v63  }
0x21: {  	s20 =	simm.s32 $0x180  }
0x22: {  	[spmem:s3] =	stream.indirect.scatter.add.f32 [tilespmem:s14], [sflag:$0x1], $0x10, s20, s15, $0xb8;
	[tilespmem:$0x13C00] =	vst v63  }
0x23: {  	_ =	swait.ge [sflag:s17], $0x800  }
0x24: {  	s20 =	simm.s32 $0x800;
	[sflag:s17] =	ssyncset.done $0x0  }
.LBB2_2:
0x25: {  	s21 =	sshra.s32 s20, $0x2;
	[sflag:s17] =	ssyncadd.s32 $0xFFFFF800;
	p0 =	sne.s32 s20, $0x30E00  }
0x26: {  	[spmem:s3] =	stream.indirect.scatter.add.f32 [tilespmem:s14], [sflag:$0x1], $0x10, s21, s15, $0xb8;
	[tilespmem:$0x13C00] =	vst v63  }
.Ltmp0:
0x27: {  	_ = 	snop;
	(pc) =	sbr.rel @p0 .LBB2_2-.Ltmp0, $4  }
0x28: {  	_ = 	snop  }
0x29: {  	s20 =	sadd.s32 $0x200, s20  }
0x2a: {  	_ =	swait.ge [sflag:s17], $0x800  }
0x2b: {  	[sflag:s17] =	ssyncset.done $0x0  }
0x2c: {  	[sflag:s17] =	ssyncadd.s32 $0xFFFFF800  }
0x2d: {  	_ =	swait.ge [sflag:s17], $0x800  }
0x2e: {  	[sflag:s17] =	ssyncset.done $0x0  }
0x2f: {  	[sflag:s17] =	ssyncadd.s32 $0xFFFFF800  }
0x30: {  	_ =	swait.ge [sflag:s17], $0x800  }
0x31: {  	[sflag:s17] =	ssyncset.done $0x0  }
0x32: {  	[sflag:s17] =	ssyncadd.s32 $0xFFFFF800  }
0x33: {  	_ =	swait.ge [sflag:s17], $0x800  }
0x34: {  	[sflag:s17] =	ssyncset.done $0x0  }
0x35: {  	[sflag:s17] =	ssyncadd.s32 $0xFFFFF800  }
0x36: {  	s20 =	simm.s32 $0x0;
	[bflag:$0x0] =	sbarrier.arrive $0xFFFF  }
.LBB2_4:
0x37: {  	s21 =	smul.u32 $0xE0, s20;
	_ =	sdelay $0x1  }
0x38: {  	s21 =	sadd.s32 s6, s21  }
0x39: {  	s22 =	sshll.u32 s21, $0x4  }
0x3a: {  	s22 =	sand.u32 $0x3FFFFFF0, s22  }
0x3b: {  	s22 =	sadd.s32 s22, s3  }
0x3c: {  	[tilespmem:s18], [sflag:$0x2] =	stream.linear.gather [spmem:s22], $0xE00, $0x38;
	[tilespmem:$0x13C00] =	vst v63  }
0x3d: {  	_ =	swait.ge [sflag:s13], $0xE00  }
0x3e: {  	[sflag:s13] =	ssyncset.done $0x0  }
0x3f: {  	s23 =	simm.s32 $0x40;
	s22 =	simm.s32 $0x0;
	[sflag:s13] =	ssyncadd.s32 $0xFFFFF200  }
.LBB2_5:
0x40: {  	p0 =	sne.s32 s23, $0x37C0;
	v0 =	vld [tilespmem:s22+$0xCC00];
	_ =	sdelay $0x4  }
0x41: {  	v1 =	vshrl.u32 v0, $0x1;
	v0 =	vmul.f32 $5.000000000e-01, v0  }
0x42: {  	v1 =	vsub.s32 $0x5F3759DF, v1  }
0x43: {  	v2 =	vmul.f32 v1, v0;
	_ =	sdelay $0x1  }
0x44: {  	v2 =	vmul.f32 v1, v2;
	_ =	sdelay $0x1  }
0x45: {  	v2 =	vsub.f32 $1.500000000e+00, v2;
	_ =	sdelay $0x1  }
0x46: {  	v1 =	vmul.f32 v1, v2;
	_ =	sdelay $0x1  }
0x47: {  	v2 =	vmul.f32 v1, v0;
	_ =	sdelay $0x1  }
0x48: {  	v2 =	vmul.f32 v2, v1;
	_ =	sdelay $0x1  }
0x49: {  	v2 =	vsub.f32 $1.500000000e+00, v2;
	_ =	sdelay $0x1  }
0x4a: {  	v1 =	vmul.f32 v2, v1;
	_ =	sdelay $0x1  }
0x4b: {  	v0 =	vmul.f32 v1, v0;
	_ =	sdelay $0x1  }
0x4c: {  	v0 =	vmul.f32 v0, v1;
	_ =	sdelay $0x1  }
.Ltmp1:
0x4d: {  	v0 =	vsub.f32 $1.500000000e+00, v0;
	(pc) =	sbr.rel @p0 .LBB2_5-.Ltmp1, $3  }
0x4e: {  	_ = 	snop  }
0x4f: {  	v0 =	vmul.f32 v0, v1;
	_ =	sdelay $0x1  }
0x50: {  	[tilespmem:s22+$0xCC00] =	vst v0;
	s22 =	sshra.s32 s23, $0x2;
	s23 =	sadd.s32 $0x40, s23  }
0x51: {  	v0 =	vld [tilespmem:s22+$0xCC00];
	_ =	sdelay $0x4  }
0x52: {  	v1 =	vshrl.u32 v0, $0x1;
	v0 =	vmul.f32 $5.000000000e-01, v0  }
0x53: {  	v1 =	vsub.s32 $0x5F3759DF, v1  }
0x54: {  	v2 =	vmul.f32 v1, v0;
	_ =	sdelay $0x1  }
0x55: {  	v2 =	vmul.f32 v1, v2;
	_ =	sdelay $0x1  }
0x56: {  	v2 =	vsub.f32 $1.500000000e+00, v2;
	_ =	sdelay $0x1  }
0x57: {  	v1 =	vmul.f32 v1, v2;
	_ =	sdelay $0x1  }
0x58: {  	v2 =	vmul.f32 v1, v0;
	_ =	sdelay $0x1  }
0x59: {  	v2 =	vmul.f32 v2, v1;
	_ =	sdelay $0x1  }
0x5a: {  	v2 =	vsub.f32 $1.500000000e+00, v2;
	_ =	sdelay $0x1  }
0x5b: {  	v1 =	vmul.f32 v2, v1;
	_ =	sdelay $0x1  }
0x5c: {  	v0 =	vmul.f32 v1, v0;
	_ =	sdelay $0x1  }
0x5d: {  	v0 =	vmul.f32 v0, v1;
	_ =	sdelay $0x1  }
0x5e: {  	v0 =	vsub.f32 $1.500000000e+00, v0;
	_ =	sdelay $0x1  }
0x5f: {  	s21 =	sadd.s32 s10, s21;
	s20 =	sadd.s32 $0x1, s20;
	v0 =	vmul.f32 v0, v1  }
0x60: {  	s21 =	sshll.u32 s21, $0x1;
	p0 =	sne.s32 s20, $0x7  }
.Ltmp2:
0x61: {  	s21 =	sadd.s32 s2, s21;
	[tilespmem:s22+$0xCC00] =	vst v0;
	(pc) =	sbr.rel @p0 .LBB2_4-.Ltmp2, $4  }
0x62: {  	[hbm4b:s21+s4] =	stream.linear.scatter [tilespmem:s18], [sflag:$0x2], $0xE00, $0x38;
	[tilespmem:$0x13C00] =	vst v63  }
0x63: {  	_ =	swait.ge [sflag:s13], $0xE00  }
0x64: {  	[sflag:s13] =	ssyncset.done $0x0  }
0x65: {  	[sflag:s13] =	ssyncadd.s32 $0xFFFFF200  }
0x66: {  	s19 =	sadd.s32 $0x1, s19  }
0x67: {  	p0 =	sne.s32 s19, s11  }
.Ltmp3:
0x68: {  	_ = 	snop;
	(pc) =	sbr.rel @p0 .LBB2_1-.Ltmp3, $1  }
0x69: {  	_ =	sdelay $0x3  }
0x6a: {  	_ =	sfence.sel $0x180000  }
0x6b: {  	[bflag:$0x0] =	sbarrier.arrive $0xFFFF  }
0x6c: {  	p0 =	sne.s32 s1, $0x0;
	_ =	strace $0x90000047  }
0x6d: {  	s0 =	sadd.s32 @!p0 $0x100000, s0;
	[bflag:$0x2] =	sbarrier.arrive $0xFFFF  }
0x6e: {  	[sflag:s0] =	ssyncadd.tile.s32 @!p0 $0x1;
	_ =	shalt  }
.Lfunc_end2:
_tile_overlayer_lowered:
.L_overlay_start_2:
0x6f: {  	(tag) =	ssettag $0x2  }
0x70: {  	s0 =	rddreg [dreg:$0x0];
	s2 =	stileid.u32  }
0x71: {  	s1 =	rddreg [dreg:$0x1];
	p0 =	sne.s32 s2, $0x0  }
0x72: {  	s3 =	rddreg [dreg:$0x2];
	[bflag:$0x3] =	sbarrier.arrive $0xFFFF;
	s2 =	simm.s32 @!p0 $0x1C02  }
0x73: {  	[timem:s3], [sflag:s2] =	dma.local @!p0 [hbm:s0], s1  }
0x74: {  	s0 =	simm.s32 @!p0 $0x2  }
0x75: {  	_ =	swait.ge @!p0 [sflag:s0], s1  }
0x76: {  	s1 =	ssub.s32 @!p0 $0x0, s1;
	[sflag:s0] =	ssyncset.done @!p0 $0x0  }
0x77: {  	[sflag:s0] =	ssyncadd.s32 @!p0 s1  }
0x78: {  	[bflag:$0x3] =	sbarrier.arrive $0xFFFF  }
0x79: {  	_ =	shalt  }

</sc_bundles>
